<compile_context>
chip_gen: v7x
topology: tpu7x:2x2x1
jax: 0.10.2.dev20260603
libtpu: 0.0.44.dev20260713+nightly
codegen_flags: <defaults>
</compile_context>

<pallas_src>
import functools

import jax
import jax.numpy as jnp
import numpy as np
from jax import lax
from jax.experimental import pallas as pl
from jax.experimental.pallas import tpu as pltpu
from jax.experimental.pallas import tpu_sc as plsc

_LANES = 16
_CHUNK = 128
_MAXLEN = 2048


@functools.lru_cache(maxsize=None)
def _padder(nbatch, maxlen, total, d):
    info = plsc.get_sparse_core_info()
    nc, ns = info.num_cores, info.num_subcores
    nw = nc * ns
    out_rows = nbatch * maxlen
    assert out_rows % nw == 0
    rpw = out_rows // nw
    assert maxlen % rpw == 0 and rpw % _CHUNK == 0
    wpb = maxlen // rpw
    nchunks = rpw // _CHUNK
    mesh = plsc.VectorSubcoreMesh(core_axis_name="c", subcore_axis_name="s")

    @functools.partial(
        pl.kernel,
        mesh=mesh,
        out_type=jax.ShapeDtypeStruct((nbatch, maxlen, d), jnp.float32),
        compiler_params=pltpu.CompilerParams(needs_layout_passes=False),
        scratch_types=[
            pltpu.VMEM((_LANES,), jnp.int32),
            pltpu.VMEM((nchunks, _CHUNK), jnp.int32),
            pltpu.VMEM((nchunks, _CHUNK, d), jnp.float32),
            pltpu.VMEM((_CHUNK, d), jnp.float32),
            pltpu.SemaphoreType.DMA((nchunks,)),
            pltpu.SemaphoreType.DMA,
            pltpu.SemaphoreType.DMA,
        ],
    )
    def k(flat_hbm, cu_hbm, zero_hbm, out_hbm,
          cu_v, idx_v, rows_v, zbuf, isem, zsem, osem):
        wid = lax.axis_index("s") * nc + lax.axis_index("c")
        b = wid // wpb
        t0 = pl.multiple_of((wid % wpb) * rpw, _CHUNK)
        pltpu.sync_copy(cu_hbm, cu_v)
        cu_vec = cu_v[...]
        iota = lax.iota(jnp.int32, _LANES)

        def lane_scalar(i):
            return jnp.sum(jnp.where(iota == i, cu_vec, 0))

        start = lane_scalar(b)
        length = lane_scalar(b + 1) - start
        nv = jnp.clip(length - t0, 0, rpw)
        aligned = start % 8 == 0
        fast_cs = [(nv >= (c + 1) * _CHUNK) & aligned for c in range(nchunks)]
        has_pad = nv < rpw

        @pl.when(has_pad)
        def _zstage():
            pltpu.async_copy(zero_hbm, zbuf, zsem)

        for c in range(nchunks):
            c0 = c * _CHUNK

            @pl.when(fast_cs[c])
            def _full():
                src = pl.multiple_of((start // 8) * 8 + t0 + c0, 8)
                pltpu.async_copy(
                    flat_hbm.at[pl.ds(src, _CHUNK)], rows_v.at[c], isem.at[c]
                )

            @pl.when(~fast_cs[c] & (nv > c0))
            def _gather():
                for j in range(_CHUNK // _LANES):
                    t = t0 + c0 + j * _LANES + iota
                    idx = jnp.clip(jnp.where(t < length, start + t, 0), 0, total - 1)
                    idx_v[c, pl.ds(j * _LANES, _LANES)] = idx
                pltpu.async_copy(flat_hbm.at[idx_v.at[c]], rows_v.at[c], isem.at[c])

        @pl.when(has_pad)
        def _zwait():
            pltpu.make_async_copy(zero_hbm, zbuf, zsem).wait()

        for c in range(nchunks):
            c0 = c * _CHUNK
            dst = out_hbm.at[b, pl.ds(t0 + c0, _CHUNK)]

            @pl.when(nv > c0)
            def _wait_in():
                pltpu.make_async_copy(
                    flat_hbm.at[pl.ds(0, _CHUNK)], rows_v.at[c], isem.at[c]
                ).wait()

            @pl.when(~fast_cs[c] & (nv > c0))
            def _mask_tail():
                def body(row, carry):
                    for g in range(d // _LANES):
                        rows_v[c, row, pl.ds(g * _LANES, _LANES)] = jnp.zeros(
                            (_LANES,), jnp.float32
                        )
                    return carry

                lax.fori_loop(jnp.maximum(nv - c0, 0), _CHUNK, body, 0)

            @pl.when(nv > c0)
            def _data():
                pltpu.async_copy(rows_v.at[c], dst, osem)

            @pl.when(nv <= c0)
            def _pad():
                pltpu.async_copy(zbuf, dst, osem)

        for c in range(nchunks):
            pltpu.make_async_copy(zero_hbm, zbuf, osem).wait()

    return k


def kernel(flat, cu_seqlens, maxlen):
    total, d = flat.shape
    nbatch = cu_seqlens.shape[0] - 1
    del maxlen
    zero_block = np.zeros((_CHUNK, d), np.float32)
    cu_pad = jnp.zeros((_LANES,), jnp.int32).at[: nbatch + 1].set(cu_seqlens)
    padded = _padder(nbatch, _MAXLEN, total, d)(flat, cu_pad, zero_block)
    lengths = cu_seqlens[1:] - cu_seqlens[:-1]
    return padded, lengths

# --- scband reference (transcript-rebuilt; emitter-appended) ---
"""Pipeline reference for scband-time-embedding-68255620268397 (READ-ONLY COPY).

The authoritative reference and input builder live on the scoring server;
editing this copy changes nothing except your own understanding.
"""

import jax, jax.numpy as jnp
import numpy as np

B = 8
MAXLEN = 2048
D = 128
# fixed ragged lengths summing to total_tokens = 8192 (= B*MAXLEN/2)
_LENGTHS = np.array([2048, 1536, 1024, 896, 768, 640, 512, 768], dtype=np.int32)
assert int(_LENGTHS.sum()) == 8192


def setup_inputs(seed: int = 0) -> dict:
    key = jax.random.key(seed)
    cu = np.concatenate([np.zeros(1, np.int32), np.cumsum(_LENGTHS).astype(np.int32)])
    total = int(cu[-1])
    flat = jax.random.normal(key, (total, D), dtype=jnp.float32)
    return {"flat": flat, "cu_seqlens": jnp.asarray(cu, dtype=jnp.int32), "maxlen": MAXLEN}


def reference(flat, cu_seqlens, maxlen):
    # Faithful jax version of TimeEmbedding.forward: take ragged batch of
    # time-embedding vectors (given flat + cu_seqlens instead of python lists),
    # zero-pad / truncate each sequence to maxlen, return (padded, seq_lengths).
    nbatch = cu_seqlens.shape[0] - 1
    total = flat.shape[0]
    lengths = cu_seqlens[1:] - cu_seqlens[:-1]
    tok = jnp.arange(total, dtype=jnp.int32)
    # segment id of each flat token, and its position within its sequence
    seg = jnp.searchsorted(cu_seqlens[1:], tok, side='right').astype(jnp.int32)
    pos = tok - cu_seqlens[seg]
    # scatter tokens into padded [B, maxlen, D]; positions >= maxlen are truncated
    seg = jnp.where(pos < maxlen, seg, jnp.int32(nbatch))
    padded = jnp.zeros((nbatch, MAXLEN, flat.shape[1]), dtype=flat.dtype)
    padded = padded.at[seg, pos].set(flat, mode='drop')
    return (padded, lengths)

if __name__ == "__main__":
    import jax
    _d = setup_inputs()
    print(jax.jit(kernel)(*tuple(_d.values())))

</pallas_src>

<mosaic_0001>
#map = affine_map<(d0, d1) -> (0, 0)>
#map1 = affine_map<(d0, d1) -> (0)>
#map2 = affine_map<(d0, d1) -> (0, 0, 0)>
module attributes {stable_mosaic.version = 14 : i64} {
  func.func @k(%arg0: i32, %arg1: i32, %arg2: memref<8192x128xf32, #tpu.memory_space<hbm>>, %arg3: memref<16xi32, #tpu.memory_space<hbm>>, %arg4: memref<128x128xf32, #tpu.memory_space<hbm>>, %arg5: memref<8x2048x128xf32, #tpu.memory_space<hbm>>, %arg6: memref<16xi32, #tpu.memory_space<vmem>>, %arg7: memref<4x128xi32, #tpu.memory_space<vmem>>, %arg8: memref<4x128x128xf32, #tpu.memory_space<vmem>>, %arg9: memref<128x128xf32, #tpu.memory_space<vmem>>, %arg10: memref<4x!tpu.dma_semaphore, #tpu.memory_space<semaphore_mem>>, %arg11: memref<!tpu.dma_semaphore, #tpu.memory_space<semaphore_mem>>, %arg12: memref<!tpu.dma_semaphore, #tpu.memory_space<semaphore_mem>>) attributes {dimension_semantics = [#tpu.dimension_semantics<core_parallel>, #tpu.dimension_semantics<subcore_parallel>], iteration_bounds = array<i64: 2, 16>, scalar_prefetch = 0 : i64, scratch_operands = 7 : i64, tpu.core_type = #tpu.core_type<sc_vector_subcore>, window_params = [{transform_indices = #map}, {transform_indices = #map1}, {transform_indices = #map}, {transform_indices = #map2}]} {
    %mul3A = arith.constant 2 : i32
    %mul3A_0 = arith.muli %arg1, %mul3A : i32
    %add3A = arith.addi %mul3A_0, %arg0 : i32
    %jit3A = arith.constant 4 : i32
    %div3A = arith.divsi %add3A, %jit3A : i32
    %sign3A = arith.constant 0 : i32
    %sign3A_1 = arith.cmpi sgt, %add3A, %sign3A : i32
    %sign3A_2 = arith.extui %sign3A_1 : i1 to i32
    %sign3A_3 = arith.constant 0 : i32
    %sign3A_4 = arith.cmpi slt, %add3A, %sign3A_3 : i32
    %sign3A_5 = arith.extui %sign3A_4 : i1 to i32
    %sign3A_6 = arith.subi %sign3A_2, %sign3A_5 : i32
    %sign3A_7 = arith.constant 0 : i32
    %sign3A_8 = arith.cmpi sgt, %jit3A, %sign3A_7 : i32
    %sign3A_9 = arith.extui %sign3A_8 : i1 to i32
    %sign3A_10 = arith.constant 0 : i32
    %sign3A_11 = arith.cmpi slt, %jit3A, %sign3A_10 : i32
    %sign3A_12 = arith.extui %sign3A_11 : i1 to i32
    %sign3A_13 = arith.subi %sign3A_9, %sign3A_12 : i32
    %ne3A = arith.cmpi ne, %sign3A_6, %sign3A_13 : i32
    %rem3A = arith.remsi %add3A, %jit3A : i32
    %ne3A_14 = arith.constant 0 : i32
    %ne3A_15 = arith.cmpi ne, %rem3A, %ne3A_14 : i32
    %and3A = arith.andi %ne3A, %ne3A_15 : i1
    %sub3A = arith.constant 1 : i32
    %sub3A_16 = arith.subi %div3A, %sub3A : i32
    %select_n3A = arith.select %and3A, %sub3A_16, %div3A : i32
    %jit3A_17 = arith.constant 4 : i32
    %eq3A = arith.constant 0 : i32
    %eq3A_18 = arith.cmpi eq, %jit3A_17, %eq3A : i32
    %jit3A_19 = arith.constant 1 : i32
    %select_n3A_20 = arith.select %eq3A_18, %jit3A_19, %jit3A_17 : i32
    %rem3A_21 = arith.remsi %add3A, %select_n3A_20 : i32
    %ne3A_22 = arith.constant 0 : i32
    %ne3A_23 = arith.cmpi ne, %rem3A_21, %ne3A_22 : i32
    %lt3A = arith.constant 0 : i32
    %lt3A_24 = arith.cmpi slt, %rem3A_21, %lt3A : i32
    %lt3A_25 = arith.constant 0 : i32
    %lt3A_26 = arith.cmpi slt, %select_n3A_20, %lt3A_25 : i32
    %ne3A_27 = arith.xori %lt3A_24, %lt3A_26 : i1
    %and3A_28 = arith.andi %ne3A_27, %ne3A_23 : i1
    %add3A_29 = arith.addi %rem3A_21, %select_n3A_20 : i32
    %select_n3A_30 = arith.select %and3A_28, %add3A_29, %rem3A_21 : i32
    %mul3A_31 = arith.constant 512 : i32
    %mul3A_32 = arith.muli %select_n3A_30, %mul3A_31 : i32
    %multiple_of3A = tpu.assume_multiple %mul3A_32, 128 : i32
    "tpu.region"() ({
      %run_scoped3A = tpu.sem_alloc : memref<!tpu.dma_semaphore, #tpu.memory_space<semaphore_mem>>
      tpu.enqueue_dma source(%arg3 : memref<16xi32, #tpu.memory_space<hbm>>) target(%arg6 : memref<16xi32, #tpu.memory_space<vmem>>) target_semaphore(%run_scoped3A : memref<!tpu.dma_semaphore, #tpu.memory_space<semaphore_mem>>)
      tpu.wait_dma2 semaphore(%run_scoped3A : memref<!tpu.dma_semaphore, #tpu.memory_space<semaphore_mem>>) src(%arg3 : memref<16xi32, #tpu.memory_space<hbm>>) dst(%arg6 : memref<16xi32, #tpu.memory_space<vmem>>)
      tpu.yield
    }) : () -> ()
    %get3A = arith.constant 0 : index
    %get3A_33 = tpu.vector_load %arg6[%get3A] {strides = array<i32>} : memref<16xi32, #tpu.memory_space<vmem>>, vector<16xi32>,
    %iota3A = tpu.iota {dimensions = array<i32: 0>} : vector<16xi32>
    %eq3A_34 = vector.broadcast %select_n3A : i32 to vector<16xi32>
    %eq3A_35 = arith.cmpi eq, %iota3A, %eq3A_34 : vector<16xi32>
    %jit3A_36 = arith.constant 0 : i32
    %broadcast_in_dim3A = vector.broadcast %jit3A_36 : i32 to vector<16xi32>
    %select_n3A_37 = arith.select %eq3A_35, %get3A_33, %broadcast_in_dim3A : vector<16xi1>, vector<16xi32>
    %reduce_sum3A = arith.constant true
    %reduce_sum3A_38 = vector.broadcast %reduce_sum3A : i1 to vector<16xi1>
    %reduce_sum3A_39 = tpu.scan <sum>, %select_n3A_37 masked %reduce_sum3A_38 : vector<16xi32>, vector<16xi1> -> vector<16xi32>
    %reduce_sum3A_40 = vector.extract %reduce_sum3A_39[15] : i32 from vector<16xi32>
    %add3A_41 = arith.constant 1 : i32
    %add3A_42 = arith.addi %select_n3A, %add3A_41 : i32
    %eq3A_43 = vector.broadcast %add3A_42 : i32 to vector<16xi32>
    %eq3A_44 = arith.cmpi eq, %iota3A, %eq3A_43 : vector<16xi32>
    %jit3A_45 = arith.constant 0 : i32
    %broadcast_in_dim3A_46 = vector.broadcast %jit3A_45 : i32 to vector<16xi32>
    %select_n3A_47 = arith.select %eq3A_44, %get3A_33, %broadcast_in_dim3A_46 : vector<16xi1>, vector<16xi32>
    %reduce_sum3A_48 = arith.constant true
    %reduce_sum3A_49 = vector.broadcast %reduce_sum3A_48 : i1 to vector<16xi1>
    %reduce_sum3A_50 = tpu.scan <sum>, %select_n3A_47 masked %reduce_sum3A_49 : vector<16xi32>, vector<16xi1> -> vector<16xi32>
    %reduce_sum3A_51 = vector.extract %reduce_sum3A_50[15] : i32 from vector<16xi32>
    %sub3A_52 = arith.subi %reduce_sum3A_51, %reduce_sum3A_40 : i32
    %sub3A_53 = arith.subi %sub3A_52, %multiple_of3A : i32
    %jit3A_54 = arith.constant 0 : i32
    %jit3A_55 = arith.constant 512 : i32
    %max3A = arith.maxsi %jit3A_54, %sub3A_53 : i32
    %min3A = arith.minsi %jit3A_55, %max3A : i32
    %jit3A_56 = arith.constant 8 : i32
    %eq3A_57 = arith.constant 0 : i32
    %eq3A_58 = arith.cmpi eq, %jit3A_56, %eq3A_57 : i32
    %jit3A_59 = arith.constant 1 : i32
    %select_n3A_60 = arith.select %eq3A_58, %jit3A_59, %jit3A_56 : i32
    %rem3A_61 = arith.remsi %reduce_sum3A_40, %select_n3A_60 : i32
    %ne3A_62 = arith.constant 0 : i32
    %ne3A_63 = arith.cmpi ne, %rem3A_61, %ne3A_62 : i32
    %lt3A_64 = arith.constant 0 : i32
    %lt3A_65 = arith.cmpi slt, %rem3A_61, %lt3A_64 : i32
    %lt3A_66 = arith.constant 0 : i32
    %lt3A_67 = arith.cmpi slt, %select_n3A_60, %lt3A_66 : i32
    %ne3A_68 = arith.xori %lt3A_65, %lt3A_67 : i1
    %and3A_69 = arith.andi %ne3A_68, %ne3A_63 : i1
    %add3A_70 = arith.addi %rem3A_61, %select_n3A_60 : i32
    %select_n3A_71 = arith.select %and3A_69, %add3A_70, %rem3A_61 : i32
    %eq3A_72 = arith.constant 0 : i32
    %eq3A_73 = arith.cmpi eq, %select_n3A_71, %eq3A_72 : i32
    %ge3A = arith.constant 128 : i32
    %ge3A_74 = arith.cmpi sge, %min3A, %ge3A : i32
    %and3A_75 = arith.andi %ge3A_74, %eq3A_73 : i1
    %ge3A_76 = arith.constant 256 : i32
    %ge3A_77 = arith.cmpi sge, %min3A, %ge3A_76 : i32
    %and3A_78 = arith.andi %ge3A_77, %eq3A_73 : i1
    %ge3A_79 = arith.constant 384 : i32
    %ge3A_80 = arith.cmpi sge, %min3A, %ge3A_79 : i32
    %and3A_81 = arith.andi %ge3A_80, %eq3A_73 : i1
    %ge3A_82 = arith.constant 512 : i32
    %ge3A_83 = arith.cmpi sge, %min3A, %ge3A_82 : i32
    %and3A_84 = arith.andi %ge3A_83, %eq3A_73 : i1
    %lt3A_85 = arith.constant 512 : i32
    %lt3A_86 = arith.cmpi slt, %min3A, %lt3A_85 : i32
    %convert_element_type3A = arith.extui %lt3A_86 : i1 to i32
    %cond3A = arith.constant 0 : i32
    %cond3A_87 = arith.cmpi ne, %convert_element_type3A, %cond3A : i32
    scf.if %cond3A_87 {
      tpu.enqueue_dma source(%arg4 : memref<128x128xf32, #tpu.memory_space<hbm>>) target(%arg9 : memref<128x128xf32, #tpu.memory_space<vmem>>) target_semaphore(%arg11 : memref<!tpu.dma_semaphore, #tpu.memory_space<semaphore_mem>>)
    } else {
    }
    %convert_element_type3A_88 = arith.extui %and3A_75 : i1 to i32
    %cond3A_89 = arith.constant 0 : i32
    %cond3A_90 = arith.cmpi ne, %convert_element_type3A_88, %cond3A_89 : i32
    scf.if %cond3A_90 {
      %jit3A_232 = arith.constant 8 : i32
      %div3A_233 = arith.divsi %reduce_sum3A_40, %jit3A_232 : i32
      %sign3A_234 = arith.constant 0 : i32
      %sign3A_235 = arith.cmpi sgt, %reduce_sum3A_40, %sign3A_234 : i32
      %sign3A_236 = arith.extui %sign3A_235 : i1 to i32
      %sign3A_237 = arith.constant 0 : i32
      %sign3A_238 = arith.cmpi slt, %reduce_sum3A_40, %sign3A_237 : i32
      %sign3A_239 = arith.extui %sign3A_238 : i1 to i32
      %sign3A_240 = arith.subi %sign3A_236, %sign3A_239 : i32
      %sign3A_241 = arith.constant 0 : i32
      %sign3A_242 = arith.cmpi sgt, %jit3A_232, %sign3A_241 : i32
      %sign3A_243 = arith.extui %sign3A_242 : i1 to i32
      %sign3A_244 = arith.constant 0 : i32
      %sign3A_245 = arith.cmpi slt, %jit3A_232, %sign3A_244 : i32
      %sign3A_246 = arith.extui %sign3A_245 : i1 to i32
      %sign3A_247 = arith.subi %sign3A_243, %sign3A_246 : i32
      %ne3A_248 = arith.cmpi ne, %sign3A_240, %sign3A_247 : i32
      %rem3A_249 = arith.remsi %reduce_sum3A_40, %jit3A_232 : i32
      %ne3A_250 = arith.constant 0 : i32
      %ne3A_251 = arith.cmpi ne, %rem3A_249, %ne3A_250 : i32
      %and3A_252 = arith.andi %ne3A_248, %ne3A_251 : i1
      %sub3A_253 = arith.constant 1 : i32
      %sub3A_254 = arith.subi %div3A_233, %sub3A_253 : i32
      %select_n3A_255 = arith.select %and3A_252, %sub3A_254, %div3A_233 : i32
      %mul3A_256 = arith.constant 8 : i32
      %mul3A_257 = arith.muli %select_n3A_255, %mul3A_256 : i32
      %add3A_258 = arith.addi %mul3A_257, %multiple_of3A : i32
      %add3A_259 = arith.constant 0 : i32
      %add3A_260 = arith.addi %add3A_258, %add3A_259 : i32
      %multiple_of3A_261 = tpu.assume_multiple %add3A_260, 8 : i32
      %dma_start3A = arith.constant 0 : i32
      %dma_start3A_262 = arith.constant 0 : i32
      %dma_start3A_263 = arith.constant 0 : i32
      %dma_start3A_264 = arith.constant 0 : i32
      %dma_start3A_265 = tpu.memref_slice %arg8[%dma_start3A, %dma_start3A_263, %dma_start3A_264] : memref<4x128x128xf32, #tpu.memory_space<vmem>> -> memref<1x128x128xf32, #tpu.memory_space<vmem>>
      %dma_start3A_266 = tpu.memref_squeeze %dma_start3A_265 : memref<1x128x128xf32, #tpu.memory_space<vmem>> -> memref<128x128xf32, #tpu.memory_space<vmem>>
      %dma_start3A_267 = arith.constant 0 : i32
      %dma_start3A_268 = tpu.memref_slice %arg2[%multiple_of3A_261, %dma_start3A_267] : memref<8192x128xf32, #tpu.memory_space<hbm>> -> memref<128x128xf32, #tpu.memory_space<hbm>>
      %dma_start3A_269 = tpu.memref_slice %arg10[%dma_start3A_262] : memref<4x!tpu.dma_semaphore, #tpu.memory_space<semaphore_mem>> -> memref<1x!tpu.dma_semaphore, #tpu.memory_space<semaphore_mem>>
      %dma_start3A_270 = tpu.memref_squeeze %dma_start3A_269 : memref<1x!tpu.dma_semaphore, #tpu.memory_space<semaphore_mem>> -> memref<!tpu.dma_semaphore, #tpu.memory_space<semaphore_mem>>
      %dma_start3A_271 = arith.constant 0 : i32
      %dma_start3A_272 = arith.constant 0 : i32
      %dma_start3A_273 = tpu.memref_slice %arg8[%dma_start3A, %dma_start3A_271, %dma_start3A_272] : memref<4x128x128xf32, #tpu.memory_space<vmem>> -> memref<1x128x128xf32, #tpu.memory_space<vmem>>
      %dma_start3A_274 = tpu.memref_squeeze %dma_start3A_273 : memref<1x128x128xf32, #tpu.memory_space<vmem>> -> memref<128x128xf32, #tpu.memory_space<vmem>>
      %dma_start3A_275 = arith.constant 0 : i32
      %dma_start3A_276 = tpu.memref_slice %arg2[%multiple_of3A_261, %dma_start3A_275] : memref<8192x128xf32, #tpu.memory_space<hbm>> -> memref<128x128xf32, #tpu.memory_space<hbm>>
      tpu.enqueue_dma source(%dma_start3A_276 : memref<128x128xf32, #tpu.memory_space<hbm>>) target(%dma_start3A_274 : memref<128x128xf32, #tpu.memory_space<vmem>>) target_semaphore(%dma_start3A_270 : memref<!tpu.dma_semaphore, #tpu.memory_space<semaphore_mem>>)
    } else {
    }
    %not3A = arith.constant true
    %not3A_91 = arith.xori %and3A_75, %not3A : i1
    %gt3A = arith.constant 0 : i32
    %gt3A_92 = arith.cmpi sgt, %min3A, %gt3A : i32
    %and3A_93 = arith.andi %not3A_91, %gt3A_92 : i1
    %convert_element_type3A_94 = arith.extui %and3A_93 : i1 to i32
    %cond3A_95 = arith.constant 0 : i32
    %cond3A_96 = arith.cmpi ne, %convert_element_type3A_94, %cond3A_95 : i32
    scf.if %cond3A_96 {
      %add3A_232 = arith.constant 0 : i32
      %add3A_233 = arith.addi %multiple_of3A, %add3A_232 : i32
      %add3A_234 = arith.constant 0 : i32
      %add3A_235 = arith.addi %add3A_233, %add3A_234 : i32
      %add3A_236 = vector.broadcast %add3A_235 : i32 to vector<16xi32>
      %add3A_237 = arith.addi %add3A_236, %iota3A : vector<16xi32>
      %lt3A_238 = vector.broadcast %sub3A_52 : i32 to vector<16xi32>
      %lt3A_239 = arith.cmpi slt, %add3A_237, %lt3A_238 : vector<16xi32>
      %add3A_240 = vector.broadcast %reduce_sum3A_40 : i32 to vector<16xi32>
      %add3A_241 = arith.addi %add3A_240, %add3A_237 : vector<16xi32>
      %jit3A_242 = arith.constant 0 : i32
      %broadcast_in_dim3A_243 = vector.broadcast %jit3A_242 : i32 to vector<16xi32>
      %select_n3A_244 = arith.select %lt3A_239, %add3A_241, %broadcast_in_dim3A_243 : vector<16xi1>, vector<16xi32>
      %jit3A_245 = arith.constant 0 : i32
      %jit3A_246 = arith.constant 8191 : i32
      %max3A_247 = vector.broadcast %jit3A_245 : i32 to vector<16xi32>
      %max3A_248 = arith.maxsi %max3A_247, %select_n3A_244 : vector<16xi32>
      %min3A_249 = vector.broadcast %jit3A_246 : i32 to vector<16xi32>
      %min3A_250 = arith.minsi %min3A_249, %max3A_248 : vector<16xi32>
      %swap3A = arith.constant 0 : i32
      %swap3A_251 = arith.index_cast %swap3A : i32 to index
      %swap3A_252 = arith.constant 0 : index
      %swap3A_253 = tpu.vector_load %arg7[%swap3A_251, %swap3A_252] {strides = array<i32>} : memref<4x128xi32, #tpu.memory_space<vmem>>, vector<16xi32>,
      tpu.vector_store %arg7[%swap3A_251, %swap3A_252], %min3A_250 {strides = array<i32>} : memref<4x128xi32, #tpu.memory_space<vmem>>, vector<16xi32>,
      %add3A_254 = arith.constant 0 : i32
      %add3A_255 = arith.addi %multiple_of3A, %add3A_254 : i32
      %add3A_256 = arith.constant 16 : i32
      %add3A_257 = arith.addi %add3A_255, %add3A_256 : i32
      %add3A_258 = vector.broadcast %add3A_257 : i32 to vector<16xi32>
      %add3A_259 = arith.addi %add3A_258, %iota3A : vector<16xi32>
      %lt3A_260 = vector.broadcast %sub3A_52 : i32 to vector<16xi32>
      %lt3A_261 = arith.cmpi slt, %add3A_259, %lt3A_260 : vector<16xi32>
      %add3A_262 = vector.broadcast %reduce_sum3A_40 : i32 to vector<16xi32>
      %add3A_263 = arith.addi %add3A_262, %add3A_259 : vector<16xi32>
      %jit3A_264 = arith.constant 0 : i32
      %broadcast_in_dim3A_265 = vector.broadcast %jit3A_264 : i32 to vector<16xi32>
      %select_n3A_266 = arith.select %lt3A_261, %add3A_263, %broadcast_in_dim3A_265 : vector<16xi1>, vector<16xi32>
      %jit3A_267 = arith.constant 0 : i32
      %jit3A_268 = arith.constant 8191 : i32
      %max3A_269 = vector.broadcast %jit3A_267 : i32 to vector<16xi32>
      %max3A_270 = arith.maxsi %max3A_269, %select_n3A_266 : vector<16xi32>
      %min3A_271 = vector.broadcast %jit3A_268 : i32 to vector<16xi32>
      %min3A_272 = arith.minsi %min3A_271, %max3A_270 : vector<16xi32>
      %swap3A_273 = arith.constant 0 : i32
      %swap3A_274 = arith.index_cast %swap3A_273 : i32 to index
      %swap3A_275 = arith.constant 16 : index
      %swap3A_276 = tpu.vector_load %arg7[%swap3A_274, %swap3A_275] {strides = array<i32>} : memref<4x128xi32, #tpu.memory_space<vmem>>, vector<16xi32>,
      tpu.vector_store %arg7[%swap3A_274, %swap3A_275], %min3A_272 {strides = array<i32>} : memref<4x128xi32, #tpu.memory_space<vmem>>, vector<16xi32>,
      %add3A_277 = arith.constant 0 : i32
      %add3A_278 = arith.addi %multiple_of3A, %add3A_277 : i32
      %add3A_279 = arith.constant 32 : i32
      %add3A_280 = arith.addi %add3A_278, %add3A_279 : i32
      %add3A_281 = vector.broadcast %add3A_280 : i32 to vector<16xi32>
      %add3A_282 = arith.addi %add3A_281, %iota3A : vector<16xi32>
      %lt3A_283 = vector.broadcast %sub3A_52 : i32 to vector<16xi32>
      %lt3A_284 = arith.cmpi slt, %add3A_282, %lt3A_283 : vector<16xi32>
      %add3A_285 = vector.broadcast %reduce_sum3A_40 : i32 to vector<16xi32>
      %add3A_286 = arith.addi %add3A_285, %add3A_282 : vector<16xi32>
      %jit3A_287 = arith.constant 0 : i32
      %broadcast_in_dim3A_288 = vector.broadcast %jit3A_287 : i32 to vector<16xi32>
      %select_n3A_289 = arith.select %lt3A_284, %add3A_286, %broadcast_in_dim3A_288 : vector<16xi1>, vector<16xi32>
      %jit3A_290 = arith.constant 0 : i32
      %jit3A_291 = arith.constant 8191 : i32
      %max3A_292 = vector.broadcast %jit3A_290 : i32 to vector<16xi32>
      %max3A_293 = arith.maxsi %max3A_292, %select_n3A_289 : vector<16xi32>
      %min3A_294 = vector.broadcast %jit3A_291 : i32 to vector<16xi32>
      %min3A_295 = arith.minsi %min3A_294, %max3A_293 : vector<16xi32>
      %swap3A_296 = arith.constant 0 : i32
      %swap3A_297 = arith.index_cast %swap3A_296 : i32 to index
      %swap3A_298 = arith.constant 32 : index
      %swap3A_299 = tpu.vector_load %arg7[%swap3A_297, %swap3A_298] {strides = array<i32>} : memref<4x128xi32, #tpu.memory_space<vmem>>, vector<16xi32>,
      tpu.vector_store %arg7[%swap3A_297, %swap3A_298], %min3A_295 {strides = array<i32>} : memref<4x128xi32, #tpu.memory_space<vmem>>, vector<16xi32>,
      %add3A_300 = arith.constant 0 : i32
      %add3A_301 = arith.addi %multiple_of3A, %add3A_300 : i32
      %add3A_302 = arith.constant 48 : i32
      %add3A_303 = arith.addi %add3A_301, %add3A_302 : i32
      %add3A_304 = vector.broadcast %add3A_303 : i32 to vector<16xi32>
      %add3A_305 = arith.addi %add3A_304, %iota3A : vector<16xi32>
      %lt3A_306 = vector.broadcast %sub3A_52 : i32 to vector<16xi32>
      %lt3A_307 = arith.cmpi slt, %add3A_305, %lt3A_306 : vector<16xi32>
      %add3A_308 = vector.broadcast %reduce_sum3A_40 : i32 to vector<16xi32>
      %add3A_309 = arith.addi %add3A_308, %add3A_305 : vector<16xi32>
      %jit3A_310 = arith.constant 0 : i32
      %broadcast_in_dim3A_311 = vector.broadcast %jit3A_310 : i32 to vector<16xi32>
      %select_n3A_312 = arith.select %lt3A_307, %add3A_309, %broadcast_in_dim3A_311 : vector<16xi1>, vector<16xi32>
      %jit3A_313 = arith.constant 0 : i32
      %jit3A_314 = arith.constant 8191 : i32
      %max3A_315 = vector.broadcast %jit3A_313 : i32 to vector<16xi32>
      %max3A_316 = arith.maxsi %max3A_315, %select_n3A_312 : vector<16xi32>
      %min3A_317 = vector.broadcast %jit3A_314 : i32 to vector<16xi32>
      %min3A_318 = arith.minsi %min3A_317, %max3A_316 : vector<16xi32>
      %swap3A_319 = arith.constant 0 : i32
      %swap3A_320 = arith.index_cast %swap3A_319 : i32 to index
      %swap3A_321 = arith.constant 48 : index
      %swap3A_322 = tpu.vector_load %arg7[%swap3A_320, %swap3A_321] {strides = array<i32>} : memref<4x128xi32, #tpu.memory_space<vmem>>, vector<16xi32>,
      tpu.vector_store %arg7[%swap3A_320, %swap3A_321], %min3A_318 {strides = array<i32>} : memref<4x128xi32, #tpu.memory_space<vmem>>, vector<16xi32>,
      %add3A_323 = arith.constant 0 : i32
      %add3A_324 = arith.addi %multiple_of3A, %add3A_323 : i32
      %add3A_325 = arith.constant 64 : i32
      %add3A_326 = arith.addi %add3A_324, %add3A_325 : i32
      %add3A_327 = vector.broadcast %add3A_326 : i32 to vector<16xi32>
      %add3A_328 = arith.addi %add3A_327, %iota3A : vector<16xi32>
      %lt3A_329 = vector.broadcast %sub3A_52 : i32 to vector<16xi32>
      %lt3A_330 = arith.cmpi slt, %add3A_328, %lt3A_329 : vector<16xi32>
      %add3A_331 = vector.broadcast %reduce_sum3A_40 : i32 to vector<16xi32>
      %add3A_332 = arith.addi %add3A_331, %add3A_328 : vector<16xi32>
      %jit3A_333 = arith.constant 0 : i32
      %broadcast_in_dim3A_334 = vector.broadcast %jit3A_333 : i32 to vector<16xi32>
      %select_n3A_335 = arith.select %lt3A_330, %add3A_332, %broadcast_in_dim3A_334 : vector<16xi1>, vector<16xi32>
      %jit3A_336 = arith.constant 0 : i32
      %jit3A_337 = arith.constant 8191 : i32
      %max3A_338 = vector.broadcast %jit3A_336 : i32 to vector<16xi32>
      %max3A_339 = arith.maxsi %max3A_338, %select_n3A_335 : vector<16xi32>
      %min3A_340 = vector.broadcast %jit3A_337 : i32 to vector<16xi32>
      %min3A_341 = arith.minsi %min3A_340, %max3A_339 : vector<16xi32>
      %swap3A_342 = arith.constant 0 : i32
      %swap3A_343 = arith.index_cast %swap3A_342 : i32 to index
      %swap3A_344 = arith.constant 64 : index
      %swap3A_345 = tpu.vector_load %arg7[%swap3A_343, %swap3A_344] {strides = array<i32>} : memref<4x128xi32, #tpu.memory_space<vmem>>, vector<16xi32>,
      tpu.vector_store %arg7[%swap3A_343, %swap3A_344], %min3A_341 {strides = array<i32>} : memref<4x128xi32, #tpu.memory_space<vmem>>, vector<16xi32>,
      %add3A_346 = arith.constant 0 : i32
      %add3A_347 = arith.addi %multiple_of3A, %add3A_346 : i32
      %add3A_348 = arith.constant 80 : i32
      %add3A_349 = arith.addi %add3A_347, %add3A_348 : i32
      %add3A_350 = vector.broadcast %add3A_349 : i32 to vector<16xi32>
      %add3A_351 = arith.addi %add3A_350, %iota3A : vector<16xi32>
      %lt3A_352 = vector.broadcast %sub3A_52 : i32 to vector<16xi32>
      %lt3A_353 = arith.cmpi slt, %add3A_351, %lt3A_352 : vector<16xi32>
      %add3A_354 = vector.broadcast %reduce_sum3A_40 : i32 to vector<16xi32>
      %add3A_355 = arith.addi %add3A_354, %add3A_351 : vector<16xi32>
      %jit3A_356 = arith.constant 0 : i32
      %broadcast_in_dim3A_357 = vector.broadcast %jit3A_356 : i32 to vector<16xi32>
      %select_n3A_358 = arith.select %lt3A_353, %add3A_355, %broadcast_in_dim3A_357 : vector<16xi1>, vector<16xi32>
      %jit3A_359 = arith.constant 0 : i32
      %jit3A_360 = arith.constant 8191 : i32
      %max3A_361 = vector.broadcast %jit3A_359 : i32 to vector<16xi32>
      %max3A_362 = arith.maxsi %max3A_361, %select_n3A_358 : vector<16xi32>
      %min3A_363 = vector.broadcast %jit3A_360 : i32 to vector<16xi32>
      %min3A_364 = arith.minsi %min3A_363, %max3A_362 : vector<16xi32>
      %swap3A_365 = arith.constant 0 : i32
      %swap3A_366 = arith.index_cast %swap3A_365 : i32 to index
      %swap3A_367 = arith.constant 80 : index
      %swap3A_368 = tpu.vector_load %arg7[%swap3A_366, %swap3A_367] {strides = array<i32>} : memref<4x128xi32, #tpu.memory_space<vmem>>, vector<16xi32>,
      tpu.vector_store %arg7[%swap3A_366, %swap3A_367], %min3A_364 {strides = array<i32>} : memref<4x128xi32, #tpu.memory_space<vmem>>, vector<16xi32>,
      %add3A_369 = arith.constant 0 : i32
      %add3A_370 = arith.addi %multiple_of3A, %add3A_369 : i32
      %add3A_371 = arith.constant 96 : i32
      %add3A_372 = arith.addi %add3A_370, %add3A_371 : i32
      %add3A_373 = vector.broadcast %add3A_372 : i32 to vector<16xi32>
      %add3A_374 = arith.addi %add3A_373, %iota3A : vector<16xi32>
      %lt3A_375 = vector.broadcast %sub3A_52 : i32 to vector<16xi32>
      %lt3A_376 = arith.cmpi slt, %add3A_374, %lt3A_375 : vector<16xi32>
      %add3A_377 = vector.broadcast %reduce_sum3A_40 : i32 to vector<16xi32>
      %add3A_378 = arith.addi %add3A_377, %add3A_374 : vector<16xi32>
      %jit3A_379 = arith.constant 0 : i32
      %broadcast_in_dim3A_380 = vector.broadcast %jit3A_379 : i32 to vector<16xi32>
      %select_n3A_381 = arith.select %lt3A_376, %add3A_378, %broadcast_in_dim3A_380 : vector<16xi1>, vector<16xi32>
      %jit3A_382 = arith.constant 0 : i32
      %jit3A_383 = arith.constant 8191 : i32
      %max3A_384 = vector.broadcast %jit3A_382 : i32 to vector<16xi32>
      %max3A_385 = arith.maxsi %max3A_384, %select_n3A_381 : vector<16xi32>
      %min3A_386 = vector.broadcast %jit3A_383 : i32 to vector<16xi32>
      %min3A_387 = arith.minsi %min3A_386, %max3A_385 : vector<16xi32>
      %swap3A_388 = arith.constant 0 : i32
      %swap3A_389 = arith.index_cast %swap3A_388 : i32 to index
      %swap3A_390 = arith.constant 96 : index
      %swap3A_391 = tpu.vector_load %arg7[%swap3A_389, %swap3A_390] {strides = array<i32>} : memref<4x128xi32, #tpu.memory_space<vmem>>, vector<16xi32>,
      tpu.vector_store %arg7[%swap3A_389, %swap3A_390], %min3A_387 {strides = array<i32>} : memref<4x128xi32, #tpu.memory_space<vmem>>, vector<16xi32>,
      %add3A_392 = arith.constant 0 : i32
      %add3A_393 = arith.addi %multiple_of3A, %add3A_392 : i32
      %add3A_394 = arith.constant 112 : i32
      %add3A_395 = arith.addi %add3A_393, %add3A_394 : i32
      %add3A_396 = vector.broadcast %add3A_395 : i32 to vector<16xi32>
      %add3A_397 = arith.addi %add3A_396, %iota3A : vector<16xi32>
      %lt3A_398 = vector.broadcast %sub3A_52 : i32 to vector<16xi32>
      %lt3A_399 = arith.cmpi slt, %add3A_397, %lt3A_398 : vector<16xi32>
      %add3A_400 = vector.broadcast %reduce_sum3A_40 : i32 to vector<16xi32>
      %add3A_401 = arith.addi %add3A_400, %add3A_397 : vector<16xi32>
      %jit3A_402 = arith.constant 0 : i32
      %broadcast_in_dim3A_403 = vector.broadcast %jit3A_402 : i32 to vector<16xi32>
      %select_n3A_404 = arith.select %lt3A_399, %add3A_401, %broadcast_in_dim3A_403 : vector<16xi1>, vector<16xi32>
      %jit3A_405 = arith.constant 0 : i32
      %jit3A_406 = arith.constant 8191 : i32
      %max3A_407 = vector.broadcast %jit3A_405 : i32 to vector<16xi32>
      %max3A_408 = arith.maxsi %max3A_407, %select_n3A_404 : vector<16xi32>
      %min3A_409 = vector.broadcast %jit3A_406 : i32 to vector<16xi32>
      %min3A_410 = arith.minsi %min3A_409, %max3A_408 : vector<16xi32>
      %swap3A_411 = arith.constant 0 : i32
      %swap3A_412 = arith.index_cast %swap3A_411 : i32 to index
      %swap3A_413 = arith.constant 112 : index
      %swap3A_414 = tpu.vector_load %arg7[%swap3A_412, %swap3A_413] {strides = array<i32>} : memref<4x128xi32, #tpu.memory_space<vmem>>, vector<16xi32>,
      tpu.vector_store %arg7[%swap3A_412, %swap3A_413], %min3A_410 {strides = array<i32>} : memref<4x128xi32, #tpu.memory_space<vmem>>, vector<16xi32>,
      %dma_start3A = arith.constant 0 : i32
      %dma_start3A_415 = arith.constant 0 : i32
      %dma_start3A_416 = arith.constant 0 : i32
      %dma_start3A_417 = arith.constant 0 : i32
      %dma_start3A_418 = arith.constant 0 : i32
      %dma_start3A_419 = tpu.memref_slice %arg8[%dma_start3A_415, %dma_start3A_417, %dma_start3A_418] : memref<4x128x128xf32, #tpu.memory_space<vmem>> -> memref<1x128x128xf32, #tpu.memory_space<vmem>>
      %dma_start3A_420 = tpu.memref_squeeze %dma_start3A_419 : memref<1x128x128xf32, #tpu.memory_space<vmem>> -> memref<128x128xf32, #tpu.memory_space<vmem>>
      %dma_start3A_421 = arith.constant 0 : i32
      %dma_start3A_422 = tpu.memref_slice %arg7[%dma_start3A, %dma_start3A_421] : memref<4x128xi32, #tpu.memory_space<vmem>> -> memref<1x128xi32, #tpu.memory_space<vmem>>
      %dma_start3A_423 = tpu.memref_squeeze %dma_start3A_422 : memref<1x128xi32, #tpu.memory_space<vmem>> -> memref<128xi32, #tpu.memory_space<vmem>>
      %dma_start3A_424 = arith.constant 0 : i32
      %dma_start3A_425 = arith.constant 0 : i32
      %dma_start3A_426 = tpu.memref_slice %arg2[%dma_start3A_424, %dma_start3A_425] : memref<8192x128xf32, #tpu.memory_space<hbm>> -> memref<8192x128xf32, #tpu.memory_space<hbm>>
      %dma_start3A_427 = tpu.memref_slice %arg10[%dma_start3A_416] : memref<4x!tpu.dma_semaphore, #tpu.memory_space<semaphore_mem>> -> memref<1x!tpu.dma_semaphore, #tpu.memory_space<semaphore_mem>>
      %dma_start3A_428 = tpu.memref_squeeze %dma_start3A_427 : memref<1x!tpu.dma_semaphore, #tpu.memory_space<semaphore_mem>> -> memref<!tpu.dma_semaphore, #tpu.memory_space<semaphore_mem>>
      tpu.enqueue_indirect_dma source(%dma_start3A_426 : memref<8192x128xf32, #tpu.memory_space<hbm>>) target(%dma_start3A_420 : memref<128x128xf32, #tpu.memory_space<vmem>>) offsets(%dma_start3A_423 : memref<128xi32, #tpu.memory_space<vmem>>) semaphore(%dma_start3A_428 : memref<!tpu.dma_semaphore, #tpu.memory_space<semaphore_mem>>)
    } else {
    }
    %convert_element_type3A_97 = arith.extui %and3A_78 : i1 to i32
    %cond3A_98 = arith.constant 0 : i32
    %cond3A_99 = arith.cmpi ne, %convert_element_type3A_97, %cond3A_98 : i32
    scf.if %cond3A_99 {
      %jit3A_232 = arith.constant 8 : i32
      %div3A_233 = arith.divsi %reduce_sum3A_40, %jit3A_232 : i32
      %sign3A_234 = arith.constant 0 : i32
      %sign3A_235 = arith.cmpi sgt, %reduce_sum3A_40, %sign3A_234 : i32
      %sign3A_236 = arith.extui %sign3A_235 : i1 to i32
      %sign3A_237 = arith.constant 0 : i32
      %sign3A_238 = arith.cmpi slt, %reduce_sum3A_40, %sign3A_237 : i32
      %sign3A_239 = arith.extui %sign3A_238 : i1 to i32
      %sign3A_240 = arith.subi %sign3A_236, %sign3A_239 : i32
      %sign3A_241 = arith.constant 0 : i32
      %sign3A_242 = arith.cmpi sgt, %jit3A_232, %sign3A_241 : i32
      %sign3A_243 = arith.extui %sign3A_242 : i1 to i32
      %sign3A_244 = arith.constant 0 : i32
      %sign3A_245 = arith.cmpi slt, %jit3A_232, %sign3A_244 : i32
      %sign3A_246 = arith.extui %sign3A_245 : i1 to i32
      %sign3A_247 = arith.subi %sign3A_243, %sign3A_246 : i32
      %ne3A_248 = arith.cmpi ne, %sign3A_240, %sign3A_247 : i32
      %rem3A_249 = arith.remsi %reduce_sum3A_40, %jit3A_232 : i32
      %ne3A_250 = arith.constant 0 : i32
      %ne3A_251 = arith.cmpi ne, %rem3A_249, %ne3A_250 : i32
      %and3A_252 = arith.andi %ne3A_248, %ne3A_251 : i1
      %sub3A_253 = arith.constant 1 : i32
      %sub3A_254 = arith.subi %div3A_233, %sub3A_253 : i32
      %select_n3A_255 = arith.select %and3A_252, %sub3A_254, %div3A_233 : i32
      %mul3A_256 = arith.constant 8 : i32
      %mul3A_257 = arith.muli %select_n3A_255, %mul3A_256 : i32
      %add3A_258 = arith.addi %mul3A_257, %multiple_of3A : i32
      %add3A_259 = arith.constant 128 : i32
      %add3A_260 = arith.addi %add3A_258, %add3A_259 : i32
      %multiple_of3A_261 = tpu.assume_multiple %add3A_260, 8 : i32
      %dma_start3A = arith.constant 1 : i32
      %dma_start3A_262 = arith.constant 1 : i32
      %dma_start3A_263 = arith.constant 0 : i32
      %dma_start3A_264 = arith.constant 0 : i32
      %dma_start3A_265 = tpu.memref_slice %arg8[%dma_start3A, %dma_start3A_263, %dma_start3A_264] : memref<4x128x128xf32, #tpu.memory_space<vmem>> -> memref<1x128x128xf32, #tpu.memory_space<vmem>>
      %dma_start3A_266 = tpu.memref_squeeze %dma_start3A_265 : memref<1x128x128xf32, #tpu.memory_space<vmem>> -> memref<128x128xf32, #tpu.memory_space<vmem>>
      %dma_start3A_267 = arith.constant 0 : i32
      %dma_start3A_268 = tpu.memref_slice %arg2[%multiple_of3A_261, %dma_start3A_267] : memref<8192x128xf32, #tpu.memory_space<hbm>> -> memref<128x128xf32, #tpu.memory_space<hbm>>
      %dma_start3A_269 = tpu.memref_slice %arg10[%dma_start3A_262] : memref<4x!tpu.dma_semaphore, #tpu.memory_space<semaphore_mem>> -> memref<1x!tpu.dma_semaphore, #tpu.memory_space<semaphore_mem>>
      %dma_start3A_270 = tpu.memref_squeeze %dma_start3A_269 : memref<1x!tpu.dma_semaphore, #tpu.memory_space<semaphore_mem>> -> memref<!tpu.dma_semaphore, #tpu.memory_space<semaphore_mem>>
      %dma_start3A_271 = arith.constant 0 : i32
      %dma_start3A_272 = arith.constant 0 : i32
      %dma_start3A_273 = tpu.memref_slice %arg8[%dma_start3A, %dma_start3A_271, %dma_start3A_272] : memref<4x128x128xf32, #tpu.memory_space<vmem>> -> memref<1x128x128xf32, #tpu.memory_space<vmem>>
      %dma_start3A_274 = tpu.memref_squeeze %dma_start3A_273 : memref<1x128x128xf32, #tpu.memory_space<vmem>> -> memref<128x128xf32, #tpu.memory_space<vmem>>
      %dma_start3A_275 = arith.constant 0 : i32
      %dma_start3A_276 = tpu.memref_slice %arg2[%multiple_of3A_261, %dma_start3A_275] : memref<8192x128xf32, #tpu.memory_space<hbm>> -> memref<128x128xf32, #tpu.memory_space<hbm>>
      tpu.enqueue_dma source(%dma_start3A_276 : memref<128x128xf32, #tpu.memory_space<hbm>>) target(%dma_start3A_274 : memref<128x128xf32, #tpu.memory_space<vmem>>) target_semaphore(%dma_start3A_270 : memref<!tpu.dma_semaphore, #tpu.memory_space<semaphore_mem>>)
    } else {
    }
    %not3A_100 = arith.constant true
    %not3A_101 = arith.xori %and3A_78, %not3A_100 : i1
    %gt3A_102 = arith.constant 128 : i32
    %gt3A_103 = arith.cmpi sgt, %min3A, %gt3A_102 : i32
    %and3A_104 = arith.andi %not3A_101, %gt3A_103 : i1
    %convert_element_type3A_105 = arith.extui %and3A_104 : i1 to i32
    %cond3A_106 = arith.constant 0 : i32
    %cond3A_107 = arith.cmpi ne, %convert_element_type3A_105, %cond3A_106 : i32
    scf.if %cond3A_107 {
      %add3A_232 = arith.constant 128 : i32
      %add3A_233 = arith.addi %multiple_of3A, %add3A_232 : i32
      %add3A_234 = arith.constant 0 : i32
      %add3A_235 = arith.addi %add3A_233, %add3A_234 : i32
      %add3A_236 = vector.broadcast %add3A_235 : i32 to vector<16xi32>
      %add3A_237 = arith.addi %add3A_236, %iota3A : vector<16xi32>
      %lt3A_238 = vector.broadcast %sub3A_52 : i32 to vector<16xi32>
      %lt3A_239 = arith.cmpi slt, %add3A_237, %lt3A_238 : vector<16xi32>
      %add3A_240 = vector.broadcast %reduce_sum3A_40 : i32 to vector<16xi32>
      %add3A_241 = arith.addi %add3A_240, %add3A_237 : vector<16xi32>
      %jit3A_242 = arith.constant 0 : i32
      %broadcast_in_dim3A_243 = vector.broadcast %jit3A_242 : i32 to vector<16xi32>
      %select_n3A_244 = arith.select %lt3A_239, %add3A_241, %broadcast_in_dim3A_243 : vector<16xi1>, vector<16xi32>
      %jit3A_245 = arith.constant 0 : i32
      %jit3A_246 = arith.constant 8191 : i32
      %max3A_247 = vector.broadcast %jit3A_245 : i32 to vector<16xi32>
      %max3A_248 = arith.maxsi %max3A_247, %select_n3A_244 : vector<16xi32>
      %min3A_249 = vector.broadcast %jit3A_246 : i32 to vector<16xi32>
      %min3A_250 = arith.minsi %min3A_249, %max3A_248 : vector<16xi32>
      %swap3A = arith.constant 1 : i32
      %swap3A_251 = arith.index_cast %swap3A : i32 to index
      %swap3A_252 = arith.constant 0 : index
      %swap3A_253 = tpu.vector_load %arg7[%swap3A_251, %swap3A_252] {strides = array<i32>} : memref<4x128xi32, #tpu.memory_space<vmem>>, vector<16xi32>,
      tpu.vector_store %arg7[%swap3A_251, %swap3A_252], %min3A_250 {strides = array<i32>} : memref<4x128xi32, #tpu.memory_space<vmem>>, vector<16xi32>,
      %add3A_254 = arith.constant 128 : i32
      %add3A_255 = arith.addi %multiple_of3A, %add3A_254 : i32
      %add3A_256 = arith.constant 16 : i32
      %add3A_257 = arith.addi %add3A_255, %add3A_256 : i32
      %add3A_258 = vector.broadcast %add3A_257 : i32 to vector<16xi32>
      %add3A_259 = arith.addi %add3A_258, %iota3A : vector<16xi32>
      %lt3A_260 = vector.broadcast %sub3A_52 : i32 to vector<16xi32>
      %lt3A_261 = arith.cmpi slt, %add3A_259, %lt3A_260 : vector<16xi32>
      %add3A_262 = vector.broadcast %reduce_sum3A_40 : i32 to vector<16xi32>
      %add3A_263 = arith.addi %add3A_262, %add3A_259 : vector<16xi32>
      %jit3A_264 = arith.constant 0 : i32
      %broadcast_in_dim3A_265 = vector.broadcast %jit3A_264 : i32 to vector<16xi32>
      %select_n3A_266 = arith.select %lt3A_261, %add3A_263, %broadcast_in_dim3A_265 : vector<16xi1>, vector<16xi32>
      %jit3A_267 = arith.constant 0 : i32
      %jit3A_268 = arith.constant 8191 : i32
      %max3A_269 = vector.broadcast %jit3A_267 : i32 to vector<16xi32>
      %max3A_270 = arith.maxsi %max3A_269, %select_n3A_266 : vector<16xi32>
      %min3A_271 = vector.broadcast %jit3A_268 : i32 to vector<16xi32>
      %min3A_272 = arith.minsi %min3A_271, %max3A_270 : vector<16xi32>
      %swap3A_273 = arith.constant 1 : i32
      %swap3A_274 = arith.index_cast %swap3A_273 : i32 to index
      %swap3A_275 = arith.constant 16 : index
      %swap3A_276 = tpu.vector_load %arg7[%swap3A_274, %swap3A_275] {strides = array<i32>} : memref<4x128xi32, #tpu.memory_space<vmem>>, vector<16xi32>,
      tpu.vector_store %arg7[%swap3A_274, %swap3A_275], %min3A_272 {strides = array<i32>} : memref<4x128xi32, #tpu.memory_space<vmem>>, vector<16xi32>,
      %add3A_277 = arith.constant 128 : i32
      %add3A_278 = arith.addi %multiple_of3A, %add3A_277 : i32
      %add3A_279 = arith.constant 32 : i32
      %add3A_280 = arith.addi %add3A_278, %add3A_279 : i32
      %add3A_281 = vector.broadcast %add3A_280 : i32 to vector<16xi32>
      %add3A_282 = arith.addi %add3A_281, %iota3A : vector<16xi32>
      %lt3A_283 = vector.broadcast %sub3A_52 : i32 to vector<16xi32>
      %lt3A_284 = arith.cmpi slt, %add3A_282, %lt3A_283 : vector<16xi32>
      %add3A_285 = vector.broadcast %reduce_sum3A_40 : i32 to vector<16xi32>
      %add3A_286 = arith.addi %add3A_285, %add3A_282 : vector<16xi32>
      %jit3A_287 = arith.constant 0 : i32
      %broadcast_in_dim3A_288 = vector.broadcast %jit3A_287 : i32 to vector<16xi32>
      %select_n3A_289 = arith.select %lt3A_284, %add3A_286, %broadcast_in_dim3A_288 : vector<16xi1>, vector<16xi32>
      %jit3A_290 = arith.constant 0 : i32
      %jit3A_291 = arith.constant 8191 : i32
      %max3A_292 = vector.broadcast %jit3A_290 : i32 to vector<16xi32>
      %max3A_293 = arith.maxsi %max3A_292, %select_n3A_289 : vector<16xi32>
      %min3A_294 = vector.broadcast %jit3A_291 : i32 to vector<16xi32>
      %min3A_295 = arith.minsi %min3A_294, %max3A_293 : vector<16xi32>
      %swap3A_296 = arith.constant 1 : i32
      %swap3A_297 = arith.index_cast %swap3A_296 : i32 to index
      %swap3A_298 = arith.constant 32 : index
      %swap3A_299 = tpu.vector_load %arg7[%swap3A_297, %swap3A_298] {strides = array<i32>} : memref<4x128xi32, #tpu.memory_space<vmem>>, vector<16xi32>,
      tpu.vector_store %arg7[%swap3A_297, %swap3A_298], %min3A_295 {strides = array<i32>} : memref<4x128xi32, #tpu.memory_space<vmem>>, vector<16xi32>,
      %add3A_300 = arith.constant 128 : i32
      %add3A_301 = arith.addi %multiple_of3A, %add3A_300 : i32
      %add3A_302 = arith.constant 48 : i32
      %add3A_303 = arith.addi %add3A_301, %add3A_302 : i32
      %add3A_304 = vector.broadcast %add3A_303 : i32 to vector<16xi32>
      %add3A_305 = arith.addi %add3A_304, %iota3A : vector<16xi32>
      %lt3A_306 = vector.broadcast %sub3A_52 : i32 to vector<16xi32>
      %lt3A_307 = arith.cmpi slt, %add3A_305, %lt3A_306 : vector<16xi32>
      %add3A_308 = vector.broadcast %reduce_sum3A_40 : i32 to vector<16xi32>
      %add3A_309 = arith.addi %add3A_308, %add3A_305 : vector<16xi32>
      %jit3A_310 = arith.constant 0 : i32
      %broadcast_in_dim3A_311 = vector.broadcast %jit3A_310 : i32 to vector<16xi32>
      %select_n3A_312 = arith.select %lt3A_307, %add3A_309, %broadcast_in_dim3A_311 : vector<16xi1>, vector<16xi32>
      %jit3A_313 = arith.constant 0 : i32
      %jit3A_314 = arith.constant 8191 : i32
      %max3A_315 = vector.broadcast %jit3A_313 : i32 to vector<16xi32>
      %max3A_316 = arith.maxsi %max3A_315, %select_n3A_312 : vector<16xi32>
      %min3A_317 = vector.broadcast %jit3A_314 : i32 to vector<16xi32>
      %min3A_318 = arith.minsi %min3A_317, %max3A_316 : vector<16xi32>
      %swap3A_319 = arith.constant 1 : i32
      %swap3A_320 = arith.index_cast %swap3A_319 : i32 to index
      %swap3A_321 = arith.constant 48 : index
      %swap3A_322 = tpu.vector_load %arg7[%swap3A_320, %swap3A_321] {strides = array<i32>} : memref<4x128xi32, #tpu.memory_space<vmem>>, vector<16xi32>,
      tpu.vector_store %arg7[%swap3A_320, %swap3A_321], %min3A_318 {strides = array<i32>} : memref<4x128xi32, #tpu.memory_space<vmem>>, vector<16xi32>,
      %add3A_323 = arith.constant 128 : i32
      %add3A_324 = arith.addi %multiple_of3A, %add3A_323 : i32
      %add3A_325 = arith.constant 64 : i32
      %add3A_326 = arith.addi %add3A_324, %add3A_325 : i32
      %add3A_327 = vector.broadcast %add3A_326 : i32 to vector<16xi32>
      %add3A_328 = arith.addi %add3A_327, %iota3A : vector<16xi32>
      %lt3A_329 = vector.broadcast %sub3A_52 : i32 to vector<16xi32>
      %lt3A_330 = arith.cmpi slt, %add3A_328, %lt3A_329 : vector<16xi32>
      %add3A_331 = vector.broadcast %reduce_sum3A_40 : i32 to vector<16xi32>
      %add3A_332 = arith.addi %add3A_331, %add3A_328 : vector<16xi32>
      %jit3A_333 = arith.constant 0 : i32
      %broadcast_in_dim3A_334 = vector.broadcast %jit3A_333 : i32 to vector<16xi32>
      %select_n3A_335 = arith.select %lt3A_330, %add3A_332, %broadcast_in_dim3A_334 : vector<16xi1>, vector<16xi32>
      %jit3A_336 = arith.constant 0 : i32
      %jit3A_337 = arith.constant 8191 : i32
      %max3A_338 = vector.broadcast %jit3A_336 : i32 to vector<16xi32>
      %max3A_339 = arith.maxsi %max3A_338, %select_n3A_335 : vector<16xi32>
      %min3A_340 = vector.broadcast %jit3A_337 : i32 to vector<16xi32>
      %min3A_341 = arith.minsi %min3A_340, %max3A_339 : vector<16xi32>
      %swap3A_342 = arith.constant 1 : i32
      %swap3A_343 = arith.index_cast %swap3A_342 : i32 to index
      %swap3A_344 = arith.constant 64 : index
      %swap3A_345 = tpu.vector_load %arg7[%swap3A_343, %swap3A_344] {strides = array<i32>} : memref<4x128xi32, #tpu.memory_space<vmem>>, vector<16xi32>,
      tpu.vector_store %arg7[%swap3A_343, %swap3A_344], %min3A_341 {strides = array<i32>} : memref<4x128xi32, #tpu.memory_space<vmem>>, vector<16xi32>,
      %add3A_346 = arith.constant 128 : i32
      %add3A_347 = arith.addi %multiple_of3A, %add3A_346 : i32
      %add3A_348 = arith.constant 80 : i32
      %add3A_349 = arith.addi %add3A_347, %add3A_348 : i32
      %add3A_350 = vector.broadcast %add3A_349 : i32 to vector<16xi32>
      %add3A_351 = arith.addi %add3A_350, %iota3A : vector<16xi32>
      %lt3A_352 = vector.broadcast %sub3A_52 : i32 to vector<16xi32>
      %lt3A_353 = arith.cmpi slt, %add3A_351, %lt3A_352 : vector<16xi32>
      %add3A_354 = vector.broadcast %reduce_sum3A_40 : i32 to vector<16xi32>
      %add3A_355 = arith.addi %add3A_354, %add3A_351 : vector<16xi32>
      %jit3A_356 = arith.constant 0 : i32
      %broadcast_in_dim3A_357 = vector.broadcast %jit3A_356 : i32 to vector<16xi32>
      %select_n3A_358 = arith.select %lt3A_353, %add3A_355, %broadcast_in_dim3A_357 : vector<16xi1>, vector<16xi32>
      %jit3A_359 = arith.constant 0 : i32
      %jit3A_360 = arith.constant 8191 : i32
      %max3A_361 = vector.broadcast %jit3A_359 : i32 to vector<16xi32>
      %max3A_362 = arith.maxsi %max3A_361, %select_n3A_358 : vector<16xi32>
      %min3A_363 = vector.broadcast %jit3A_360 : i32 to vector<16xi32>
      %min3A_364 = arith.minsi %min3A_363, %max3A_362 : vector<16xi32>
      %swap3A_365 = arith.constant 1 : i32
      %swap3A_366 = arith.index_cast %swap3A_365 : i32 to index
      %swap3A_367 = arith.constant 80 : index
      %swap3A_368 = tpu.vector_load %arg7[%swap3A_366, %swap3A_367] {strides = array<i32>} : memref<4x128xi32, #tpu.memory_space<vmem>>, vector<16xi32>,
      tpu.vector_store %arg7[%swap3A_366, %swap3A_367], %min3A_364 {strides = array<i32>} : memref<4x128xi32, #tpu.memory_space<vmem>>, vector<16xi32>,
      %add3A_369 = arith.constant 128 : i32
      %add3A_370 = arith.addi %multiple_of3A, %add3A_369 : i32
      %add3A_371 = arith.constant 96 : i32
      %add3A_372 = arith.addi %add3A_370, %add3A_371 : i32
      %add3A_373 = vector.broadcast %add3A_372 : i32 to vector<16xi32>
      %add3A_374 = arith.addi %add3A_373, %iota3A : vector<16xi32>
      %lt3A_375 = vector.broadcast %sub3A_52 : i32 to vector<16xi32>
      %lt3A_376 = arith.cmpi slt, %add3A_374, %lt3A_375 : vector<16xi32>
      %add3A_377 = vector.broadcast %reduce_sum3A_40 : i32 to vector<16xi32>
      %add3A_378 = arith.addi %add3A_377, %add3A_374 : vector<16xi32>
      %jit3A_379 = arith.constant 0 : i32
      %broadcast_in_dim3A_380 = vector.broadcast %jit3A_379 : i32 to vector<16xi32>
      %select_n3A_381 = arith.select %lt3A_376, %add3A_378, %broadcast_in_dim3A_380 : vector<16xi1>, vector<16xi32>
      %jit3A_382 = arith.constant 0 : i32
      %jit3A_383 = arith.constant 8191 : i32
      %max3A_384 = vector.broadcast %jit3A_382 : i32 to vector<16xi32>
      %max3A_385 = arith.maxsi %max3A_384, %select_n3A_381 : vector<16xi32>
      %min3A_386 = vector.broadcast %jit3A_383 : i32 to vector<16xi32>
      %min3A_387 = arith.minsi %min3A_386, %max3A_385 : vector<16xi32>
      %swap3A_388 = arith.constant 1 : i32
      %swap3A_389 = arith.index_cast %swap3A_388 : i32 to index
      %swap3A_390 = arith.constant 96 : index
      %swap3A_391 = tpu.vector_load %arg7[%swap3A_389, %swap3A_390] {strides = array<i32>} : memref<4x128xi32, #tpu.memory_space<vmem>>, vector<16xi32>,
      tpu.vector_store %arg7[%swap3A_389, %swap3A_390], %min3A_387 {strides = array<i32>} : memref<4x128xi32, #tpu.memory_space<vmem>>, vector<16xi32>,
      %add3A_392 = arith.constant 128 : i32
      %add3A_393 = arith.addi %multiple_of3A, %add3A_392 : i32
      %add3A_394 = arith.constant 112 : i32
      %add3A_395 = arith.addi %add3A_393, %add3A_394 : i32
      %add3A_396 = vector.broadcast %add3A_395 : i32 to vector<16xi32>
      %add3A_397 = arith.addi %add3A_396, %iota3A : vector<16xi32>
      %lt3A_398 = vector.broadcast %sub3A_52 : i32 to vector<16xi32>
      %lt3A_399 = arith.cmpi slt, %add3A_397, %lt3A_398 : vector<16xi32>
      %add3A_400 = vector.broadcast %reduce_sum3A_40 : i32 to vector<16xi32>
      %add3A_401 = arith.addi %add3A_400, %add3A_397 : vector<16xi32>
      %jit3A_402 = arith.constant 0 : i32
      %broadcast_in_dim3A_403 = vector.broadcast %jit3A_402 : i32 to vector<16xi32>
      %select_n3A_404 = arith.select %lt3A_399, %add3A_401, %broadcast_in_dim3A_403 : vector<16xi1>, vector<16xi32>
      %jit3A_405 = arith.constant 0 : i32
      %jit3A_406 = arith.constant 8191 : i32
      %max3A_407 = vector.broadcast %jit3A_405 : i32 to vector<16xi32>
      %max3A_408 = arith.maxsi %max3A_407, %select_n3A_404 : vector<16xi32>
      %min3A_409 = vector.broadcast %jit3A_406 : i32 to vector<16xi32>
      %min3A_410 = arith.minsi %min3A_409, %max3A_408 : vector<16xi32>
      %swap3A_411 = arith.constant 1 : i32
      %swap3A_412 = arith.index_cast %swap3A_411 : i32 to index
      %swap3A_413 = arith.constant 112 : index
      %swap3A_414 = tpu.vector_load %arg7[%swap3A_412, %swap3A_413] {strides = array<i32>} : memref<4x128xi32, #tpu.memory_space<vmem>>, vector<16xi32>,
      tpu.vector_store %arg7[%swap3A_412, %swap3A_413], %min3A_410 {strides = array<i32>} : memref<4x128xi32, #tpu.memory_space<vmem>>, vector<16xi32>,
      %dma_start3A = arith.constant 1 : i32
      %dma_start3A_415 = arith.constant 1 : i32
      %dma_start3A_416 = arith.constant 1 : i32
      %dma_start3A_417 = arith.constant 0 : i32
      %dma_start3A_418 = arith.constant 0 : i32
      %dma_start3A_419 = tpu.memref_slice %arg8[%dma_start3A_415, %dma_start3A_417, %dma_start3A_418] : memref<4x128x128xf32, #tpu.memory_space<vmem>> -> memref<1x128x128xf32, #tpu.memory_space<vmem>>
      %dma_start3A_420 = tpu.memref_squeeze %dma_start3A_419 : memref<1x128x128xf32, #tpu.memory_space<vmem>> -> memref<128x128xf32, #tpu.memory_space<vmem>>
      %dma_start3A_421 = arith.constant 0 : i32
      %dma_start3A_422 = tpu.memref_slice %arg7[%dma_start3A, %dma_start3A_421] : memref<4x128xi32, #tpu.memory_space<vmem>> -> memref<1x128xi32, #tpu.memory_space<vmem>>
      %dma_start3A_423 = tpu.memref_squeeze %dma_start3A_422 : memref<1x128xi32, #tpu.memory_space<vmem>> -> memref<128xi32, #tpu.memory_space<vmem>>
      %dma_start3A_424 = arith.constant 0 : i32
      %dma_start3A_425 = arith.constant 0 : i32
      %dma_start3A_426 = tpu.memref_slice %arg2[%dma_start3A_424, %dma_start3A_425] : memref<8192x128xf32, #tpu.memory_space<hbm>> -> memref<8192x128xf32, #tpu.memory_space<hbm>>
      %dma_start3A_427 = tpu.memref_slice %arg10[%dma_start3A_416] : memref<4x!tpu.dma_semaphore, #tpu.memory_space<semaphore_mem>> -> memref<1x!tpu.dma_semaphore, #tpu.memory_space<semaphore_mem>>
      %dma_start3A_428 = tpu.memref_squeeze %dma_start3A_427 : memref<1x!tpu.dma_semaphore, #tpu.memory_space<semaphore_mem>> -> memref<!tpu.dma_semaphore, #tpu.memory_space<semaphore_mem>>
      tpu.enqueue_indirect_dma source(%dma_start3A_426 : memref<8192x128xf32, #tpu.memory_space<hbm>>) target(%dma_start3A_420 : memref<128x128xf32, #tpu.memory_space<vmem>>) offsets(%dma_start3A_423 : memref<128xi32, #tpu.memory_space<vmem>>) semaphore(%dma_start3A_428 : memref<!tpu.dma_semaphore, #tpu.memory_space<semaphore_mem>>)
    } else {
    }
    %convert_element_type3A_108 = arith.extui %and3A_81 : i1 to i32
    %cond3A_109 = arith.constant 0 : i32
    %cond3A_110 = arith.cmpi ne, %convert_element_type3A_108, %cond3A_109 : i32
    scf.if %cond3A_110 {
      %jit3A_232 = arith.constant 8 : i32
      %div3A_233 = arith.divsi %reduce_sum3A_40, %jit3A_232 : i32
      %sign3A_234 = arith.constant 0 : i32
      %sign3A_235 = arith.cmpi sgt, %reduce_sum3A_40, %sign3A_234 : i32
      %sign3A_236 = arith.extui %sign3A_235 : i1 to i32
      %sign3A_237 = arith.constant 0 : i32
      %sign3A_238 = arith.cmpi slt, %reduce_sum3A_40, %sign3A_237 : i32
      %sign3A_239 = arith.extui %sign3A_238 : i1 to i32
      %sign3A_240 = arith.subi %sign3A_236, %sign3A_239 : i32
      %sign3A_241 = arith.constant 0 : i32
      %sign3A_242 = arith.cmpi sgt, %jit3A_232, %sign3A_241 : i32
      %sign3A_243 = arith.extui %sign3A_242 : i1 to i32
      %sign3A_244 = arith.constant 0 : i32
      %sign3A_245 = arith.cmpi slt, %jit3A_232, %sign3A_244 : i32
      %sign3A_246 = arith.extui %sign3A_245 : i1 to i32
      %sign3A_247 = arith.subi %sign3A_243, %sign3A_246 : i32
      %ne3A_248 = arith.cmpi ne, %sign3A_240, %sign3A_247 : i32
      %rem3A_249 = arith.remsi %reduce_sum3A_40, %jit3A_232 : i32
      %ne3A_250 = arith.constant 0 : i32
      %ne3A_251 = arith.cmpi ne, %rem3A_249, %ne3A_250 : i32
      %and3A_252 = arith.andi %ne3A_248, %ne3A_251 : i1
      %sub3A_253 = arith.constant 1 : i32
      %sub3A_254 = arith.subi %div3A_233, %sub3A_253 : i32
      %select_n3A_255 = arith.select %and3A_252, %sub3A_254, %div3A_233 : i32
      %mul3A_256 = arith.constant 8 : i32
      %mul3A_257 = arith.muli %select_n3A_255, %mul3A_256 : i32
      %add3A_258 = arith.addi %mul3A_257, %multiple_of3A : i32
      %add3A_259 = arith.constant 256 : i32
      %add3A_260 = arith.addi %add3A_258, %add3A_259 : i32
      %multiple_of3A_261 = tpu.assume_multiple %add3A_260, 8 : i32
      %dma_start3A = arith.constant 2 : i32
      %dma_start3A_262 = arith.constant 2 : i32
      %dma_start3A_263 = arith.constant 0 : i32
      %dma_start3A_264 = arith.constant 0 : i32
      %dma_start3A_265 = tpu.memref_slice %arg8[%dma_start3A, %dma_start3A_263, %dma_start3A_264] : memref<4x128x128xf32, #tpu.memory_space<vmem>> -> memref<1x128x128xf32, #tpu.memory_space<vmem>>
      %dma_start3A_266 = tpu.memref_squeeze %dma_start3A_265 : memref<1x128x128xf32, #tpu.memory_space<vmem>> -> memref<128x128xf32, #tpu.memory_space<vmem>>
      %dma_start3A_267 = arith.constant 0 : i32
      %dma_start3A_268 = tpu.memref_slice %arg2[%multiple_of3A_261, %dma_start3A_267] : memref<8192x128xf32, #tpu.memory_space<hbm>> -> memref<128x128xf32, #tpu.memory_space<hbm>>
      %dma_start3A_269 = tpu.memref_slice %arg10[%dma_start3A_262] : memref<4x!tpu.dma_semaphore, #tpu.memory_space<semaphore_mem>> -> memref<1x!tpu.dma_semaphore, #tpu.memory_space<semaphore_mem>>
      %dma_start3A_270 = tpu.memref_squeeze %dma_start3A_269 : memref<1x!tpu.dma_semaphore, #tpu.memory_space<semaphore_mem>> -> memref<!tpu.dma_semaphore, #tpu.memory_space<semaphore_mem>>
      %dma_start3A_271 = arith.constant 0 : i32
      %dma_start3A_272 = arith.constant 0 : i32
      %dma_start3A_273 = tpu.memref_slice %arg8[%dma_start3A, %dma_start3A_271, %dma_start3A_272] : memref<4x128x128xf32, #tpu.memory_space<vmem>> -> memref<1x128x128xf32, #tpu.memory_space<vmem>>
      %dma_start3A_274 = tpu.memref_squeeze %dma_start3A_273 : memref<1x128x128xf32, #tpu.memory_space<vmem>> -> memref<128x128xf32, #tpu.memory_space<vmem>>
      %dma_start3A_275 = arith.constant 0 : i32
      %dma_start3A_276 = tpu.memref_slice %arg2[%multiple_of3A_261, %dma_start3A_275] : memref<8192x128xf32, #tpu.memory_space<hbm>> -> memref<128x128xf32, #tpu.memory_space<hbm>>
      tpu.enqueue_dma source(%dma_start3A_276 : memref<128x128xf32, #tpu.memory_space<hbm>>) target(%dma_start3A_274 : memref<128x128xf32, #tpu.memory_space<vmem>>) target_semaphore(%dma_start3A_270 : memref<!tpu.dma_semaphore, #tpu.memory_space<semaphore_mem>>)
    } else {
    }
    %not3A_111 = arith.constant true
    %not3A_112 = arith.xori %and3A_81, %not3A_111 : i1
    %gt3A_113 = arith.constant 256 : i32
    %gt3A_114 = arith.cmpi sgt, %min3A, %gt3A_113 : i32
    %and3A_115 = arith.andi %not3A_112, %gt3A_114 : i1
    %convert_element_type3A_116 = arith.extui %and3A_115 : i1 to i32
    %cond3A_117 = arith.constant 0 : i32
    %cond3A_118 = arith.cmpi ne, %convert_element_type3A_116, %cond3A_117 : i32
    scf.if %cond3A_118 {
      %add3A_232 = arith.constant 256 : i32
      %add3A_233 = arith.addi %multiple_of3A, %add3A_232 : i32
      %add3A_234 = arith.constant 0 : i32
      %add3A_235 = arith.addi %add3A_233, %add3A_234 : i32
      %add3A_236 = vector.broadcast %add3A_235 : i32 to vector<16xi32>
      %add3A_237 = arith.addi %add3A_236, %iota3A : vector<16xi32>
      %lt3A_238 = vector.broadcast %sub3A_52 : i32 to vector<16xi32>
      %lt3A_239 = arith.cmpi slt, %add3A_237, %lt3A_238 : vector<16xi32>
      %add3A_240 = vector.broadcast %reduce_sum3A_40 : i32 to vector<16xi32>
      %add3A_241 = arith.addi %add3A_240, %add3A_237 : vector<16xi32>
      %jit3A_242 = arith.constant 0 : i32
      %broadcast_in_dim3A_243 = vector.broadcast %jit3A_242 : i32 to vector<16xi32>
      %select_n3A_244 = arith.select %lt3A_239, %add3A_241, %broadcast_in_dim3A_243 : vector<16xi1>, vector<16xi32>
      %jit3A_245 = arith.constant 0 : i32
      %jit3A_246 = arith.constant 8191 : i32
      %max3A_247 = vector.broadcast %jit3A_245 : i32 to vector<16xi32>
      %max3A_248 = arith.maxsi %max3A_247, %select_n3A_244 : vector<16xi32>
      %min3A_249 = vector.broadcast %jit3A_246 : i32 to vector<16xi32>
      %min3A_250 = arith.minsi %min3A_249, %max3A_248 : vector<16xi32>
      %swap3A = arith.constant 2 : i32
      %swap3A_251 = arith.index_cast %swap3A : i32 to index
      %swap3A_252 = arith.constant 0 : index
      %swap3A_253 = tpu.vector_load %arg7[%swap3A_251, %swap3A_252] {strides = array<i32>} : memref<4x128xi32, #tpu.memory_space<vmem>>, vector<16xi32>,
      tpu.vector_store %arg7[%swap3A_251, %swap3A_252], %min3A_250 {strides = array<i32>} : memref<4x128xi32, #tpu.memory_space<vmem>>, vector<16xi32>,
      %add3A_254 = arith.constant 256 : i32
      %add3A_255 = arith.addi %multiple_of3A, %add3A_254 : i32
      %add3A_256 = arith.constant 16 : i32
      %add3A_257 = arith.addi %add3A_255, %add3A_256 : i32
      %add3A_258 = vector.broadcast %add3A_257 : i32 to vector<16xi32>
      %add3A_259 = arith.addi %add3A_258, %iota3A : vector<16xi32>
      %lt3A_260 = vector.broadcast %sub3A_52 : i32 to vector<16xi32>
      %lt3A_261 = arith.cmpi slt, %add3A_259, %lt3A_260 : vector<16xi32>
      %add3A_262 = vector.broadcast %reduce_sum3A_40 : i32 to vector<16xi32>
      %add3A_263 = arith.addi %add3A_262, %add3A_259 : vector<16xi32>
      %jit3A_264 = arith.constant 0 : i32
      %broadcast_in_dim3A_265 = vector.broadcast %jit3A_264 : i32 to vector<16xi32>
      %select_n3A_266 = arith.select %lt3A_261, %add3A_263, %broadcast_in_dim3A_265 : vector<16xi1>, vector<16xi32>
      %jit3A_267 = arith.constant 0 : i32
      %jit3A_268 = arith.constant 8191 : i32
      %max3A_269 = vector.broadcast %jit3A_267 : i32 to vector<16xi32>
      %max3A_270 = arith.maxsi %max3A_269, %select_n3A_266 : vector<16xi32>
      %min3A_271 = vector.broadcast %jit3A_268 : i32 to vector<16xi32>
      %min3A_272 = arith.minsi %min3A_271, %max3A_270 : vector<16xi32>
      %swap3A_273 = arith.constant 2 : i32
      %swap3A_274 = arith.index_cast %swap3A_273 : i32 to index
      %swap3A_275 = arith.constant 16 : index
      %swap3A_276 = tpu.vector_load %arg7[%swap3A_274, %swap3A_275] {strides = array<i32>} : memref<4x128xi32, #tpu.memory_space<vmem>>, vector<16xi32>,
      tpu.vector_store %arg7[%swap3A_274, %swap3A_275], %min3A_272 {strides = array<i32>} : memref<4x128xi32, #tpu.memory_space<vmem>>, vector<16xi32>,
      %add3A_277 = arith.constant 256 : i32
      %add3A_278 = arith.addi %multiple_of3A, %add3A_277 : i32
      %add3A_279 = arith.constant 32 : i32
      %add3A_280 = arith.addi %add3A_278, %add3A_279 : i32
      %add3A_281 = vector.broadcast %add3A_280 : i32 to vector<16xi32>
      %add3A_282 = arith.addi %add3A_281, %iota3A : vector<16xi32>
      %lt3A_283 = vector.broadcast %sub3A_52 : i32 to vector<16xi32>
      %lt3A_284 = arith.cmpi slt, %add3A_282, %lt3A_283 : vector<16xi32>
      %add3A_285 = vector.broadcast %reduce_sum3A_40 : i32 to vector<16xi32>
      %add3A_286 = arith.addi %add3A_285, %add3A_282 : vector<16xi32>
      %jit3A_287 = arith.constant 0 : i32
      %broadcast_in_dim3A_288 = vector.broadcast %jit3A_287 : i32 to vector<16xi32>
      %select_n3A_289 = arith.select %lt3A_284, %add3A_286, %broadcast_in_dim3A_288 : vector<16xi1>, vector<16xi32>
      %jit3A_290 = arith.constant 0 : i32
      %jit3A_291 = arith.constant 8191 : i32
      %max3A_292 = vector.broadcast %jit3A_290 : i32 to vector<16xi32>
      %max3A_293 = arith.maxsi %max3A_292, %select_n3A_289 : vector<16xi32>
      %min3A_294 = vector.broadcast %jit3A_291 : i32 to vector<16xi32>
      %min3A_295 = arith.minsi %min3A_294, %max3A_293 : vector<16xi32>
      %swap3A_296 = arith.constant 2 : i32
      %swap3A_297 = arith.index_cast %swap3A_296 : i32 to index
      %swap3A_298 = arith.constant 32 : index
      %swap3A_299 = tpu.vector_load %arg7[%swap3A_297, %swap3A_298] {strides = array<i32>} : memref<4x128xi32, #tpu.memory_space<vmem>>, vector<16xi32>,
      tpu.vector_store %arg7[%swap3A_297, %swap3A_298], %min3A_295 {strides = array<i32>} : memref<4x128xi32, #tpu.memory_space<vmem>>, vector<16xi32>,
      %add3A_300 = arith.constant 256 : i32
      %add3A_301 = arith.addi %multiple_of3A, %add3A_300 : i32
      %add3A_302 = arith.constant 48 : i32
      %add3A_303 = arith.addi %add3A_301, %add3A_302 : i32
      %add3A_304 = vector.broadcast %add3A_303 : i32 to vector<16xi32>
      %add3A_305 = arith.addi %add3A_304, %iota3A : vector<16xi32>
      %lt3A_306 = vector.broadcast %sub3A_52 : i32 to vector<16xi32>
      %lt3A_307 = arith.cmpi slt, %add3A_305, %lt3A_306 : vector<16xi32>
      %add3A_308 = vector.broadcast %reduce_sum3A_40 : i32 to vector<16xi32>
      %add3A_309 = arith.addi %add3A_308, %add3A_305 : vector<16xi32>
      %jit3A_310 = arith.constant 0 : i32
      %broadcast_in_dim3A_311 = vector.broadcast %jit3A_310 : i32 to vector<16xi32>
      %select_n3A_312 = arith.select %lt3A_307, %add3A_309, %broadcast_in_dim3A_311 : vector<16xi1>, vector<16xi32>
      %jit3A_313 = arith.constant 0 : i32
      %jit3A_314 = arith.constant 8191 : i32
      %max3A_315 = vector.broadcast %jit3A_313 : i32 to vector<16xi32>
      %max3A_316 = arith.maxsi %max3A_315, %select_n3A_312 : vector<16xi32>
      %min3A_317 = vector.broadcast %jit3A_314 : i32 to vector<16xi32>
      %min3A_318 = arith.minsi %min3A_317, %max3A_316 : vector<16xi32>
      %swap3A_319 = arith.constant 2 : i32
      %swap3A_320 = arith.index_cast %swap3A_319 : i32 to index
      %swap3A_321 = arith.constant 48 : index
      %swap3A_322 = tpu.vector_load %arg7[%swap3A_320, %swap3A_321] {strides = array<i32>} : memref<4x128xi32, #tpu.memory_space<vmem>>, vector<16xi32>,
      tpu.vector_store %arg7[%swap3A_320, %swap3A_321], %min3A_318 {strides = array<i32>} : memref<4x128xi32, #tpu.memory_space<vmem>>, vector<16xi32>,
      %add3A_323 = arith.constant 256 : i32
      %add3A_324 = arith.addi %multiple_of3A, %add3A_323 : i32
      %add3A_325 = arith.constant 64 : i32
      %add3A_326 = arith.addi %add3A_324, %add3A_325 : i32
      %add3A_327 = vector.broadcast %add3A_326 : i32 to vector<16xi32>
      %add3A_328 = arith.addi %add3A_327, %iota3A : vector<16xi32>
      %lt3A_329 = vector.broadcast %sub3A_52 : i32 to vector<16xi32>
      %lt3A_330 = arith.cmpi slt, %add3A_328, %lt3A_329 : vector<16xi32>
      %add3A_331 = vector.broadcast %reduce_sum3A_40 : i32 to vector<16xi32>
      %add3A_332 = arith.addi %add3A_331, %add3A_328 : vector<16xi32>
      %jit3A_333 = arith.constant 0 : i32
      %broadcast_in_dim3A_334 = vector.broadcast %jit3A_333 : i32 to vector<16xi32>
      %select_n3A_335 = arith.select %lt3A_330, %add3A_332, %broadcast_in_dim3A_334 : vector<16xi1>, vector<16xi32>
      %jit3A_336 = arith.constant 0 : i32
      %jit3A_337 = arith.constant 8191 : i32
      %max3A_338 = vector.broadcast %jit3A_336 : i32 to vector<16xi32>
      %max3A_339 = arith.maxsi %max3A_338, %select_n3A_335 : vector<16xi32>
      %min3A_340 = vector.broadcast %jit3A_337 : i32 to vector<16xi32>
      %min3A_341 = arith.minsi %min3A_340, %max3A_339 : vector<16xi32>
      %swap3A_342 = arith.constant 2 : i32
      %swap3A_343 = arith.index_cast %swap3A_342 : i32 to index
      %swap3A_344 = arith.constant 64 : index
      %swap3A_345 = tpu.vector_load %arg7[%swap3A_343, %swap3A_344] {strides = array<i32>} : memref<4x128xi32, #tpu.memory_space<vmem>>, vector<16xi32>,
      tpu.vector_store %arg7[%swap3A_343, %swap3A_344], %min3A_341 {strides = array<i32>} : memref<4x128xi32, #tpu.memory_space<vmem>>, vector<16xi32>,
      %add3A_346 = arith.constant 256 : i32
      %add3A_347 = arith.addi %multiple_of3A, %add3A_346 : i32
      %add3A_348 = arith.constant 80 : i32
      %add3A_349 = arith.addi %add3A_347, %add3A_348 : i32
      %add3A_350 = vector.broadcast %add3A_349 : i32 to vector<16xi32>
      %add3A_351 = arith.addi %add3A_350, %iota3A : vector<16xi32>
      %lt3A_352 = vector.broadcast %sub3A_52 : i32 to vector<16xi32>
      %lt3A_353 = arith.cmpi slt, %add3A_351, %lt3A_352 : vector<16xi32>
      %add3A_354 = vector.broadcast %reduce_sum3A_40 : i32 to vector<16xi32>
      %add3A_355 = arith.addi %add3A_354, %add3A_351 : vector<16xi32>
      %jit3A_356 = arith.constant 0 : i32
      %broadcast_in_dim3A_357 = vector.broadcast %jit3A_356 : i32 to vector<16xi32>
      %select_n3A_358 = arith.select %lt3A_353, %add3A_355, %broadcast_in_dim3A_357 : vector<16xi1>, vector<16xi32>
      %jit3A_359 = arith.constant 0 : i32
      %jit3A_360 = arith.constant 8191 : i32
      %max3A_361 = vector.broadcast %jit3A_359 : i32 to vector<16xi32>
      %max3A_362 = arith.maxsi %max3A_361, %select_n3A_358 : vector<16xi32>
      %min3A_363 = vector.broadcast %jit3A_360 : i32 to vector<16xi32>
      %min3A_364 = arith.minsi %min3A_363, %max3A_362 : vector<16xi32>
      %swap3A_365 = arith.constant 2 : i32
      %swap3A_366 = arith.index_cast %swap3A_365 : i32 to index
      %swap3A_367 = arith.constant 80 : index
      %swap3A_368 = tpu.vector_load %arg7[%swap3A_366, %swap3A_367] {strides = array<i32>} : memref<4x128xi32, #tpu.memory_space<vmem>>, vector<16xi32>,
      tpu.vector_store %arg7[%swap3A_366, %swap3A_367], %min3A_364 {strides = array<i32>} : memref<4x128xi32, #tpu.memory_space<vmem>>, vector<16xi32>,
      %add3A_369 = arith.constant 256 : i32
      %add3A_370 = arith.addi %multiple_of3A, %add3A_369 : i32
      %add3A_371 = arith.constant 96 : i32
      %add3A_372 = arith.addi %add3A_370, %add3A_371 : i32
      %add3A_373 = vector.broadcast %add3A_372 : i32 to vector<16xi32>
      %add3A_374 = arith.addi %add3A_373, %iota3A : vector<16xi32>
      %lt3A_375 = vector.broadcast %sub3A_52 : i32 to vector<16xi32>
      %lt3A_376 = arith.cmpi slt, %add3A_374, %lt3A_375 : vector<16xi32>
      %add3A_377 = vector.broadcast %reduce_sum3A_40 : i32 to vector<16xi32>
      %add3A_378 = arith.addi %add3A_377, %add3A_374 : vector<16xi32>
      %jit3A_379 = arith.constant 0 : i32
      %broadcast_in_dim3A_380 = vector.broadcast %jit3A_379 : i32 to vector<16xi32>
      %select_n3A_381 = arith.select %lt3A_376, %add3A_378, %broadcast_in_dim3A_380 : vector<16xi1>, vector<16xi32>
      %jit3A_382 = arith.constant 0 : i32
      %jit3A_383 = arith.constant 8191 : i32
      %max3A_384 = vector.broadcast %jit3A_382 : i32 to vector<16xi32>
      %max3A_385 = arith.maxsi %max3A_384, %select_n3A_381 : vector<16xi32>
      %min3A_386 = vector.broadcast %jit3A_383 : i32 to vector<16xi32>
      %min3A_387 = arith.minsi %min3A_386, %max3A_385 : vector<16xi32>
      %swap3A_388 = arith.constant 2 : i32
      %swap3A_389 = arith.index_cast %swap3A_388 : i32 to index
      %swap3A_390 = arith.constant 96 : index
      %swap3A_391 = tpu.vector_load %arg7[%swap3A_389, %swap3A_390] {strides = array<i32>} : memref<4x128xi32, #tpu.memory_space<vmem>>, vector<16xi32>,
      tpu.vector_store %arg7[%swap3A_389, %swap3A_390], %min3A_387 {strides = array<i32>} : memref<4x128xi32, #tpu.memory_space<vmem>>, vector<16xi32>,
      %add3A_392 = arith.constant 256 : i32
      %add3A_393 = arith.addi %multiple_of3A, %add3A_392 : i32
      %add3A_394 = arith.constant 112 : i32
      %add3A_395 = arith.addi %add3A_393, %add3A_394 : i32
      %add3A_396 = vector.broadcast %add3A_395 : i32 to vector<16xi32>
      %add3A_397 = arith.addi %add3A_396, %iota3A : vector<16xi32>
      %lt3A_398 = vector.broadcast %sub3A_52 : i32 to vector<16xi32>
      %lt3A_399 = arith.cmpi slt, %add3A_397, %lt3A_398 : vector<16xi32>
      %add3A_400 = vector.broadcast %reduce_sum3A_40 : i32 to vector<16xi32>
      %add3A_401 = arith.addi %add3A_400, %add3A_397 : vector<16xi32>
      %jit3A_402 = arith.constant 0 : i32
      %broadcast_in_dim3A_403 = vector.broadcast %jit3A_402 : i32 to vector<16xi32>
      %select_n3A_404 = arith.select %lt3A_399, %add3A_401, %broadcast_in_dim3A_403 : vector<16xi1>, vector<16xi32>
      %jit3A_405 = arith.constant 0 : i32
      %jit3A_406 = arith.constant 8191 : i32
      %max3A_407 = vector.broadcast %jit3A_405 : i32 to vector<16xi32>
      %max3A_408 = arith.maxsi %max3A_407, %select_n3A_404 : vector<16xi32>
      %min3A_409 = vector.broadcast %jit3A_406 : i32 to vector<16xi32>
      %min3A_410 = arith.minsi %min3A_409, %max3A_408 : vector<16xi32>
      %swap3A_411 = arith.constant 2 : i32
      %swap3A_412 = arith.index_cast %swap3A_411 : i32 to index
      %swap3A_413 = arith.constant 112 : index
      %swap3A_414 = tpu.vector_load %arg7[%swap3A_412, %swap3A_413] {strides = array<i32>} : memref<4x128xi32, #tpu.memory_space<vmem>>, vector<16xi32>,
      tpu.vector_store %arg7[%swap3A_412, %swap3A_413], %min3A_410 {strides = array<i32>} : memref<4x128xi32, #tpu.memory_space<vmem>>, vector<16xi32>,
      %dma_start3A = arith.constant 2 : i32
      %dma_start3A_415 = arith.constant 2 : i32
      %dma_start3A_416 = arith.constant 2 : i32
      %dma_start3A_417 = arith.constant 0 : i32
      %dma_start3A_418 = arith.constant 0 : i32
      %dma_start3A_419 = tpu.memref_slice %arg8[%dma_start3A_415, %dma_start3A_417, %dma_start3A_418] : memref<4x128x128xf32, #tpu.memory_space<vmem>> -> memref<1x128x128xf32, #tpu.memory_space<vmem>>
      %dma_start3A_420 = tpu.memref_squeeze %dma_start3A_419 : memref<1x128x128xf32, #tpu.memory_space<vmem>> -> memref<128x128xf32, #tpu.memory_space<vmem>>
      %dma_start3A_421 = arith.constant 0 : i32
      %dma_start3A_422 = tpu.memref_slice %arg7[%dma_start3A, %dma_start3A_421] : memref<4x128xi32, #tpu.memory_space<vmem>> -> memref<1x128xi32, #tpu.memory_space<vmem>>
      %dma_start3A_423 = tpu.memref_squeeze %dma_start3A_422 : memref<1x128xi32, #tpu.memory_space<vmem>> -> memref<128xi32, #tpu.memory_space<vmem>>
      %dma_start3A_424 = arith.constant 0 : i32
      %dma_start3A_425 = arith.constant 0 : i32
      %dma_start3A_426 = tpu.memref_slice %arg2[%dma_start3A_424, %dma_start3A_425] : memref<8192x128xf32, #tpu.memory_space<hbm>> -> memref<8192x128xf32, #tpu.memory_space<hbm>>
      %dma_start3A_427 = tpu.memref_slice %arg10[%dma_start3A_416] : memref<4x!tpu.dma_semaphore, #tpu.memory_space<semaphore_mem>> -> memref<1x!tpu.dma_semaphore, #tpu.memory_space<semaphore_mem>>
      %dma_start3A_428 = tpu.memref_squeeze %dma_start3A_427 : memref<1x!tpu.dma_semaphore, #tpu.memory_space<semaphore_mem>> -> memref<!tpu.dma_semaphore, #tpu.memory_space<semaphore_mem>>
      tpu.enqueue_indirect_dma source(%dma_start3A_426 : memref<8192x128xf32, #tpu.memory_space<hbm>>) target(%dma_start3A_420 : memref<128x128xf32, #tpu.memory_space<vmem>>) offsets(%dma_start3A_423 : memref<128xi32, #tpu.memory_space<vmem>>) semaphore(%dma_start3A_428 : memref<!tpu.dma_semaphore, #tpu.memory_space<semaphore_mem>>)
    } else {
    }
    %convert_element_type3A_119 = arith.extui %and3A_84 : i1 to i32
    %cond3A_120 = arith.constant 0 : i32
    %cond3A_121 = arith.cmpi ne, %convert_element_type3A_119, %cond3A_120 : i32
    scf.if %cond3A_121 {
      %jit3A_232 = arith.constant 8 : i32
      %div3A_233 = arith.divsi %reduce_sum3A_40, %jit3A_232 : i32
      %sign3A_234 = arith.constant 0 : i32
      %sign3A_235 = arith.cmpi sgt, %reduce_sum3A_40, %sign3A_234 : i32
      %sign3A_236 = arith.extui %sign3A_235 : i1 to i32
      %sign3A_237 = arith.constant 0 : i32
      %sign3A_238 = arith.cmpi slt, %reduce_sum3A_40, %sign3A_237 : i32
      %sign3A_239 = arith.extui %sign3A_238 : i1 to i32
      %sign3A_240 = arith.subi %sign3A_236, %sign3A_239 : i32
      %sign3A_241 = arith.constant 0 : i32
      %sign3A_242 = arith.cmpi sgt, %jit3A_232, %sign3A_241 : i32
      %sign3A_243 = arith.extui %sign3A_242 : i1 to i32
      %sign3A_244 = arith.constant 0 : i32
      %sign3A_245 = arith.cmpi slt, %jit3A_232, %sign3A_244 : i32
      %sign3A_246 = arith.extui %sign3A_245 : i1 to i32
      %sign3A_247 = arith.subi %sign3A_243, %sign3A_246 : i32
      %ne3A_248 = arith.cmpi ne, %sign3A_240, %sign3A_247 : i32
      %rem3A_249 = arith.remsi %reduce_sum3A_40, %jit3A_232 : i32
      %ne3A_250 = arith.constant 0 : i32
      %ne3A_251 = arith.cmpi ne, %rem3A_249, %ne3A_250 : i32
      %and3A_252 = arith.andi %ne3A_248, %ne3A_251 : i1
      %sub3A_253 = arith.constant 1 : i32
      %sub3A_254 = arith.subi %div3A_233, %sub3A_253 : i32
      %select_n3A_255 = arith.select %and3A_252, %sub3A_254, %div3A_233 : i32
      %mul3A_256 = arith.constant 8 : i32
      %mul3A_257 = arith.muli %select_n3A_255, %mul3A_256 : i32
      %add3A_258 = arith.addi %mul3A_257, %multiple_of3A : i32
      %add3A_259 = arith.constant 384 : i32
      %add3A_260 = arith.addi %add3A_258, %add3A_259 : i32
      %multiple_of3A_261 = tpu.assume_multiple %add3A_260, 8 : i32
      %dma_start3A = arith.constant 3 : i32
      %dma_start3A_262 = arith.constant 3 : i32
      %dma_start3A_263 = arith.constant 0 : i32
      %dma_start3A_264 = arith.constant 0 : i32
      %dma_start3A_265 = tpu.memref_slice %arg8[%dma_start3A, %dma_start3A_263, %dma_start3A_264] : memref<4x128x128xf32, #tpu.memory_space<vmem>> -> memref<1x128x128xf32, #tpu.memory_space<vmem>>
      %dma_start3A_266 = tpu.memref_squeeze %dma_start3A_265 : memref<1x128x128xf32, #tpu.memory_space<vmem>> -> memref<128x128xf32, #tpu.memory_space<vmem>>
      %dma_start3A_267 = arith.constant 0 : i32
      %dma_start3A_268 = tpu.memref_slice %arg2[%multiple_of3A_261, %dma_start3A_267] : memref<8192x128xf32, #tpu.memory_space<hbm>> -> memref<128x128xf32, #tpu.memory_space<hbm>>
      %dma_start3A_269 = tpu.memref_slice %arg10[%dma_start3A_262] : memref<4x!tpu.dma_semaphore, #tpu.memory_space<semaphore_mem>> -> memref<1x!tpu.dma_semaphore, #tpu.memory_space<semaphore_mem>>
      %dma_start3A_270 = tpu.memref_squeeze %dma_start3A_269 : memref<1x!tpu.dma_semaphore, #tpu.memory_space<semaphore_mem>> -> memref<!tpu.dma_semaphore, #tpu.memory_space<semaphore_mem>>
      %dma_start3A_271 = arith.constant 0 : i32
      %dma_start3A_272 = arith.constant 0 : i32
      %dma_start3A_273 = tpu.memref_slice %arg8[%dma_start3A, %dma_start3A_271, %dma_start3A_272] : memref<4x128x128xf32, #tpu.memory_space<vmem>> -> memref<1x128x128xf32, #tpu.memory_space<vmem>>
      %dma_start3A_274 = tpu.memref_squeeze %dma_start3A_273 : memref<1x128x128xf32, #tpu.memory_space<vmem>> -> memref<128x128xf32, #tpu.memory_space<vmem>>
      %dma_start3A_275 = arith.constant 0 : i32
      %dma_start3A_276 = tpu.memref_slice %arg2[%multiple_of3A_261, %dma_start3A_275] : memref<8192x128xf32, #tpu.memory_space<hbm>> -> memref<128x128xf32, #tpu.memory_space<hbm>>
      tpu.enqueue_dma source(%dma_start3A_276 : memref<128x128xf32, #tpu.memory_space<hbm>>) target(%dma_start3A_274 : memref<128x128xf32, #tpu.memory_space<vmem>>) target_semaphore(%dma_start3A_270 : memref<!tpu.dma_semaphore, #tpu.memory_space<semaphore_mem>>)
    } else {
    }
    %not3A_122 = arith.constant true
    %not3A_123 = arith.xori %and3A_84, %not3A_122 : i1
    %gt3A_124 = arith.constant 384 : i32
    %gt3A_125 = arith.cmpi sgt, %min3A, %gt3A_124 : i32
    %and3A_126 = arith.andi %not3A_123, %gt3A_125 : i1
    %convert_element_type3A_127 = arith.extui %and3A_126 : i1 to i32
    %cond3A_128 = arith.constant 0 : i32
    %cond3A_129 = arith.cmpi ne, %convert_element_type3A_127, %cond3A_128 : i32
    scf.if %cond3A_129 {
      %add3A_232 = arith.constant 384 : i32
      %add3A_233 = arith.addi %multiple_of3A, %add3A_232 : i32
      %add3A_234 = arith.constant 0 : i32
      %add3A_235 = arith.addi %add3A_233, %add3A_234 : i32
      %add3A_236 = vector.broadcast %add3A_235 : i32 to vector<16xi32>
      %add3A_237 = arith.addi %add3A_236, %iota3A : vector<16xi32>
      %lt3A_238 = vector.broadcast %sub3A_52 : i32 to vector<16xi32>
      %lt3A_239 = arith.cmpi slt, %add3A_237, %lt3A_238 : vector<16xi32>
      %add3A_240 = vector.broadcast %reduce_sum3A_40 : i32 to vector<16xi32>
      %add3A_241 = arith.addi %add3A_240, %add3A_237 : vector<16xi32>
      %jit3A_242 = arith.constant 0 : i32
      %broadcast_in_dim3A_243 = vector.broadcast %jit3A_242 : i32 to vector<16xi32>
      %select_n3A_244 = arith.select %lt3A_239, %add3A_241, %broadcast_in_dim3A_243 : vector<16xi1>, vector<16xi32>
      %jit3A_245 = arith.constant 0 : i32
      %jit3A_246 = arith.constant 8191 : i32
      %max3A_247 = vector.broadcast %jit3A_245 : i32 to vector<16xi32>
      %max3A_248 = arith.maxsi %max3A_247, %select_n3A_244 : vector<16xi32>
      %min3A_249 = vector.broadcast %jit3A_246 : i32 to vector<16xi32>
      %min3A_250 = arith.minsi %min3A_249, %max3A_248 : vector<16xi32>
      %swap3A = arith.constant 3 : i32
      %swap3A_251 = arith.index_cast %swap3A : i32 to index
      %swap3A_252 = arith.constant 0 : index
      %swap3A_253 = tpu.vector_load %arg7[%swap3A_251, %swap3A_252] {strides = array<i32>} : memref<4x128xi32, #tpu.memory_space<vmem>>, vector<16xi32>,
      tpu.vector_store %arg7[%swap3A_251, %swap3A_252], %min3A_250 {strides = array<i32>} : memref<4x128xi32, #tpu.memory_space<vmem>>, vector<16xi32>,
      %add3A_254 = arith.constant 384 : i32
      %add3A_255 = arith.addi %multiple_of3A, %add3A_254 : i32
      %add3A_256 = arith.constant 16 : i32
      %add3A_257 = arith.addi %add3A_255, %add3A_256 : i32
      %add3A_258 = vector.broadcast %add3A_257 : i32 to vector<16xi32>
      %add3A_259 = arith.addi %add3A_258, %iota3A : vector<16xi32>
      %lt3A_260 = vector.broadcast %sub3A_52 : i32 to vector<16xi32>
      %lt3A_261 = arith.cmpi slt, %add3A_259, %lt3A_260 : vector<16xi32>
      %add3A_262 = vector.broadcast %reduce_sum3A_40 : i32 to vector<16xi32>
      %add3A_263 = arith.addi %add3A_262, %add3A_259 : vector<16xi32>
      %jit3A_264 = arith.constant 0 : i32
      %broadcast_in_dim3A_265 = vector.broadcast %jit3A_264 : i32 to vector<16xi32>
      %select_n3A_266 = arith.select %lt3A_261, %add3A_263, %broadcast_in_dim3A_265 : vector<16xi1>, vector<16xi32>
      %jit3A_267 = arith.constant 0 : i32
      %jit3A_268 = arith.constant 8191 : i32
      %max3A_269 = vector.broadcast %jit3A_267 : i32 to vector<16xi32>
      %max3A_270 = arith.maxsi %max3A_269, %select_n3A_266 : vector<16xi32>
      %min3A_271 = vector.broadcast %jit3A_268 : i32 to vector<16xi32>
      %min3A_272 = arith.minsi %min3A_271, %max3A_270 : vector<16xi32>
      %swap3A_273 = arith.constant 3 : i32
      %swap3A_274 = arith.index_cast %swap3A_273 : i32 to index
      %swap3A_275 = arith.constant 16 : index
      %swap3A_276 = tpu.vector_load %arg7[%swap3A_274, %swap3A_275] {strides = array<i32>} : memref<4x128xi32, #tpu.memory_space<vmem>>, vector<16xi32>,
      tpu.vector_store %arg7[%swap3A_274, %swap3A_275], %min3A_272 {strides = array<i32>} : memref<4x128xi32, #tpu.memory_space<vmem>>, vector<16xi32>,
      %add3A_277 = arith.constant 384 : i32
      %add3A_278 = arith.addi %multiple_of3A, %add3A_277 : i32
      %add3A_279 = arith.constant 32 : i32
      %add3A_280 = arith.addi %add3A_278, %add3A_279 : i32
      %add3A_281 = vector.broadcast %add3A_280 : i32 to vector<16xi32>
      %add3A_282 = arith.addi %add3A_281, %iota3A : vector<16xi32>
      %lt3A_283 = vector.broadcast %sub3A_52 : i32 to vector<16xi32>
      %lt3A_284 = arith.cmpi slt, %add3A_282, %lt3A_283 : vector<16xi32>
      %add3A_285 = vector.broadcast %reduce_sum3A_40 : i32 to vector<16xi32>
      %add3A_286 = arith.addi %add3A_285, %add3A_282 : vector<16xi32>
      %jit3A_287 = arith.constant 0 : i32
      %broadcast_in_dim3A_288 = vector.broadcast %jit3A_287 : i32 to vector<16xi32>
      %select_n3A_289 = arith.select %lt3A_284, %add3A_286, %broadcast_in_dim3A_288 : vector<16xi1>, vector<16xi32>
      %jit3A_290 = arith.constant 0 : i32
      %jit3A_291 = arith.constant 8191 : i32
      %max3A_292 = vector.broadcast %jit3A_290 : i32 to vector<16xi32>
      %max3A_293 = arith.maxsi %max3A_292, %select_n3A_289 : vector<16xi32>
      %min3A_294 = vector.broadcast %jit3A_291 : i32 to vector<16xi32>
      %min3A_295 = arith.minsi %min3A_294, %max3A_293 : vector<16xi32>
      %swap3A_296 = arith.constant 3 : i32
      %swap3A_297 = arith.index_cast %swap3A_296 : i32 to index
      %swap3A_298 = arith.constant 32 : index
      %swap3A_299 = tpu.vector_load %arg7[%swap3A_297, %swap3A_298] {strides = array<i32>} : memref<4x128xi32, #tpu.memory_space<vmem>>, vector<16xi32>,
      tpu.vector_store %arg7[%swap3A_297, %swap3A_298], %min3A_295 {strides = array<i32>} : memref<4x128xi32, #tpu.memory_space<vmem>>, vector<16xi32>,
      %add3A_300 = arith.constant 384 : i32
      %add3A_301 = arith.addi %multiple_of3A, %add3A_300 : i32
      %add3A_302 = arith.constant 48 : i32
      %add3A_303 = arith.addi %add3A_301, %add3A_302 : i32
      %add3A_304 = vector.broadcast %add3A_303 : i32 to vector<16xi32>
      %add3A_305 = arith.addi %add3A_304, %iota3A : vector<16xi32>
      %lt3A_306 = vector.broadcast %sub3A_52 : i32 to vector<16xi32>
      %lt3A_307 = arith.cmpi slt, %add3A_305, %lt3A_306 : vector<16xi32>
      %add3A_308 = vector.broadcast %reduce_sum3A_40 : i32 to vector<16xi32>
      %add3A_309 = arith.addi %add3A_308, %add3A_305 : vector<16xi32>
      %jit3A_310 = arith.constant 0 : i32
      %broadcast_in_dim3A_311 = vector.broadcast %jit3A_310 : i32 to vector<16xi32>
      %select_n3A_312 = arith.select %lt3A_307, %add3A_309, %broadcast_in_dim3A_311 : vector<16xi1>, vector<16xi32>
      %jit3A_313 = arith.constant 0 : i32
      %jit3A_314 = arith.constant 8191 : i32
      %max3A_315 = vector.broadcast %jit3A_313 : i32 to vector<16xi32>
      %max3A_316 = arith.maxsi %max3A_315, %select_n3A_312 : vector<16xi32>
      %min3A_317 = vector.broadcast %jit3A_314 : i32 to vector<16xi32>
      %min3A_318 = arith.minsi %min3A_317, %max3A_316 : vector<16xi32>
      %swap3A_319 = arith.constant 3 : i32
      %swap3A_320 = arith.index_cast %swap3A_319 : i32 to index
      %swap3A_321 = arith.constant 48 : index
      %swap3A_322 = tpu.vector_load %arg7[%swap3A_320, %swap3A_321] {strides = array<i32>} : memref<4x128xi32, #tpu.memory_space<vmem>>, vector<16xi32>,
      tpu.vector_store %arg7[%swap3A_320, %swap3A_321], %min3A_318 {strides = array<i32>} : memref<4x128xi32, #tpu.memory_space<vmem>>, vector<16xi32>,
      %add3A_323 = arith.constant 384 : i32
      %add3A_324 = arith.addi %multiple_of3A, %add3A_323 : i32
      %add3A_325 = arith.constant 64 : i32
      %add3A_326 = arith.addi %add3A_324, %add3A_325 : i32
      %add3A_327 = vector.broadcast %add3A_326 : i32 to vector<16xi32>
      %add3A_328 = arith.addi %add3A_327, %iota3A : vector<16xi32>
      %lt3A_329 = vector.broadcast %sub3A_52 : i32 to vector<16xi32>
      %lt3A_330 = arith.cmpi slt, %add3A_328, %lt3A_329 : vector<16xi32>
      %add3A_331 = vector.broadcast %reduce_sum3A_40 : i32 to vector<16xi32>
      %add3A_332 = arith.addi %add3A_331, %add3A_328 : vector<16xi32>
      %jit3A_333 = arith.constant 0 : i32
      %broadcast_in_dim3A_334 = vector.broadcast %jit3A_333 : i32 to vector<16xi32>
      %select_n3A_335 = arith.select %lt3A_330, %add3A_332, %broadcast_in_dim3A_334 : vector<16xi1>, vector<16xi32>
      %jit3A_336 = arith.constant 0 : i32
      %jit3A_337 = arith.constant 8191 : i32
      %max3A_338 = vector.broadcast %jit3A_336 : i32 to vector<16xi32>
      %max3A_339 = arith.maxsi %max3A_338, %select_n3A_335 : vector<16xi32>
      %min3A_340 = vector.broadcast %jit3A_337 : i32 to vector<16xi32>
      %min3A_341 = arith.minsi %min3A_340, %max3A_339 : vector<16xi32>
      %swap3A_342 = arith.constant 3 : i32
      %swap3A_343 = arith.index_cast %swap3A_342 : i32 to index
      %swap3A_344 = arith.constant 64 : index
      %swap3A_345 = tpu.vector_load %arg7[%swap3A_343, %swap3A_344] {strides = array<i32>} : memref<4x128xi32, #tpu.memory_space<vmem>>, vector<16xi32>,
      tpu.vector_store %arg7[%swap3A_343, %swap3A_344], %min3A_341 {strides = array<i32>} : memref<4x128xi32, #tpu.memory_space<vmem>>, vector<16xi32>,
      %add3A_346 = arith.constant 384 : i32
      %add3A_347 = arith.addi %multiple_of3A, %add3A_346 : i32
      %add3A_348 = arith.constant 80 : i32
      %add3A_349 = arith.addi %add3A_347, %add3A_348 : i32
      %add3A_350 = vector.broadcast %add3A_349 : i32 to vector<16xi32>
      %add3A_351 = arith.addi %add3A_350, %iota3A : vector<16xi32>
      %lt3A_352 = vector.broadcast %sub3A_52 : i32 to vector<16xi32>
      %lt3A_353 = arith.cmpi slt, %add3A_351, %lt3A_352 : vector<16xi32>
      %add3A_354 = vector.broadcast %reduce_sum3A_40 : i32 to vector<16xi32>
      %add3A_355 = arith.addi %add3A_354, %add3A_351 : vector<16xi32>
      %jit3A_356 = arith.constant 0 : i32
      %broadcast_in_dim3A_357 = vector.broadcast %jit3A_356 : i32 to vector<16xi32>
      %select_n3A_358 = arith.select %lt3A_353, %add3A_355, %broadcast_in_dim3A_357 : vector<16xi1>, vector<16xi32>
      %jit3A_359 = arith.constant 0 : i32
      %jit3A_360 = arith.constant 8191 : i32
      %max3A_361 = vector.broadcast %jit3A_359 : i32 to vector<16xi32>
      %max3A_362 = arith.maxsi %max3A_361, %select_n3A_358 : vector<16xi32>
      %min3A_363 = vector.broadcast %jit3A_360 : i32 to vector<16xi32>
      %min3A_364 = arith.minsi %min3A_363, %max3A_362 : vector<16xi32>
      %swap3A_365 = arith.constant 3 : i32
      %swap3A_366 = arith.index_cast %swap3A_365 : i32 to index
      %swap3A_367 = arith.constant 80 : index
      %swap3A_368 = tpu.vector_load %arg7[%swap3A_366, %swap3A_367] {strides = array<i32>} : memref<4x128xi32, #tpu.memory_space<vmem>>, vector<16xi32>,
      tpu.vector_store %arg7[%swap3A_366, %swap3A_367], %min3A_364 {strides = array<i32>} : memref<4x128xi32, #tpu.memory_space<vmem>>, vector<16xi32>,
      %add3A_369 = arith.constant 384 : i32
      %add3A_370 = arith.addi %multiple_of3A, %add3A_369 : i32
      %add3A_371 = arith.constant 96 : i32
      %add3A_372 = arith.addi %add3A_370, %add3A_371 : i32
      %add3A_373 = vector.broadcast %add3A_372 : i32 to vector<16xi32>
      %add3A_374 = arith.addi %add3A_373, %iota3A : vector<16xi32>
      %lt3A_375 = vector.broadcast %sub3A_52 : i32 to vector<16xi32>
      %lt3A_376 = arith.cmpi slt, %add3A_374, %lt3A_375 : vector<16xi32>
      %add3A_377 = vector.broadcast %reduce_sum3A_40 : i32 to vector<16xi32>
      %add3A_378 = arith.addi %add3A_377, %add3A_374 : vector<16xi32>
      %jit3A_379 = arith.constant 0 : i32
      %broadcast_in_dim3A_380 = vector.broadcast %jit3A_379 : i32 to vector<16xi32>
      %select_n3A_381 = arith.select %lt3A_376, %add3A_378, %broadcast_in_dim3A_380 : vector<16xi1>, vector<16xi32>
      %jit3A_382 = arith.constant 0 : i32
      %jit3A_383 = arith.constant 8191 : i32
      %max3A_384 = vector.broadcast %jit3A_382 : i32 to vector<16xi32>
      %max3A_385 = arith.maxsi %max3A_384, %select_n3A_381 : vector<16xi32>
      %min3A_386 = vector.broadcast %jit3A_383 : i32 to vector<16xi32>
      %min3A_387 = arith.minsi %min3A_386, %max3A_385 : vector<16xi32>
      %swap3A_388 = arith.constant 3 : i32
      %swap3A_389 = arith.index_cast %swap3A_388 : i32 to index
      %swap3A_390 = arith.constant 96 : index
      %swap3A_391 = tpu.vector_load %arg7[%swap3A_389, %swap3A_390] {strides = array<i32>} : memref<4x128xi32, #tpu.memory_space<vmem>>, vector<16xi32>,
      tpu.vector_store %arg7[%swap3A_389, %swap3A_390], %min3A_387 {strides = array<i32>} : memref<4x128xi32, #tpu.memory_space<vmem>>, vector<16xi32>,
      %add3A_392 = arith.constant 384 : i32
      %add3A_393 = arith.addi %multiple_of3A, %add3A_392 : i32
      %add3A_394 = arith.constant 112 : i32
      %add3A_395 = arith.addi %add3A_393, %add3A_394 : i32
      %add3A_396 = vector.broadcast %add3A_395 : i32 to vector<16xi32>
      %add3A_397 = arith.addi %add3A_396, %iota3A : vector<16xi32>
      %lt3A_398 = vector.broadcast %sub3A_52 : i32 to vector<16xi32>
      %lt3A_399 = arith.cmpi slt, %add3A_397, %lt3A_398 : vector<16xi32>
      %add3A_400 = vector.broadcast %reduce_sum3A_40 : i32 to vector<16xi32>
      %add3A_401 = arith.addi %add3A_400, %add3A_397 : vector<16xi32>
      %jit3A_402 = arith.constant 0 : i32
      %broadcast_in_dim3A_403 = vector.broadcast %jit3A_402 : i32 to vector<16xi32>
      %select_n3A_404 = arith.select %lt3A_399, %add3A_401, %broadcast_in_dim3A_403 : vector<16xi1>, vector<16xi32>
      %jit3A_405 = arith.constant 0 : i32
      %jit3A_406 = arith.constant 8191 : i32
      %max3A_407 = vector.broadcast %jit3A_405 : i32 to vector<16xi32>
      %max3A_408 = arith.maxsi %max3A_407, %select_n3A_404 : vector<16xi32>
      %min3A_409 = vector.broadcast %jit3A_406 : i32 to vector<16xi32>
      %min3A_410 = arith.minsi %min3A_409, %max3A_408 : vector<16xi32>
      %swap3A_411 = arith.constant 3 : i32
      %swap3A_412 = arith.index_cast %swap3A_411 : i32 to index
      %swap3A_413 = arith.constant 112 : index
      %swap3A_414 = tpu.vector_load %arg7[%swap3A_412, %swap3A_413] {strides = array<i32>} : memref<4x128xi32, #tpu.memory_space<vmem>>, vector<16xi32>,
      tpu.vector_store %arg7[%swap3A_412, %swap3A_413], %min3A_410 {strides = array<i32>} : memref<4x128xi32, #tpu.memory_space<vmem>>, vector<16xi32>,
      %dma_start3A = arith.constant 3 : i32
      %dma_start3A_415 = arith.constant 3 : i32
      %dma_start3A_416 = arith.constant 3 : i32
      %dma_start3A_417 = arith.constant 0 : i32
      %dma_start3A_418 = arith.constant 0 : i32
      %dma_start3A_419 = tpu.memref_slice %arg8[%dma_start3A_415, %dma_start3A_417, %dma_start3A_418] : memref<4x128x128xf32, #tpu.memory_space<vmem>> -> memref<1x128x128xf32, #tpu.memory_space<vmem>>
      %dma_start3A_420 = tpu.memref_squeeze %dma_start3A_419 : memref<1x128x128xf32, #tpu.memory_space<vmem>> -> memref<128x128xf32, #tpu.memory_space<vmem>>
      %dma_start3A_421 = arith.constant 0 : i32
      %dma_start3A_422 = tpu.memref_slice %arg7[%dma_start3A, %dma_start3A_421] : memref<4x128xi32, #tpu.memory_space<vmem>> -> memref<1x128xi32, #tpu.memory_space<vmem>>
      %dma_start3A_423 = tpu.memref_squeeze %dma_start3A_422 : memref<1x128xi32, #tpu.memory_space<vmem>> -> memref<128xi32, #tpu.memory_space<vmem>>
      %dma_start3A_424 = arith.constant 0 : i32
      %dma_start3A_425 = arith.constant 0 : i32
      %dma_start3A_426 = tpu.memref_slice %arg2[%dma_start3A_424, %dma_start3A_425] : memref<8192x128xf32, #tpu.memory_space<hbm>> -> memref<8192x128xf32, #tpu.memory_space<hbm>>
      %dma_start3A_427 = tpu.memref_slice %arg10[%dma_start3A_416] : memref<4x!tpu.dma_semaphore, #tpu.memory_space<semaphore_mem>> -> memref<1x!tpu.dma_semaphore, #tpu.memory_space<semaphore_mem>>
      %dma_start3A_428 = tpu.memref_squeeze %dma_start3A_427 : memref<1x!tpu.dma_semaphore, #tpu.memory_space<semaphore_mem>> -> memref<!tpu.dma_semaphore, #tpu.memory_space<semaphore_mem>>
      tpu.enqueue_indirect_dma source(%dma_start3A_426 : memref<8192x128xf32, #tpu.memory_space<hbm>>) target(%dma_start3A_420 : memref<128x128xf32, #tpu.memory_space<vmem>>) offsets(%dma_start3A_423 : memref<128xi32, #tpu.memory_space<vmem>>) semaphore(%dma_start3A_428 : memref<!tpu.dma_semaphore, #tpu.memory_space<semaphore_mem>>)
    } else {
    }
    %convert_element_type3A_130 = arith.extui %lt3A_86 : i1 to i32
    %cond3A_131 = arith.constant 0 : i32
    %cond3A_132 = arith.cmpi ne, %convert_element_type3A_130, %cond3A_131 : i32
    scf.if %cond3A_132 {
      tpu.wait_dma2 semaphore(%arg11 : memref<!tpu.dma_semaphore, #tpu.memory_space<semaphore_mem>>) src(%arg4 : memref<128x128xf32, #tpu.memory_space<hbm>>) dst(%arg9 : memref<128x128xf32, #tpu.memory_space<vmem>>)
    } else {
    }
    %add3A_133 = arith.constant 0 : i32
    %add3A_134 = arith.addi %multiple_of3A, %add3A_133 : i32
    %gt3A_135 = arith.constant 0 : i32
    %gt3A_136 = arith.cmpi sgt, %min3A, %gt3A_135 : i32
    %convert_element_type3A_137 = arith.extui %gt3A_136 : i1 to i32
    %cond3A_138 = arith.constant 0 : i32
    %cond3A_139 = arith.cmpi ne, %convert_element_type3A_137, %cond3A_138 : i32
    scf.if %cond3A_139 {
      %dma_wait3A = arith.constant 0 : i32
      %dma_wait3A_232 = arith.constant 0 : i32
      %dma_wait3A_233 = arith.constant 0 : i32
      %dma_wait3A_234 = arith.constant 0 : i32
      %dma_wait3A_235 = tpu.memref_slice %arg8[%dma_wait3A, %dma_wait3A_233, %dma_wait3A_234] : memref<4x128x128xf32, #tpu.memory_space<vmem>> -> memref<1x128x128xf32, #tpu.memory_space<vmem>>
      %dma_wait3A_236 = tpu.memref_squeeze %dma_wait3A_235 : memref<1x128x128xf32, #tpu.memory_space<vmem>> -> memref<128x128xf32, #tpu.memory_space<vmem>>
      %dma_wait3A_237 = arith.constant 0 : i32
      %dma_wait3A_238 = arith.constant 0 : i32
      %dma_wait3A_239 = tpu.memref_slice %arg2[%dma_wait3A_237, %dma_wait3A_238] : memref<8192x128xf32, #tpu.memory_space<hbm>> -> memref<128x128xf32, #tpu.memory_space<hbm>>
      %dma_wait3A_240 = tpu.memref_slice %arg10[%dma_wait3A_232] : memref<4x!tpu.dma_semaphore, #tpu.memory_space<semaphore_mem>> -> memref<1x!tpu.dma_semaphore, #tpu.memory_space<semaphore_mem>>
      %dma_wait3A_241 = tpu.memref_squeeze %dma_wait3A_240 : memref<1x!tpu.dma_semaphore, #tpu.memory_space<semaphore_mem>> -> memref<!tpu.dma_semaphore, #tpu.memory_space<semaphore_mem>>
      %dma_wait3A_242 = arith.constant 0 : i32
      %dma_wait3A_243 = arith.constant 0 : i32
      %dma_wait3A_244 = tpu.memref_slice %arg8[%dma_wait3A, %dma_wait3A_242, %dma_wait3A_243] : memref<4x128x128xf32, #tpu.memory_space<vmem>> -> memref<1x128x128xf32, #tpu.memory_space<vmem>>
      %dma_wait3A_245 = tpu.memref_squeeze %dma_wait3A_244 : memref<1x128x128xf32, #tpu.memory_space<vmem>> -> memref<128x128xf32, #tpu.memory_space<vmem>>
      %dma_wait3A_246 = arith.constant 0 : i32
      %dma_wait3A_247 = arith.constant 0 : i32
      %dma_wait3A_248 = tpu.memref_slice %arg2[%dma_wait3A_246, %dma_wait3A_247] : memref<8192x128xf32, #tpu.memory_space<hbm>> -> memref<128x128xf32, #tpu.memory_space<hbm>>
      tpu.wait_dma2 semaphore(%dma_wait3A_241 : memref<!tpu.dma_semaphore, #tpu.memory_space<semaphore_mem>>) src(%dma_wait3A_248 : memref<128x128xf32, #tpu.memory_space<hbm>>) dst(%dma_wait3A_245 : memref<128x128xf32, #tpu.memory_space<vmem>>)
    } else {
    }
    %not3A_140 = arith.constant true
    %not3A_141 = arith.xori %and3A_75, %not3A_140 : i1
    %gt3A_142 = arith.constant 0 : i32
    %gt3A_143 = arith.cmpi sgt, %min3A, %gt3A_142 : i32
    %and3A_144 = arith.andi %not3A_141, %gt3A_143 : i1
    %convert_element_type3A_145 = arith.extui %and3A_144 : i1 to i32
    %cond3A_146 = arith.constant 0 : i32
    %cond3A_147 = arith.cmpi ne, %convert_element_type3A_145, %cond3A_146 : i32
    scf.if %cond3A_147 {
      %sub3A_232 = arith.constant 0 : i32
      %sub3A_233 = arith.subi %min3A, %sub3A_232 : i32
      %max3A_234 = arith.constant 0 : i32
      %max3A_235 = arith.maxsi %sub3A_233, %max3A_234 : i32
      %while3A = arith.constant 0 : i32
      %while3A_236 = arith.constant 128 : i32
      %while3A_237 = arith.subi %while3A_236, %max3A_235 : i32
      %while3A_238 = arith.addi %max3A_235, %while3A_237 : i32
      %while3A_239 = arith.constant 1 : i32
      %while3A_240 = arith.divsi %while3A_237, %while3A_239 : i32
      %while3A_241 = arith.muli %while3A_240, %while3A_239 : i32
      %while3A_242 = arith.addi %max3A_235, %while3A_241 : i32
      %while3A_243 = arith.constant 1 : i32
      scf.for %while3A_245 = %max3A_235 to %while3A_242 step %while3A_243  : i32 {
        %broadcast_in_dim3A_246 = arith.constant 0.000000e+00 : f32
        %broadcast_in_dim3A_247 = vector.broadcast %broadcast_in_dim3A_246 : f32 to vector<16xf32>
        %swap3A = arith.constant 0 : i32
        %swap3A_248 = arith.index_cast %swap3A : i32 to index
        %swap3A_249 = arith.index_cast %while3A_245 : i32 to index
        %swap3A_250 = arith.constant 0 : index
        %swap3A_251 = tpu.vector_load %arg8[%swap3A_248, %swap3A_249, %swap3A_250] {strides = array<i32>} : memref<4x128x128xf32, #tpu.memory_space<vmem>>, vector<16xf32>,
        tpu.vector_store %arg8[%swap3A_248, %swap3A_249, %swap3A_250], %broadcast_in_dim3A_247 {strides = array<i32>} : memref<4x128x128xf32, #tpu.memory_space<vmem>>, vector<16xf32>,
        %broadcast_in_dim3A_252 = arith.constant 0.000000e+00 : f32
        %broadcast_in_dim3A_253 = vector.broadcast %broadcast_in_dim3A_252 : f32 to vector<16xf32>
        %swap3A_254 = arith.constant 0 : i32
        %swap3A_255 = arith.index_cast %swap3A_254 : i32 to index
        %swap3A_256 = arith.index_cast %while3A_245 : i32 to index
        %swap3A_257 = arith.constant 16 : index
        %swap3A_258 = tpu.vector_load %arg8[%swap3A_255, %swap3A_256, %swap3A_257] {strides = array<i32>} : memref<4x128x128xf32, #tpu.memory_space<vmem>>, vector<16xf32>,
        tpu.vector_store %arg8[%swap3A_255, %swap3A_256, %swap3A_257], %broadcast_in_dim3A_253 {strides = array<i32>} : memref<4x128x128xf32, #tpu.memory_space<vmem>>, vector<16xf32>,
        %broadcast_in_dim3A_259 = arith.constant 0.000000e+00 : f32
        %broadcast_in_dim3A_260 = vector.broadcast %broadcast_in_dim3A_259 : f32 to vector<16xf32>
        %swap3A_261 = arith.constant 0 : i32
        %swap3A_262 = arith.index_cast %swap3A_261 : i32 to index
        %swap3A_263 = arith.index_cast %while3A_245 : i32 to index
        %swap3A_264 = arith.constant 32 : index
        %swap3A_265 = tpu.vector_load %arg8[%swap3A_262, %swap3A_263, %swap3A_264] {strides = array<i32>} : memref<4x128x128xf32, #tpu.memory_space<vmem>>, vector<16xf32>,
        tpu.vector_store %arg8[%swap3A_262, %swap3A_263, %swap3A_264], %broadcast_in_dim3A_260 {strides = array<i32>} : memref<4x128x128xf32, #tpu.memory_space<vmem>>, vector<16xf32>,
        %broadcast_in_dim3A_266 = arith.constant 0.000000e+00 : f32
        %broadcast_in_dim3A_267 = vector.broadcast %broadcast_in_dim3A_266 : f32 to vector<16xf32>
        %swap3A_268 = arith.constant 0 : i32
        %swap3A_269 = arith.index_cast %swap3A_268 : i32 to index
        %swap3A_270 = arith.index_cast %while3A_245 : i32 to index
        %swap3A_271 = arith.constant 48 : index
        %swap3A_272 = tpu.vector_load %arg8[%swap3A_269, %swap3A_270, %swap3A_271] {strides = array<i32>} : memref<4x128x128xf32, #tpu.memory_space<vmem>>, vector<16xf32>,
        tpu.vector_store %arg8[%swap3A_269, %swap3A_270, %swap3A_271], %broadcast_in_dim3A_267 {strides = array<i32>} : memref<4x128x128xf32, #tpu.memory_space<vmem>>, vector<16xf32>,
        %broadcast_in_dim3A_273 = arith.constant 0.000000e+00 : f32
        %broadcast_in_dim3A_274 = vector.broadcast %broadcast_in_dim3A_273 : f32 to vector<16xf32>
        %swap3A_275 = arith.constant 0 : i32
        %swap3A_276 = arith.index_cast %swap3A_275 : i32 to index
        %swap3A_277 = arith.index_cast %while3A_245 : i32 to index
        %swap3A_278 = arith.constant 64 : index
        %swap3A_279 = tpu.vector_load %arg8[%swap3A_276, %swap3A_277, %swap3A_278] {strides = array<i32>} : memref<4x128x128xf32, #tpu.memory_space<vmem>>, vector<16xf32>,
        tpu.vector_store %arg8[%swap3A_276, %swap3A_277, %swap3A_278], %broadcast_in_dim3A_274 {strides = array<i32>} : memref<4x128x128xf32, #tpu.memory_space<vmem>>, vector<16xf32>,
        %broadcast_in_dim3A_280 = arith.constant 0.000000e+00 : f32
        %broadcast_in_dim3A_281 = vector.broadcast %broadcast_in_dim3A_280 : f32 to vector<16xf32>
        %swap3A_282 = arith.constant 0 : i32
        %swap3A_283 = arith.index_cast %swap3A_282 : i32 to index
        %swap3A_284 = arith.index_cast %while3A_245 : i32 to index
        %swap3A_285 = arith.constant 80 : index
        %swap3A_286 = tpu.vector_load %arg8[%swap3A_283, %swap3A_284, %swap3A_285] {strides = array<i32>} : memref<4x128x128xf32, #tpu.memory_space<vmem>>, vector<16xf32>,
        tpu.vector_store %arg8[%swap3A_283, %swap3A_284, %swap3A_285], %broadcast_in_dim3A_281 {strides = array<i32>} : memref<4x128x128xf32, #tpu.memory_space<vmem>>, vector<16xf32>,
        %broadcast_in_dim3A_287 = arith.constant 0.000000e+00 : f32
        %broadcast_in_dim3A_288 = vector.broadcast %broadcast_in_dim3A_287 : f32 to vector<16xf32>
        %swap3A_289 = arith.constant 0 : i32
        %swap3A_290 = arith.index_cast %swap3A_289 : i32 to index
        %swap3A_291 = arith.index_cast %while3A_245 : i32 to index
        %swap3A_292 = arith.constant 96 : index
        %swap3A_293 = tpu.vector_load %arg8[%swap3A_290, %swap3A_291, %swap3A_292] {strides = array<i32>} : memref<4x128x128xf32, #tpu.memory_space<vmem>>, vector<16xf32>,
        tpu.vector_store %arg8[%swap3A_290, %swap3A_291, %swap3A_292], %broadcast_in_dim3A_288 {strides = array<i32>} : memref<4x128x128xf32, #tpu.memory_space<vmem>>, vector<16xf32>,
        %broadcast_in_dim3A_294 = arith.constant 0.000000e+00 : f32
        %broadcast_in_dim3A_295 = vector.broadcast %broadcast_in_dim3A_294 : f32 to vector<16xf32>
        %swap3A_296 = arith.constant 0 : i32
        %swap3A_297 = arith.index_cast %swap3A_296 : i32 to index
        %swap3A_298 = arith.index_cast %while3A_245 : i32 to index
        %swap3A_299 = arith.constant 112 : index
        %swap3A_300 = tpu.vector_load %arg8[%swap3A_297, %swap3A_298, %swap3A_299] {strides = array<i32>} : memref<4x128x128xf32, #tpu.memory_space<vmem>>, vector<16xf32>,
        tpu.vector_store %arg8[%swap3A_297, %swap3A_298, %swap3A_299], %broadcast_in_dim3A_295 {strides = array<i32>} : memref<4x128x128xf32, #tpu.memory_space<vmem>>, vector<16xf32>,
      }
      %while3A_244 = arith.constant 1 : i32
      scf.for %while3A_245 = %while3A_242 to %while3A_238 step %while3A_244  : i32 {
        %broadcast_in_dim3A_246 = arith.constant 0.000000e+00 : f32
        %broadcast_in_dim3A_247 = vector.broadcast %broadcast_in_dim3A_246 : f32 to vector<16xf32>
        %swap3A = arith.constant 0 : i32
        %swap3A_248 = arith.index_cast %swap3A : i32 to index
        %swap3A_249 = arith.index_cast %while3A_245 : i32 to index
        %swap3A_250 = arith.constant 0 : index
        %swap3A_251 = tpu.vector_load %arg8[%swap3A_248, %swap3A_249, %swap3A_250] {strides = array<i32>} : memref<4x128x128xf32, #tpu.memory_space<vmem>>, vector<16xf32>,
        tpu.vector_store %arg8[%swap3A_248, %swap3A_249, %swap3A_250], %broadcast_in_dim3A_247 {strides = array<i32>} : memref<4x128x128xf32, #tpu.memory_space<vmem>>, vector<16xf32>,
        %broadcast_in_dim3A_252 = arith.constant 0.000000e+00 : f32
        %broadcast_in_dim3A_253 = vector.broadcast %broadcast_in_dim3A_252 : f32 to vector<16xf32>
        %swap3A_254 = arith.constant 0 : i32
        %swap3A_255 = arith.index_cast %swap3A_254 : i32 to index
        %swap3A_256 = arith.index_cast %while3A_245 : i32 to index
        %swap3A_257 = arith.constant 16 : index
        %swap3A_258 = tpu.vector_load %arg8[%swap3A_255, %swap3A_256, %swap3A_257] {strides = array<i32>} : memref<4x128x128xf32, #tpu.memory_space<vmem>>, vector<16xf32>,
        tpu.vector_store %arg8[%swap3A_255, %swap3A_256, %swap3A_257], %broadcast_in_dim3A_253 {strides = array<i32>} : memref<4x128x128xf32, #tpu.memory_space<vmem>>, vector<16xf32>,
        %broadcast_in_dim3A_259 = arith.constant 0.000000e+00 : f32
        %broadcast_in_dim3A_260 = vector.broadcast %broadcast_in_dim3A_259 : f32 to vector<16xf32>
        %swap3A_261 = arith.constant 0 : i32
        %swap3A_262 = arith.index_cast %swap3A_261 : i32 to index
        %swap3A_263 = arith.index_cast %while3A_245 : i32 to index
        %swap3A_264 = arith.constant 32 : index
        %swap3A_265 = tpu.vector_load %arg8[%swap3A_262, %swap3A_263, %swap3A_264] {strides = array<i32>} : memref<4x128x128xf32, #tpu.memory_space<vmem>>, vector<16xf32>,
        tpu.vector_store %arg8[%swap3A_262, %swap3A_263, %swap3A_264], %broadcast_in_dim3A_260 {strides = array<i32>} : memref<4x128x128xf32, #tpu.memory_space<vmem>>, vector<16xf32>,
        %broadcast_in_dim3A_266 = arith.constant 0.000000e+00 : f32
        %broadcast_in_dim3A_267 = vector.broadcast %broadcast_in_dim3A_266 : f32 to vector<16xf32>
        %swap3A_268 = arith.constant 0 : i32
        %swap3A_269 = arith.index_cast %swap3A_268 : i32 to index
        %swap3A_270 = arith.index_cast %while3A_245 : i32 to index
        %swap3A_271 = arith.constant 48 : index
        %swap3A_272 = tpu.vector_load %arg8[%swap3A_269, %swap3A_270, %swap3A_271] {strides = array<i32>} : memref<4x128x128xf32, #tpu.memory_space<vmem>>, vector<16xf32>,
        tpu.vector_store %arg8[%swap3A_269, %swap3A_270, %swap3A_271], %broadcast_in_dim3A_267 {strides = array<i32>} : memref<4x128x128xf32, #tpu.memory_space<vmem>>, vector<16xf32>,
        %broadcast_in_dim3A_273 = arith.constant 0.000000e+00 : f32
        %broadcast_in_dim3A_274 = vector.broadcast %broadcast_in_dim3A_273 : f32 to vector<16xf32>
        %swap3A_275 = arith.constant 0 : i32
        %swap3A_276 = arith.index_cast %swap3A_275 : i32 to index
        %swap3A_277 = arith.index_cast %while3A_245 : i32 to index
        %swap3A_278 = arith.constant 64 : index
        %swap3A_279 = tpu.vector_load %arg8[%swap3A_276, %swap3A_277, %swap3A_278] {strides = array<i32>} : memref<4x128x128xf32, #tpu.memory_space<vmem>>, vector<16xf32>,
        tpu.vector_store %arg8[%swap3A_276, %swap3A_277, %swap3A_278], %broadcast_in_dim3A_274 {strides = array<i32>} : memref<4x128x128xf32, #tpu.memory_space<vmem>>, vector<16xf32>,
        %broadcast_in_dim3A_280 = arith.constant 0.000000e+00 : f32
        %broadcast_in_dim3A_281 = vector.broadcast %broadcast_in_dim3A_280 : f32 to vector<16xf32>
        %swap3A_282 = arith.constant 0 : i32
        %swap3A_283 = arith.index_cast %swap3A_282 : i32 to index
        %swap3A_284 = arith.index_cast %while3A_245 : i32 to index
        %swap3A_285 = arith.constant 80 : index
        %swap3A_286 = tpu.vector_load %arg8[%swap3A_283, %swap3A_284, %swap3A_285] {strides = array<i32>} : memref<4x128x128xf32, #tpu.memory_space<vmem>>, vector<16xf32>,
        tpu.vector_store %arg8[%swap3A_283, %swap3A_284, %swap3A_285], %broadcast_in_dim3A_281 {strides = array<i32>} : memref<4x128x128xf32, #tpu.memory_space<vmem>>, vector<16xf32>,
        %broadcast_in_dim3A_287 = arith.constant 0.000000e+00 : f32
        %broadcast_in_dim3A_288 = vector.broadcast %broadcast_in_dim3A_287 : f32 to vector<16xf32>
        %swap3A_289 = arith.constant 0 : i32
        %swap3A_290 = arith.index_cast %swap3A_289 : i32 to index
        %swap3A_291 = arith.index_cast %while3A_245 : i32 to index
        %swap3A_292 = arith.constant 96 : index
        %swap3A_293 = tpu.vector_load %arg8[%swap3A_290, %swap3A_291, %swap3A_292] {strides = array<i32>} : memref<4x128x128xf32, #tpu.memory_space<vmem>>, vector<16xf32>,
        tpu.vector_store %arg8[%swap3A_290, %swap3A_291, %swap3A_292], %broadcast_in_dim3A_288 {strides = array<i32>} : memref<4x128x128xf32, #tpu.memory_space<vmem>>, vector<16xf32>,
        %broadcast_in_dim3A_294 = arith.constant 0.000000e+00 : f32
        %broadcast_in_dim3A_295 = vector.broadcast %broadcast_in_dim3A_294 : f32 to vector<16xf32>
        %swap3A_296 = arith.constant 0 : i32
        %swap3A_297 = arith.index_cast %swap3A_296 : i32 to index
        %swap3A_298 = arith.index_cast %while3A_245 : i32 to index
        %swap3A_299 = arith.constant 112 : index
        %swap3A_300 = tpu.vector_load %arg8[%swap3A_297, %swap3A_298, %swap3A_299] {strides = array<i32>} : memref<4x128x128xf32, #tpu.memory_space<vmem>>, vector<16xf32>,
        tpu.vector_store %arg8[%swap3A_297, %swap3A_298, %swap3A_299], %broadcast_in_dim3A_295 {strides = array<i32>} : memref<4x128x128xf32, #tpu.memory_space<vmem>>, vector<16xf32>,
      }
    } else {
    }
    %gt3A_148 = arith.constant 0 : i32
    %gt3A_149 = arith.cmpi sgt, %min3A, %gt3A_148 : i32
    %convert_element_type3A_150 = arith.extui %gt3A_149 : i1 to i32
    %cond3A_151 = arith.constant 0 : i32
    %cond3A_152 = arith.cmpi ne, %convert_element_type3A_150, %cond3A_151 : i32
    scf.if %cond3A_152 {
      %dma_start3A = arith.constant 0 : i32
      %dma_start3A_232 = arith.constant 0 : i32
      %dma_start3A_233 = arith.constant 0 : i32
      %dma_start3A_234 = tpu.memref_slice %arg8[%dma_start3A, %dma_start3A_232, %dma_start3A_233] : memref<4x128x128xf32, #tpu.memory_space<vmem>> -> memref<1x128x128xf32, #tpu.memory_space<vmem>>
      %dma_start3A_235 = tpu.memref_squeeze %dma_start3A_234 : memref<1x128x128xf32, #tpu.memory_space<vmem>> -> memref<128x128xf32, #tpu.memory_space<vmem>>
      %dma_start3A_236 = arith.constant 0 : i32
      %dma_start3A_237 = tpu.memref_slice %arg5[%select_n3A, %add3A_134, %dma_start3A_236] : memref<8x2048x128xf32, #tpu.memory_space<hbm>> -> memref<1x128x128xf32, #tpu.memory_space<hbm>>
      %dma_start3A_238 = tpu.memref_squeeze %dma_start3A_237 : memref<1x128x128xf32, #tpu.memory_space<hbm>> -> memref<128x128xf32, #tpu.memory_space<hbm>>
      %dma_start3A_239 = arith.constant 0 : i32
      %dma_start3A_240 = tpu.memref_slice %arg5[%select_n3A, %add3A_134, %dma_start3A_239] : memref<8x2048x128xf32, #tpu.memory_space<hbm>> -> memref<1x128x128xf32, #tpu.memory_space<hbm>>
      %dma_start3A_241 = tpu.memref_squeeze %dma_start3A_240 : memref<1x128x128xf32, #tpu.memory_space<hbm>> -> memref<128x128xf32, #tpu.memory_space<hbm>>
      %dma_start3A_242 = arith.constant 0 : i32
      %dma_start3A_243 = arith.constant 0 : i32
      %dma_start3A_244 = tpu.memref_slice %arg8[%dma_start3A, %dma_start3A_242, %dma_start3A_243] : memref<4x128x128xf32, #tpu.memory_space<vmem>> -> memref<1x128x128xf32, #tpu.memory_space<vmem>>
      %dma_start3A_245 = tpu.memref_squeeze %dma_start3A_244 : memref<1x128x128xf32, #tpu.memory_space<vmem>> -> memref<128x128xf32, #tpu.memory_space<vmem>>
      tpu.enqueue_dma source(%dma_start3A_245 : memref<128x128xf32, #tpu.memory_space<vmem>>) target(%dma_start3A_241 : memref<128x128xf32, #tpu.memory_space<hbm>>) target_semaphore(%arg12 : memref<!tpu.dma_semaphore, #tpu.memory_space<semaphore_mem>>)
    } else {
    }
    %le3A = arith.constant 0 : i32
    %le3A_153 = arith.cmpi sle, %min3A, %le3A : i32
    %convert_element_type3A_154 = arith.extui %le3A_153 : i1 to i32
    %cond3A_155 = arith.constant 0 : i32
    %cond3A_156 = arith.cmpi ne, %convert_element_type3A_154, %cond3A_155 : i32
    scf.if %cond3A_156 {
      %dma_start3A = arith.constant 0 : i32
      %dma_start3A_232 = tpu.memref_slice %arg5[%select_n3A, %add3A_134, %dma_start3A] : memref<8x2048x128xf32, #tpu.memory_space<hbm>> -> memref<1x128x128xf32, #tpu.memory_space<hbm>>
      %dma_start3A_233 = tpu.memref_squeeze %dma_start3A_232 : memref<1x128x128xf32, #tpu.memory_space<hbm>> -> memref<128x128xf32, #tpu.memory_space<hbm>>
      %dma_start3A_234 = arith.constant 0 : i32
      %dma_start3A_235 = tpu.memref_slice %arg5[%select_n3A, %add3A_134, %dma_start3A_234] : memref<8x2048x128xf32, #tpu.memory_space<hbm>> -> memref<1x128x128xf32, #tpu.memory_space<hbm>>
      %dma_start3A_236 = tpu.memref_squeeze %dma_start3A_235 : memref<1x128x128xf32, #tpu.memory_space<hbm>> -> memref<128x128xf32, #tpu.memory_space<hbm>>
      tpu.enqueue_dma source(%arg9 : memref<128x128xf32, #tpu.memory_space<vmem>>) target(%dma_start3A_236 : memref<128x128xf32, #tpu.memory_space<hbm>>) target_semaphore(%arg12 : memref<!tpu.dma_semaphore, #tpu.memory_space<semaphore_mem>>)
    } else {
    }
    %add3A_157 = arith.constant 128 : i32
    %add3A_158 = arith.addi %multiple_of3A, %add3A_157 : i32
    %gt3A_159 = arith.constant 128 : i32
    %gt3A_160 = arith.cmpi sgt, %min3A, %gt3A_159 : i32
    %convert_element_type3A_161 = arith.extui %gt3A_160 : i1 to i32
    %cond3A_162 = arith.constant 0 : i32
    %cond3A_163 = arith.cmpi ne, %convert_element_type3A_161, %cond3A_162 : i32
    scf.if %cond3A_163 {
      %dma_wait3A = arith.constant 1 : i32
      %dma_wait3A_232 = arith.constant 1 : i32
      %dma_wait3A_233 = arith.constant 0 : i32
      %dma_wait3A_234 = arith.constant 0 : i32
      %dma_wait3A_235 = tpu.memref_slice %arg8[%dma_wait3A, %dma_wait3A_233, %dma_wait3A_234] : memref<4x128x128xf32, #tpu.memory_space<vmem>> -> memref<1x128x128xf32, #tpu.memory_space<vmem>>
      %dma_wait3A_236 = tpu.memref_squeeze %dma_wait3A_235 : memref<1x128x128xf32, #tpu.memory_space<vmem>> -> memref<128x128xf32, #tpu.memory_space<vmem>>
      %dma_wait3A_237 = arith.constant 0 : i32
      %dma_wait3A_238 = arith.constant 0 : i32
      %dma_wait3A_239 = tpu.memref_slice %arg2[%dma_wait3A_237, %dma_wait3A_238] : memref<8192x128xf32, #tpu.memory_space<hbm>> -> memref<128x128xf32, #tpu.memory_space<hbm>>
      %dma_wait3A_240 = tpu.memref_slice %arg10[%dma_wait3A_232] : memref<4x!tpu.dma_semaphore, #tpu.memory_space<semaphore_mem>> -> memref<1x!tpu.dma_semaphore, #tpu.memory_space<semaphore_mem>>
      %dma_wait3A_241 = tpu.memref_squeeze %dma_wait3A_240 : memref<1x!tpu.dma_semaphore, #tpu.memory_space<semaphore_mem>> -> memref<!tpu.dma_semaphore, #tpu.memory_space<semaphore_mem>>
      %dma_wait3A_242 = arith.constant 0 : i32
      %dma_wait3A_243 = arith.constant 0 : i32
      %dma_wait3A_244 = tpu.memref_slice %arg8[%dma_wait3A, %dma_wait3A_242, %dma_wait3A_243] : memref<4x128x128xf32, #tpu.memory_space<vmem>> -> memref<1x128x128xf32, #tpu.memory_space<vmem>>
      %dma_wait3A_245 = tpu.memref_squeeze %dma_wait3A_244 : memref<1x128x128xf32, #tpu.memory_space<vmem>> -> memref<128x128xf32, #tpu.memory_space<vmem>>
      %dma_wait3A_246 = arith.constant 0 : i32
      %dma_wait3A_247 = arith.constant 0 : i32
      %dma_wait3A_248 = tpu.memref_slice %arg2[%dma_wait3A_246, %dma_wait3A_247] : memref<8192x128xf32, #tpu.memory_space<hbm>> -> memref<128x128xf32, #tpu.memory_space<hbm>>
      tpu.wait_dma2 semaphore(%dma_wait3A_241 : memref<!tpu.dma_semaphore, #tpu.memory_space<semaphore_mem>>) src(%dma_wait3A_248 : memref<128x128xf32, #tpu.memory_space<hbm>>) dst(%dma_wait3A_245 : memref<128x128xf32, #tpu.memory_space<vmem>>)
    } else {
    }
    %not3A_164 = arith.constant true
    %not3A_165 = arith.xori %and3A_78, %not3A_164 : i1
    %gt3A_166 = arith.constant 128 : i32
    %gt3A_167 = arith.cmpi sgt, %min3A, %gt3A_166 : i32
    %and3A_168 = arith.andi %not3A_165, %gt3A_167 : i1
    %convert_element_type3A_169 = arith.extui %and3A_168 : i1 to i32
    %cond3A_170 = arith.constant 0 : i32
    %cond3A_171 = arith.cmpi ne, %convert_element_type3A_169, %cond3A_170 : i32
    scf.if %cond3A_171 {
      %sub3A_232 = arith.constant 128 : i32
      %sub3A_233 = arith.subi %min3A, %sub3A_232 : i32
      %max3A_234 = arith.constant 0 : i32
      %max3A_235 = arith.maxsi %sub3A_233, %max3A_234 : i32
      %while3A = arith.constant 0 : i32
      %while3A_236 = arith.constant 128 : i32
      %while3A_237 = arith.subi %while3A_236, %max3A_235 : i32
      %while3A_238 = arith.addi %max3A_235, %while3A_237 : i32
      %while3A_239 = arith.constant 1 : i32
      %while3A_240 = arith.divsi %while3A_237, %while3A_239 : i32
      %while3A_241 = arith.muli %while3A_240, %while3A_239 : i32
      %while3A_242 = arith.addi %max3A_235, %while3A_241 : i32
      %while3A_243 = arith.constant 1 : i32
      scf.for %while3A_245 = %max3A_235 to %while3A_242 step %while3A_243  : i32 {
        %broadcast_in_dim3A_246 = arith.constant 0.000000e+00 : f32
        %broadcast_in_dim3A_247 = vector.broadcast %broadcast_in_dim3A_246 : f32 to vector<16xf32>
        %swap3A = arith.constant 1 : i32
        %swap3A_248 = arith.index_cast %swap3A : i32 to index
        %swap3A_249 = arith.index_cast %while3A_245 : i32 to index
        %swap3A_250 = arith.constant 0 : index
        %swap3A_251 = tpu.vector_load %arg8[%swap3A_248, %swap3A_249, %swap3A_250] {strides = array<i32>} : memref<4x128x128xf32, #tpu.memory_space<vmem>>, vector<16xf32>,
        tpu.vector_store %arg8[%swap3A_248, %swap3A_249, %swap3A_250], %broadcast_in_dim3A_247 {strides = array<i32>} : memref<4x128x128xf32, #tpu.memory_space<vmem>>, vector<16xf32>,
        %broadcast_in_dim3A_252 = arith.constant 0.000000e+00 : f32
        %broadcast_in_dim3A_253 = vector.broadcast %broadcast_in_dim3A_252 : f32 to vector<16xf32>
        %swap3A_254 = arith.constant 1 : i32
        %swap3A_255 = arith.index_cast %swap3A_254 : i32 to index
        %swap3A_256 = arith.index_cast %while3A_245 : i32 to index
        %swap3A_257 = arith.constant 16 : index
        %swap3A_258 = tpu.vector_load %arg8[%swap3A_255, %swap3A_256, %swap3A_257] {strides = array<i32>} : memref<4x128x128xf32, #tpu.memory_space<vmem>>, vector<16xf32>,
        tpu.vector_store %arg8[%swap3A_255, %swap3A_256, %swap3A_257], %broadcast_in_dim3A_253 {strides = array<i32>} : memref<4x128x128xf32, #tpu.memory_space<vmem>>, vector<16xf32>,
        %broadcast_in_dim3A_259 = arith.constant 0.000000e+00 : f32
        %broadcast_in_dim3A_260 = vector.broadcast %broadcast_in_dim3A_259 : f32 to vector<16xf32>
        %swap3A_261 = arith.constant 1 : i32
        %swap3A_262 = arith.index_cast %swap3A_261 : i32 to index
        %swap3A_263 = arith.index_cast %while3A_245 : i32 to index
        %swap3A_264 = arith.constant 32 : index
        %swap3A_265 = tpu.vector_load %arg8[%swap3A_262, %swap3A_263, %swap3A_264] {strides = array<i32>} : memref<4x128x128xf32, #tpu.memory_space<vmem>>, vector<16xf32>,
        tpu.vector_store %arg8[%swap3A_262, %swap3A_263, %swap3A_264], %broadcast_in_dim3A_260 {strides = array<i32>} : memref<4x128x128xf32, #tpu.memory_space<vmem>>, vector<16xf32>,
        %broadcast_in_dim3A_266 = arith.constant 0.000000e+00 : f32
        %broadcast_in_dim3A_267 = vector.broadcast %broadcast_in_dim3A_266 : f32 to vector<16xf32>
        %swap3A_268 = arith.constant 1 : i32
        %swap3A_269 = arith.index_cast %swap3A_268 : i32 to index
        %swap3A_270 = arith.index_cast %while3A_245 : i32 to index
        %swap3A_271 = arith.constant 48 : index
        %swap3A_272 = tpu.vector_load %arg8[%swap3A_269, %swap3A_270, %swap3A_271] {strides = array<i32>} : memref<4x128x128xf32, #tpu.memory_space<vmem>>, vector<16xf32>,
        tpu.vector_store %arg8[%swap3A_269, %swap3A_270, %swap3A_271], %broadcast_in_dim3A_267 {strides = array<i32>} : memref<4x128x128xf32, #tpu.memory_space<vmem>>, vector<16xf32>,
        %broadcast_in_dim3A_273 = arith.constant 0.000000e+00 : f32
        %broadcast_in_dim3A_274 = vector.broadcast %broadcast_in_dim3A_273 : f32 to vector<16xf32>
        %swap3A_275 = arith.constant 1 : i32
        %swap3A_276 = arith.index_cast %swap3A_275 : i32 to index
        %swap3A_277 = arith.index_cast %while3A_245 : i32 to index
        %swap3A_278 = arith.constant 64 : index
        %swap3A_279 = tpu.vector_load %arg8[%swap3A_276, %swap3A_277, %swap3A_278] {strides = array<i32>} : memref<4x128x128xf32, #tpu.memory_space<vmem>>, vector<16xf32>,
        tpu.vector_store %arg8[%swap3A_276, %swap3A_277, %swap3A_278], %broadcast_in_dim3A_274 {strides = array<i32>} : memref<4x128x128xf32, #tpu.memory_space<vmem>>, vector<16xf32>,
        %broadcast_in_dim3A_280 = arith.constant 0.000000e+00 : f32
        %broadcast_in_dim3A_281 = vector.broadcast %broadcast_in_dim3A_280 : f32 to vector<16xf32>
        %swap3A_282 = arith.constant 1 : i32
        %swap3A_283 = arith.index_cast %swap3A_282 : i32 to index
        %swap3A_284 = arith.index_cast %while3A_245 : i32 to index
        %swap3A_285 = arith.constant 80 : index
        %swap3A_286 = tpu.vector_load %arg8[%swap3A_283, %swap3A_284, %swap3A_285] {strides = array<i32>} : memref<4x128x128xf32, #tpu.memory_space<vmem>>, vector<16xf32>,
        tpu.vector_store %arg8[%swap3A_283, %swap3A_284, %swap3A_285], %broadcast_in_dim3A_281 {strides = array<i32>} : memref<4x128x128xf32, #tpu.memory_space<vmem>>, vector<16xf32>,
        %broadcast_in_dim3A_287 = arith.constant 0.000000e+00 : f32
        %broadcast_in_dim3A_288 = vector.broadcast %broadcast_in_dim3A_287 : f32 to vector<16xf32>
        %swap3A_289 = arith.constant 1 : i32
        %swap3A_290 = arith.index_cast %swap3A_289 : i32 to index
        %swap3A_291 = arith.index_cast %while3A_245 : i32 to index
        %swap3A_292 = arith.constant 96 : index
        %swap3A_293 = tpu.vector_load %arg8[%swap3A_290, %swap3A_291, %swap3A_292] {strides = array<i32>} : memref<4x128x128xf32, #tpu.memory_space<vmem>>, vector<16xf32>,
        tpu.vector_store %arg8[%swap3A_290, %swap3A_291, %swap3A_292], %broadcast_in_dim3A_288 {strides = array<i32>} : memref<4x128x128xf32, #tpu.memory_space<vmem>>, vector<16xf32>,
        %broadcast_in_dim3A_294 = arith.constant 0.000000e+00 : f32
        %broadcast_in_dim3A_295 = vector.broadcast %broadcast_in_dim3A_294 : f32 to vector<16xf32>
        %swap3A_296 = arith.constant 1 : i32
        %swap3A_297 = arith.index_cast %swap3A_296 : i32 to index
        %swap3A_298 = arith.index_cast %while3A_245 : i32 to index
        %swap3A_299 = arith.constant 112 : index
        %swap3A_300 = tpu.vector_load %arg8[%swap3A_297, %swap3A_298, %swap3A_299] {strides = array<i32>} : memref<4x128x128xf32, #tpu.memory_space<vmem>>, vector<16xf32>,
        tpu.vector_store %arg8[%swap3A_297, %swap3A_298, %swap3A_299], %broadcast_in_dim3A_295 {strides = array<i32>} : memref<4x128x128xf32, #tpu.memory_space<vmem>>, vector<16xf32>,
      }
      %while3A_244 = arith.constant 1 : i32
      scf.for %while3A_245 = %while3A_242 to %while3A_238 step %while3A_244  : i32 {
        %broadcast_in_dim3A_246 = arith.constant 0.000000e+00 : f32
        %broadcast_in_dim3A_247 = vector.broadcast %broadcast_in_dim3A_246 : f32 to vector<16xf32>
        %swap3A = arith.constant 1 : i32
        %swap3A_248 = arith.index_cast %swap3A : i32 to index
        %swap3A_249 = arith.index_cast %while3A_245 : i32 to index
        %swap3A_250 = arith.constant 0 : index
        %swap3A_251 = tpu.vector_load %arg8[%swap3A_248, %swap3A_249, %swap3A_250] {strides = array<i32>} : memref<4x128x128xf32, #tpu.memory_space<vmem>>, vector<16xf32>,
        tpu.vector_store %arg8[%swap3A_248, %swap3A_249, %swap3A_250], %broadcast_in_dim3A_247 {strides = array<i32>} : memref<4x128x128xf32, #tpu.memory_space<vmem>>, vector<16xf32>,
        %broadcast_in_dim3A_252 = arith.constant 0.000000e+00 : f32
        %broadcast_in_dim3A_253 = vector.broadcast %broadcast_in_dim3A_252 : f32 to vector<16xf32>
        %swap3A_254 = arith.constant 1 : i32
        %swap3A_255 = arith.index_cast %swap3A_254 : i32 to index
        %swap3A_256 = arith.index_cast %while3A_245 : i32 to index
        %swap3A_257 = arith.constant 16 : index
        %swap3A_258 = tpu.vector_load %arg8[%swap3A_255, %swap3A_256, %swap3A_257] {strides = array<i32>} : memref<4x128x128xf32, #tpu.memory_space<vmem>>, vector<16xf32>,
        tpu.vector_store %arg8[%swap3A_255, %swap3A_256, %swap3A_257], %broadcast_in_dim3A_253 {strides = array<i32>} : memref<4x128x128xf32, #tpu.memory_space<vmem>>, vector<16xf32>,
        %broadcast_in_dim3A_259 = arith.constant 0.000000e+00 : f32
        %broadcast_in_dim3A_260 = vector.broadcast %broadcast_in_dim3A_259 : f32 to vector<16xf32>
        %swap3A_261 = arith.constant 1 : i32
        %swap3A_262 = arith.index_cast %swap3A_261 : i32 to index
        %swap3A_263 = arith.index_cast %while3A_245 : i32 to index
        %swap3A_264 = arith.constant 32 : index
        %swap3A_265 = tpu.vector_load %arg8[%swap3A_262, %swap3A_263, %swap3A_264] {strides = array<i32>} : memref<4x128x128xf32, #tpu.memory_space<vmem>>, vector<16xf32>,
        tpu.vector_store %arg8[%swap3A_262, %swap3A_263, %swap3A_264], %broadcast_in_dim3A_260 {strides = array<i32>} : memref<4x128x128xf32, #tpu.memory_space<vmem>>, vector<16xf32>,
        %broadcast_in_dim3A_266 = arith.constant 0.000000e+00 : f32
        %broadcast_in_dim3A_267 = vector.broadcast %broadcast_in_dim3A_266 : f32 to vector<16xf32>
        %swap3A_268 = arith.constant 1 : i32
        %swap3A_269 = arith.index_cast %swap3A_268 : i32 to index
        %swap3A_270 = arith.index_cast %while3A_245 : i32 to index
        %swap3A_271 = arith.constant 48 : index
        %swap3A_272 = tpu.vector_load %arg8[%swap3A_269, %swap3A_270, %swap3A_271] {strides = array<i32>} : memref<4x128x128xf32, #tpu.memory_space<vmem>>, vector<16xf32>,
        tpu.vector_store %arg8[%swap3A_269, %swap3A_270, %swap3A_271], %broadcast_in_dim3A_267 {strides = array<i32>} : memref<4x128x128xf32, #tpu.memory_space<vmem>>, vector<16xf32>,
        %broadcast_in_dim3A_273 = arith.constant 0.000000e+00 : f32
        %broadcast_in_dim3A_274 = vector.broadcast %broadcast_in_dim3A_273 : f32 to vector<16xf32>
        %swap3A_275 = arith.constant 1 : i32
        %swap3A_276 = arith.index_cast %swap3A_275 : i32 to index
        %swap3A_277 = arith.index_cast %while3A_245 : i32 to index
        %swap3A_278 = arith.constant 64 : index
        %swap3A_279 = tpu.vector_load %arg8[%swap3A_276, %swap3A_277, %swap3A_278] {strides = array<i32>} : memref<4x128x128xf32, #tpu.memory_space<vmem>>, vector<16xf32>,
        tpu.vector_store %arg8[%swap3A_276, %swap3A_277, %swap3A_278], %broadcast_in_dim3A_274 {strides = array<i32>} : memref<4x128x128xf32, #tpu.memory_space<vmem>>, vector<16xf32>,
        %broadcast_in_dim3A_280 = arith.constant 0.000000e+00 : f32
        %broadcast_in_dim3A_281 = vector.broadcast %broadcast_in_dim3A_280 : f32 to vector<16xf32>
        %swap3A_282 = arith.constant 1 : i32
        %swap3A_283 = arith.index_cast %swap3A_282 : i32 to index
        %swap3A_284 = arith.index_cast %while3A_245 : i32 to index
        %swap3A_285 = arith.constant 80 : index
        %swap3A_286 = tpu.vector_load %arg8[%swap3A_283, %swap3A_284, %swap3A_285] {strides = array<i32>} : memref<4x128x128xf32, #tpu.memory_space<vmem>>, vector<16xf32>,
        tpu.vector_store %arg8[%swap3A_283, %swap3A_284, %swap3A_285], %broadcast_in_dim3A_281 {strides = array<i32>} : memref<4x128x128xf32, #tpu.memory_space<vmem>>, vector<16xf32>,
        %broadcast_in_dim3A_287 = arith.constant 0.000000e+00 : f32
        %broadcast_in_dim3A_288 = vector.broadcast %broadcast_in_dim3A_287 : f32 to vector<16xf32>
        %swap3A_289 = arith.constant 1 : i32
        %swap3A_290 = arith.index_cast %swap3A_289 : i32 to index
        %swap3A_291 = arith.index_cast %while3A_245 : i32 to index
        %swap3A_292 = arith.constant 96 : index
        %swap3A_293 = tpu.vector_load %arg8[%swap3A_290, %swap3A_291, %swap3A_292] {strides = array<i32>} : memref<4x128x128xf32, #tpu.memory_space<vmem>>, vector<16xf32>,
        tpu.vector_store %arg8[%swap3A_290, %swap3A_291, %swap3A_292], %broadcast_in_dim3A_288 {strides = array<i32>} : memref<4x128x128xf32, #tpu.memory_space<vmem>>, vector<16xf32>,
        %broadcast_in_dim3A_294 = arith.constant 0.000000e+00 : f32
        %broadcast_in_dim3A_295 = vector.broadcast %broadcast_in_dim3A_294 : f32 to vector<16xf32>
        %swap3A_296 = arith.constant 1 : i32
        %swap3A_297 = arith.index_cast %swap3A_296 : i32 to index
        %swap3A_298 = arith.index_cast %while3A_245 : i32 to index
        %swap3A_299 = arith.constant 112 : index
        %swap3A_300 = tpu.vector_load %arg8[%swap3A_297, %swap3A_298, %swap3A_299] {strides = array<i32>} : memref<4x128x128xf32, #tpu.memory_space<vmem>>, vector<16xf32>,
        tpu.vector_store %arg8[%swap3A_297, %swap3A_298, %swap3A_299], %broadcast_in_dim3A_295 {strides = array<i32>} : memref<4x128x128xf32, #tpu.memory_space<vmem>>, vector<16xf32>,
      }
    } else {
    }
    %gt3A_172 = arith.constant 128 : i32
    %gt3A_173 = arith.cmpi sgt, %min3A, %gt3A_172 : i32
    %convert_element_type3A_174 = arith.extui %gt3A_173 : i1 to i32
    %cond3A_175 = arith.constant 0 : i32
    %cond3A_176 = arith.cmpi ne, %convert_element_type3A_174, %cond3A_175 : i32
    scf.if %cond3A_176 {
      %dma_start3A = arith.constant 1 : i32
      %dma_start3A_232 = arith.constant 0 : i32
      %dma_start3A_233 = arith.constant 0 : i32
      %dma_start3A_234 = tpu.memref_slice %arg8[%dma_start3A, %dma_start3A_232, %dma_start3A_233] : memref<4x128x128xf32, #tpu.memory_space<vmem>> -> memref<1x128x128xf32, #tpu.memory_space<vmem>>
      %dma_start3A_235 = tpu.memref_squeeze %dma_start3A_234 : memref<1x128x128xf32, #tpu.memory_space<vmem>> -> memref<128x128xf32, #tpu.memory_space<vmem>>
      %dma_start3A_236 = arith.constant 0 : i32
      %dma_start3A_237 = tpu.memref_slice %arg5[%select_n3A, %add3A_158, %dma_start3A_236] : memref<8x2048x128xf32, #tpu.memory_space<hbm>> -> memref<1x128x128xf32, #tpu.memory_space<hbm>>
      %dma_start3A_238 = tpu.memref_squeeze %dma_start3A_237 : memref<1x128x128xf32, #tpu.memory_space<hbm>> -> memref<128x128xf32, #tpu.memory_space<hbm>>
      %dma_start3A_239 = arith.constant 0 : i32
      %dma_start3A_240 = tpu.memref_slice %arg5[%select_n3A, %add3A_158, %dma_start3A_239] : memref<8x2048x128xf32, #tpu.memory_space<hbm>> -> memref<1x128x128xf32, #tpu.memory_space<hbm>>
      %dma_start3A_241 = tpu.memref_squeeze %dma_start3A_240 : memref<1x128x128xf32, #tpu.memory_space<hbm>> -> memref<128x128xf32, #tpu.memory_space<hbm>>
      %dma_start3A_242 = arith.constant 0 : i32
      %dma_start3A_243 = arith.constant 0 : i32
      %dma_start3A_244 = tpu.memref_slice %arg8[%dma_start3A, %dma_start3A_242, %dma_start3A_243] : memref<4x128x128xf32, #tpu.memory_space<vmem>> -> memref<1x128x128xf32, #tpu.memory_space<vmem>>
      %dma_start3A_245 = tpu.memref_squeeze %dma_start3A_244 : memref<1x128x128xf32, #tpu.memory_space<vmem>> -> memref<128x128xf32, #tpu.memory_space<vmem>>
      tpu.enqueue_dma source(%dma_start3A_245 : memref<128x128xf32, #tpu.memory_space<vmem>>) target(%dma_start3A_241 : memref<128x128xf32, #tpu.memory_space<hbm>>) target_semaphore(%arg12 : memref<!tpu.dma_semaphore, #tpu.memory_space<semaphore_mem>>)
    } else {
    }
    %le3A_177 = arith.constant 128 : i32
    %le3A_178 = arith.cmpi sle, %min3A, %le3A_177 : i32
    %convert_element_type3A_179 = arith.extui %le3A_178 : i1 to i32
    %cond3A_180 = arith.constant 0 : i32
    %cond3A_181 = arith.cmpi ne, %convert_element_type3A_179, %cond3A_180 : i32
    scf.if %cond3A_181 {
      %dma_start3A = arith.constant 0 : i32
      %dma_start3A_232 = tpu.memref_slice %arg5[%select_n3A, %add3A_158, %dma_start3A] : memref<8x2048x128xf32, #tpu.memory_space<hbm>> -> memref<1x128x128xf32, #tpu.memory_space<hbm>>
      %dma_start3A_233 = tpu.memref_squeeze %dma_start3A_232 : memref<1x128x128xf32, #tpu.memory_space<hbm>> -> memref<128x128xf32, #tpu.memory_space<hbm>>
      %dma_start3A_234 = arith.constant 0 : i32
      %dma_start3A_235 = tpu.memref_slice %arg5[%select_n3A, %add3A_158, %dma_start3A_234] : memref<8x2048x128xf32, #tpu.memory_space<hbm>> -> memref<1x128x128xf32, #tpu.memory_space<hbm>>
      %dma_start3A_236 = tpu.memref_squeeze %dma_start3A_235 : memref<1x128x128xf32, #tpu.memory_space<hbm>> -> memref<128x128xf32, #tpu.memory_space<hbm>>
      tpu.enqueue_dma source(%arg9 : memref<128x128xf32, #tpu.memory_space<vmem>>) target(%dma_start3A_236 : memref<128x128xf32, #tpu.memory_space<hbm>>) target_semaphore(%arg12 : memref<!tpu.dma_semaphore, #tpu.memory_space<semaphore_mem>>)
    } else {
    }
    %add3A_182 = arith.constant 256 : i32
    %add3A_183 = arith.addi %multiple_of3A, %add3A_182 : i32
    %gt3A_184 = arith.constant 256 : i32
    %gt3A_185 = arith.cmpi sgt, %min3A, %gt3A_184 : i32
    %convert_element_type3A_186 = arith.extui %gt3A_185 : i1 to i32
    %cond3A_187 = arith.constant 0 : i32
    %cond3A_188 = arith.cmpi ne, %convert_element_type3A_186, %cond3A_187 : i32
    scf.if %cond3A_188 {
      %dma_wait3A = arith.constant 2 : i32
      %dma_wait3A_232 = arith.constant 2 : i32
      %dma_wait3A_233 = arith.constant 0 : i32
      %dma_wait3A_234 = arith.constant 0 : i32
      %dma_wait3A_235 = tpu.memref_slice %arg8[%dma_wait3A, %dma_wait3A_233, %dma_wait3A_234] : memref<4x128x128xf32, #tpu.memory_space<vmem>> -> memref<1x128x128xf32, #tpu.memory_space<vmem>>
      %dma_wait3A_236 = tpu.memref_squeeze %dma_wait3A_235 : memref<1x128x128xf32, #tpu.memory_space<vmem>> -> memref<128x128xf32, #tpu.memory_space<vmem>>
      %dma_wait3A_237 = arith.constant 0 : i32
      %dma_wait3A_238 = arith.constant 0 : i32
      %dma_wait3A_239 = tpu.memref_slice %arg2[%dma_wait3A_237, %dma_wait3A_238] : memref<8192x128xf32, #tpu.memory_space<hbm>> -> memref<128x128xf32, #tpu.memory_space<hbm>>
      %dma_wait3A_240 = tpu.memref_slice %arg10[%dma_wait3A_232] : memref<4x!tpu.dma_semaphore, #tpu.memory_space<semaphore_mem>> -> memref<1x!tpu.dma_semaphore, #tpu.memory_space<semaphore_mem>>
      %dma_wait3A_241 = tpu.memref_squeeze %dma_wait3A_240 : memref<1x!tpu.dma_semaphore, #tpu.memory_space<semaphore_mem>> -> memref<!tpu.dma_semaphore, #tpu.memory_space<semaphore_mem>>
      %dma_wait3A_242 = arith.constant 0 : i32
      %dma_wait3A_243 = arith.constant 0 : i32
      %dma_wait3A_244 = tpu.memref_slice %arg8[%dma_wait3A, %dma_wait3A_242, %dma_wait3A_243] : memref<4x128x128xf32, #tpu.memory_space<vmem>> -> memref<1x128x128xf32, #tpu.memory_space<vmem>>
      %dma_wait3A_245 = tpu.memref_squeeze %dma_wait3A_244 : memref<1x128x128xf32, #tpu.memory_space<vmem>> -> memref<128x128xf32, #tpu.memory_space<vmem>>
      %dma_wait3A_246 = arith.constant 0 : i32
      %dma_wait3A_247 = arith.constant 0 : i32
      %dma_wait3A_248 = tpu.memref_slice %arg2[%dma_wait3A_246, %dma_wait3A_247] : memref<8192x128xf32, #tpu.memory_space<hbm>> -> memref<128x128xf32, #tpu.memory_space<hbm>>
      tpu.wait_dma2 semaphore(%dma_wait3A_241 : memref<!tpu.dma_semaphore, #tpu.memory_space<semaphore_mem>>) src(%dma_wait3A_248 : memref<128x128xf32, #tpu.memory_space<hbm>>) dst(%dma_wait3A_245 : memref<128x128xf32, #tpu.memory_space<vmem>>)
    } else {
    }
    %not3A_189 = arith.constant true
    %not3A_190 = arith.xori %and3A_81, %not3A_189 : i1
    %gt3A_191 = arith.constant 256 : i32
    %gt3A_192 = arith.cmpi sgt, %min3A, %gt3A_191 : i32
    %and3A_193 = arith.andi %not3A_190, %gt3A_192 : i1
    %convert_element_type3A_194 = arith.extui %and3A_193 : i1 to i32
    %cond3A_195 = arith.constant 0 : i32
    %cond3A_196 = arith.cmpi ne, %convert_element_type3A_194, %cond3A_195 : i32
    scf.if %cond3A_196 {
      %sub3A_232 = arith.constant 256 : i32
      %sub3A_233 = arith.subi %min3A, %sub3A_232 : i32
      %max3A_234 = arith.constant 0 : i32
      %max3A_235 = arith.maxsi %sub3A_233, %max3A_234 : i32
      %while3A = arith.constant 0 : i32
      %while3A_236 = arith.constant 128 : i32
      %while3A_237 = arith.subi %while3A_236, %max3A_235 : i32
      %while3A_238 = arith.addi %max3A_235, %while3A_237 : i32
      %while3A_239 = arith.constant 1 : i32
      %while3A_240 = arith.divsi %while3A_237, %while3A_239 : i32
      %while3A_241 = arith.muli %while3A_240, %while3A_239 : i32
      %while3A_242 = arith.addi %max3A_235, %while3A_241 : i32
      %while3A_243 = arith.constant 1 : i32
      scf.for %while3A_245 = %max3A_235 to %while3A_242 step %while3A_243  : i32 {
        %broadcast_in_dim3A_246 = arith.constant 0.000000e+00 : f32
        %broadcast_in_dim3A_247 = vector.broadcast %broadcast_in_dim3A_246 : f32 to vector<16xf32>
        %swap3A = arith.constant 2 : i32
        %swap3A_248 = arith.index_cast %swap3A : i32 to index
        %swap3A_249 = arith.index_cast %while3A_245 : i32 to index
        %swap3A_250 = arith.constant 0 : index
        %swap3A_251 = tpu.vector_load %arg8[%swap3A_248, %swap3A_249, %swap3A_250] {strides = array<i32>} : memref<4x128x128xf32, #tpu.memory_space<vmem>>, vector<16xf32>,
        tpu.vector_store %arg8[%swap3A_248, %swap3A_249, %swap3A_250], %broadcast_in_dim3A_247 {strides = array<i32>} : memref<4x128x128xf32, #tpu.memory_space<vmem>>, vector<16xf32>,
        %broadcast_in_dim3A_252 = arith.constant 0.000000e+00 : f32
        %broadcast_in_dim3A_253 = vector.broadcast %broadcast_in_dim3A_252 : f32 to vector<16xf32>
        %swap3A_254 = arith.constant 2 : i32
        %swap3A_255 = arith.index_cast %swap3A_254 : i32 to index
        %swap3A_256 = arith.index_cast %while3A_245 : i32 to index
        %swap3A_257 = arith.constant 16 : index
        %swap3A_258 = tpu.vector_load %arg8[%swap3A_255, %swap3A_256, %swap3A_257] {strides = array<i32>} : memref<4x128x128xf32, #tpu.memory_space<vmem>>, vector<16xf32>,
        tpu.vector_store %arg8[%swap3A_255, %swap3A_256, %swap3A_257], %broadcast_in_dim3A_253 {strides = array<i32>} : memref<4x128x128xf32, #tpu.memory_space<vmem>>, vector<16xf32>,
        %broadcast_in_dim3A_259 = arith.constant 0.000000e+00 : f32
        %broadcast_in_dim3A_260 = vector.broadcast %broadcast_in_dim3A_259 : f32 to vector<16xf32>
        %swap3A_261 = arith.constant 2 : i32
        %swap3A_262 = arith.index_cast %swap3A_261 : i32 to index
        %swap3A_263 = arith.index_cast %while3A_245 : i32 to index
        %swap3A_264 = arith.constant 32 : index
        %swap3A_265 = tpu.vector_load %arg8[%swap3A_262, %swap3A_263, %swap3A_264] {strides = array<i32>} : memref<4x128x128xf32, #tpu.memory_space<vmem>>, vector<16xf32>,
        tpu.vector_store %arg8[%swap3A_262, %swap3A_263, %swap3A_264], %broadcast_in_dim3A_260 {strides = array<i32>} : memref<4x128x128xf32, #tpu.memory_space<vmem>>, vector<16xf32>,
        %broadcast_in_dim3A_266 = arith.constant 0.000000e+00 : f32
        %broadcast_in_dim3A_267 = vector.broadcast %broadcast_in_dim3A_266 : f32 to vector<16xf32>
        %swap3A_268 = arith.constant 2 : i32
        %swap3A_269 = arith.index_cast %swap3A_268 : i32 to index
        %swap3A_270 = arith.index_cast %while3A_245 : i32 to index
        %swap3A_271 = arith.constant 48 : index
        %swap3A_272 = tpu.vector_load %arg8[%swap3A_269, %swap3A_270, %swap3A_271] {strides = array<i32>} : memref<4x128x128xf32, #tpu.memory_space<vmem>>, vector<16xf32>,
        tpu.vector_store %arg8[%swap3A_269, %swap3A_270, %swap3A_271], %broadcast_in_dim3A_267 {strides = array<i32>} : memref<4x128x128xf32, #tpu.memory_space<vmem>>, vector<16xf32>,
        %broadcast_in_dim3A_273 = arith.constant 0.000000e+00 : f32
        %broadcast_in_dim3A_274 = vector.broadcast %broadcast_in_dim3A_273 : f32 to vector<16xf32>
        %swap3A_275 = arith.constant 2 : i32
        %swap3A_276 = arith.index_cast %swap3A_275 : i32 to index
        %swap3A_277 = arith.index_cast %while3A_245 : i32 to index
        %swap3A_278 = arith.constant 64 : index
        %swap3A_279 = tpu.vector_load %arg8[%swap3A_276, %swap3A_277, %swap3A_278] {strides = array<i32>} : memref<4x128x128xf32, #tpu.memory_space<vmem>>, vector<16xf32>,
        tpu.vector_store %arg8[%swap3A_276, %swap3A_277, %swap3A_278], %broadcast_in_dim3A_274 {strides = array<i32>} : memref<4x128x128xf32, #tpu.memory_space<vmem>>, vector<16xf32>,
        %broadcast_in_dim3A_280 = arith.constant 0.000000e+00 : f32
        %broadcast_in_dim3A_281 = vector.broadcast %broadcast_in_dim3A_280 : f32 to vector<16xf32>
        %swap3A_282 = arith.constant 2 : i32
        %swap3A_283 = arith.index_cast %swap3A_282 : i32 to index
        %swap3A_284 = arith.index_cast %while3A_245 : i32 to index
        %swap3A_285 = arith.constant 80 : index
        %swap3A_286 = tpu.vector_load %arg8[%swap3A_283, %swap3A_284, %swap3A_285] {strides = array<i32>} : memref<4x128x128xf32, #tpu.memory_space<vmem>>, vector<16xf32>,
        tpu.vector_store %arg8[%swap3A_283, %swap3A_284, %swap3A_285], %broadcast_in_dim3A_281 {strides = array<i32>} : memref<4x128x128xf32, #tpu.memory_space<vmem>>, vector<16xf32>,
        %broadcast_in_dim3A_287 = arith.constant 0.000000e+00 : f32
        %broadcast_in_dim3A_288 = vector.broadcast %broadcast_in_dim3A_287 : f32 to vector<16xf32>
        %swap3A_289 = arith.constant 2 : i32
        %swap3A_290 = arith.index_cast %swap3A_289 : i32 to index
        %swap3A_291 = arith.index_cast %while3A_245 : i32 to index
        %swap3A_292 = arith.constant 96 : index
        %swap3A_293 = tpu.vector_load %arg8[%swap3A_290, %swap3A_291, %swap3A_292] {strides = array<i32>} : memref<4x128x128xf32, #tpu.memory_space<vmem>>, vector<16xf32>,
        tpu.vector_store %arg8[%swap3A_290, %swap3A_291, %swap3A_292], %broadcast_in_dim3A_288 {strides = array<i32>} : memref<4x128x128xf32, #tpu.memory_space<vmem>>, vector<16xf32>,
        %broadcast_in_dim3A_294 = arith.constant 0.000000e+00 : f32
        %broadcast_in_dim3A_295 = vector.broadcast %broadcast_in_dim3A_294 : f32 to vector<16xf32>
        %swap3A_296 = arith.constant 2 : i32
        %swap3A_297 = arith.index_cast %swap3A_296 : i32 to index
        %swap3A_298 = arith.index_cast %while3A_245 : i32 to index
        %swap3A_299 = arith.constant 112 : index
        %swap3A_300 = tpu.vector_load %arg8[%swap3A_297, %swap3A_298, %swap3A_299] {strides = array<i32>} : memref<4x128x128xf32, #tpu.memory_space<vmem>>, vector<16xf32>,
        tpu.vector_store %arg8[%swap3A_297, %swap3A_298, %swap3A_299], %broadcast_in_dim3A_295 {strides = array<i32>} : memref<4x128x128xf32, #tpu.memory_space<vmem>>, vector<16xf32>,
      }
      %while3A_244 = arith.constant 1 : i32
      scf.for %while3A_245 = %while3A_242 to %while3A_238 step %while3A_244  : i32 {
        %broadcast_in_dim3A_246 = arith.constant 0.000000e+00 : f32
        %broadcast_in_dim3A_247 = vector.broadcast %broadcast_in_dim3A_246 : f32 to vector<16xf32>
        %swap3A = arith.constant 2 : i32
        %swap3A_248 = arith.index_cast %swap3A : i32 to index
        %swap3A_249 = arith.index_cast %while3A_245 : i32 to index
        %swap3A_250 = arith.constant 0 : index
        %swap3A_251 = tpu.vector_load %arg8[%swap3A_248, %swap3A_249, %swap3A_250] {strides = array<i32>} : memref<4x128x128xf32, #tpu.memory_space<vmem>>, vector<16xf32>,
        tpu.vector_store %arg8[%swap3A_248, %swap3A_249, %swap3A_250], %broadcast_in_dim3A_247 {strides = array<i32>} : memref<4x128x128xf32, #tpu.memory_space<vmem>>, vector<16xf32>,
        %broadcast_in_dim3A_252 = arith.constant 0.000000e+00 : f32
        %broadcast_in_dim3A_253 = vector.broadcast %broadcast_in_dim3A_252 : f32 to vector<16xf32>
        %swap3A_254 = arith.constant 2 : i32
        %swap3A_255 = arith.index_cast %swap3A_254 : i32 to index
        %swap3A_256 = arith.index_cast %while3A_245 : i32 to index
        %swap3A_257 = arith.constant 16 : index
        %swap3A_258 = tpu.vector_load %arg8[%swap3A_255, %swap3A_256, %swap3A_257] {strides = array<i32>} : memref<4x128x128xf32, #tpu.memory_space<vmem>>, vector<16xf32>,
        tpu.vector_store %arg8[%swap3A_255, %swap3A_256, %swap3A_257], %broadcast_in_dim3A_253 {strides = array<i32>} : memref<4x128x128xf32, #tpu.memory_space<vmem>>, vector<16xf32>,
        %broadcast_in_dim3A_259 = arith.constant 0.000000e+00 : f32
        %broadcast_in_dim3A_260 = vector.broadcast %broadcast_in_dim3A_259 : f32 to vector<16xf32>
        %swap3A_261 = arith.constant 2 : i32
        %swap3A_262 = arith.index_cast %swap3A_261 : i32 to index
        %swap3A_263 = arith.index_cast %while3A_245 : i32 to index
        %swap3A_264 = arith.constant 32 : index
        %swap3A_265 = tpu.vector_load %arg8[%swap3A_262, %swap3A_263, %swap3A_264] {strides = array<i32>} : memref<4x128x128xf32, #tpu.memory_space<vmem>>, vector<16xf32>,
        tpu.vector_store %arg8[%swap3A_262, %swap3A_263, %swap3A_264], %broadcast_in_dim3A_260 {strides = array<i32>} : memref<4x128x128xf32, #tpu.memory_space<vmem>>, vector<16xf32>,
        %broadcast_in_dim3A_266 = arith.constant 0.000000e+00 : f32
        %broadcast_in_dim3A_267 = vector.broadcast %broadcast_in_dim3A_266 : f32 to vector<16xf32>
        %swap3A_268 = arith.constant 2 : i32
        %swap3A_269 = arith.index_cast %swap3A_268 : i32 to index
        %swap3A_270 = arith.index_cast %while3A_245 : i32 to index
        %swap3A_271 = arith.constant 48 : index
        %swap3A_272 = tpu.vector_load %arg8[%swap3A_269, %swap3A_270, %swap3A_271] {strides = array<i32>} : memref<4x128x128xf32, #tpu.memory_space<vmem>>, vector<16xf32>,
        tpu.vector_store %arg8[%swap3A_269, %swap3A_270, %swap3A_271], %broadcast_in_dim3A_267 {strides = array<i32>} : memref<4x128x128xf32, #tpu.memory_space<vmem>>, vector<16xf32>,
        %broadcast_in_dim3A_273 = arith.constant 0.000000e+00 : f32
        %broadcast_in_dim3A_274 = vector.broadcast %broadcast_in_dim3A_273 : f32 to vector<16xf32>
        %swap3A_275 = arith.constant 2 : i32
        %swap3A_276 = arith.index_cast %swap3A_275 : i32 to index
        %swap3A_277 = arith.index_cast %while3A_245 : i32 to index
        %swap3A_278 = arith.constant 64 : index
        %swap3A_279 = tpu.vector_load %arg8[%swap3A_276, %swap3A_277, %swap3A_278] {strides = array<i32>} : memref<4x128x128xf32, #tpu.memory_space<vmem>>, vector<16xf32>,
        tpu.vector_store %arg8[%swap3A_276, %swap3A_277, %swap3A_278], %broadcast_in_dim3A_274 {strides = array<i32>} : memref<4x128x128xf32, #tpu.memory_space<vmem>>, vector<16xf32>,
        %broadcast_in_dim3A_280 = arith.constant 0.000000e+00 : f32
        %broadcast_in_dim3A_281 = vector.broadcast %broadcast_in_dim3A_280 : f32 to vector<16xf32>
        %swap3A_282 = arith.constant 2 : i32
        %swap3A_283 = arith.index_cast %swap3A_282 : i32 to index
        %swap3A_284 = arith.index_cast %while3A_245 : i32 to index
        %swap3A_285 = arith.constant 80 : index
        %swap3A_286 = tpu.vector_load %arg8[%swap3A_283, %swap3A_284, %swap3A_285] {strides = array<i32>} : memref<4x128x128xf32, #tpu.memory_space<vmem>>, vector<16xf32>,
        tpu.vector_store %arg8[%swap3A_283, %swap3A_284, %swap3A_285], %broadcast_in_dim3A_281 {strides = array<i32>} : memref<4x128x128xf32, #tpu.memory_space<vmem>>, vector<16xf32>,
        %broadcast_in_dim3A_287 = arith.constant 0.000000e+00 : f32
        %broadcast_in_dim3A_288 = vector.broadcast %broadcast_in_dim3A_287 : f32 to vector<16xf32>
        %swap3A_289 = arith.constant 2 : i32
        %swap3A_290 = arith.index_cast %swap3A_289 : i32 to index
        %swap3A_291 = arith.index_cast %while3A_245 : i32 to index
        %swap3A_292 = arith.constant 96 : index
        %swap3A_293 = tpu.vector_load %arg8[%swap3A_290, %swap3A_291, %swap3A_292] {strides = array<i32>} : memref<4x128x128xf32, #tpu.memory_space<vmem>>, vector<16xf32>,
        tpu.vector_store %arg8[%swap3A_290, %swap3A_291, %swap3A_292], %broadcast_in_dim3A_288 {strides = array<i32>} : memref<4x128x128xf32, #tpu.memory_space<vmem>>, vector<16xf32>,
        %broadcast_in_dim3A_294 = arith.constant 0.000000e+00 : f32
        %broadcast_in_dim3A_295 = vector.broadcast %broadcast_in_dim3A_294 : f32 to vector<16xf32>
        %swap3A_296 = arith.constant 2 : i32
        %swap3A_297 = arith.index_cast %swap3A_296 : i32 to index
        %swap3A_298 = arith.index_cast %while3A_245 : i32 to index
        %swap3A_299 = arith.constant 112 : index
        %swap3A_300 = tpu.vector_load %arg8[%swap3A_297, %swap3A_298, %swap3A_299] {strides = array<i32>} : memref<4x128x128xf32, #tpu.memory_space<vmem>>, vector<16xf32>,
        tpu.vector_store %arg8[%swap3A_297, %swap3A_298, %swap3A_299], %broadcast_in_dim3A_295 {strides = array<i32>} : memref<4x128x128xf32, #tpu.memory_space<vmem>>, vector<16xf32>,
      }
    } else {
    }
    %gt3A_197 = arith.constant 256 : i32
    %gt3A_198 = arith.cmpi sgt, %min3A, %gt3A_197 : i32
    %convert_element_type3A_199 = arith.extui %gt3A_198 : i1 to i32
    %cond3A_200 = arith.constant 0 : i32
    %cond3A_201 = arith.cmpi ne, %convert_element_type3A_199, %cond3A_200 : i32
    scf.if %cond3A_201 {
      %dma_start3A = arith.constant 2 : i32
      %dma_start3A_232 = arith.constant 0 : i32
      %dma_start3A_233 = arith.constant 0 : i32
      %dma_start3A_234 = tpu.memref_slice %arg8[%dma_start3A, %dma_start3A_232, %dma_start3A_233] : memref<4x128x128xf32, #tpu.memory_space<vmem>> -> memref<1x128x128xf32, #tpu.memory_space<vmem>>
      %dma_start3A_235 = tpu.memref_squeeze %dma_start3A_234 : memref<1x128x128xf32, #tpu.memory_space<vmem>> -> memref<128x128xf32, #tpu.memory_space<vmem>>
      %dma_start3A_236 = arith.constant 0 : i32
      %dma_start3A_237 = tpu.memref_slice %arg5[%select_n3A, %add3A_183, %dma_start3A_236] : memref<8x2048x128xf32, #tpu.memory_space<hbm>> -> memref<1x128x128xf32, #tpu.memory_space<hbm>>
      %dma_start3A_238 = tpu.memref_squeeze %dma_start3A_237 : memref<1x128x128xf32, #tpu.memory_space<hbm>> -> memref<128x128xf32, #tpu.memory_space<hbm>>
      %dma_start3A_239 = arith.constant 0 : i32
      %dma_start3A_240 = tpu.memref_slice %arg5[%select_n3A, %add3A_183, %dma_start3A_239] : memref<8x2048x128xf32, #tpu.memory_space<hbm>> -> memref<1x128x128xf32, #tpu.memory_space<hbm>>
      %dma_start3A_241 = tpu.memref_squeeze %dma_start3A_240 : memref<1x128x128xf32, #tpu.memory_space<hbm>> -> memref<128x128xf32, #tpu.memory_space<hbm>>
      %dma_start3A_242 = arith.constant 0 : i32
      %dma_start3A_243 = arith.constant 0 : i32
      %dma_start3A_244 = tpu.memref_slice %arg8[%dma_start3A, %dma_start3A_242, %dma_start3A_243] : memref<4x128x128xf32, #tpu.memory_space<vmem>> -> memref<1x128x128xf32, #tpu.memory_space<vmem>>
      %dma_start3A_245 = tpu.memref_squeeze %dma_start3A_244 : memref<1x128x128xf32, #tpu.memory_space<vmem>> -> memref<128x128xf32, #tpu.memory_space<vmem>>
      tpu.enqueue_dma source(%dma_start3A_245 : memref<128x128xf32, #tpu.memory_space<vmem>>) target(%dma_start3A_241 : memref<128x128xf32, #tpu.memory_space<hbm>>) target_semaphore(%arg12 : memref<!tpu.dma_semaphore, #tpu.memory_space<semaphore_mem>>)
    } else {
    }
    %le3A_202 = arith.constant 256 : i32
    %le3A_203 = arith.cmpi sle, %min3A, %le3A_202 : i32
    %convert_element_type3A_204 = arith.extui %le3A_203 : i1 to i32
    %cond3A_205 = arith.constant 0 : i32
    %cond3A_206 = arith.cmpi ne, %convert_element_type3A_204, %cond3A_205 : i32
    scf.if %cond3A_206 {
      %dma_start3A = arith.constant 0 : i32
      %dma_start3A_232 = tpu.memref_slice %arg5[%select_n3A, %add3A_183, %dma_start3A] : memref<8x2048x128xf32, #tpu.memory_space<hbm>> -> memref<1x128x128xf32, #tpu.memory_space<hbm>>
      %dma_start3A_233 = tpu.memref_squeeze %dma_start3A_232 : memref<1x128x128xf32, #tpu.memory_space<hbm>> -> memref<128x128xf32, #tpu.memory_space<hbm>>
      %dma_start3A_234 = arith.constant 0 : i32
      %dma_start3A_235 = tpu.memref_slice %arg5[%select_n3A, %add3A_183, %dma_start3A_234] : memref<8x2048x128xf32, #tpu.memory_space<hbm>> -> memref<1x128x128xf32, #tpu.memory_space<hbm>>
      %dma_start3A_236 = tpu.memref_squeeze %dma_start3A_235 : memref<1x128x128xf32, #tpu.memory_space<hbm>> -> memref<128x128xf32, #tpu.memory_space<hbm>>
      tpu.enqueue_dma source(%arg9 : memref<128x128xf32, #tpu.memory_space<vmem>>) target(%dma_start3A_236 : memref<128x128xf32, #tpu.memory_space<hbm>>) target_semaphore(%arg12 : memref<!tpu.dma_semaphore, #tpu.memory_space<semaphore_mem>>)
    } else {
    }
    %add3A_207 = arith.constant 384 : i32
    %add3A_208 = arith.addi %multiple_of3A, %add3A_207 : i32
    %gt3A_209 = arith.constant 384 : i32
    %gt3A_210 = arith.cmpi sgt, %min3A, %gt3A_209 : i32
    %convert_element_type3A_211 = arith.extui %gt3A_210 : i1 to i32
    %cond3A_212 = arith.constant 0 : i32
    %cond3A_213 = arith.cmpi ne, %convert_element_type3A_211, %cond3A_212 : i32
    scf.if %cond3A_213 {
      %dma_wait3A = arith.constant 3 : i32
      %dma_wait3A_232 = arith.constant 3 : i32
      %dma_wait3A_233 = arith.constant 0 : i32
      %dma_wait3A_234 = arith.constant 0 : i32
      %dma_wait3A_235 = tpu.memref_slice %arg8[%dma_wait3A, %dma_wait3A_233, %dma_wait3A_234] : memref<4x128x128xf32, #tpu.memory_space<vmem>> -> memref<1x128x128xf32, #tpu.memory_space<vmem>>
      %dma_wait3A_236 = tpu.memref_squeeze %dma_wait3A_235 : memref<1x128x128xf32, #tpu.memory_space<vmem>> -> memref<128x128xf32, #tpu.memory_space<vmem>>
      %dma_wait3A_237 = arith.constant 0 : i32
      %dma_wait3A_238 = arith.constant 0 : i32
      %dma_wait3A_239 = tpu.memref_slice %arg2[%dma_wait3A_237, %dma_wait3A_238] : memref<8192x128xf32, #tpu.memory_space<hbm>> -> memref<128x128xf32, #tpu.memory_space<hbm>>
      %dma_wait3A_240 = tpu.memref_slice %arg10[%dma_wait3A_232] : memref<4x!tpu.dma_semaphore, #tpu.memory_space<semaphore_mem>> -> memref<1x!tpu.dma_semaphore, #tpu.memory_space<semaphore_mem>>
      %dma_wait3A_241 = tpu.memref_squeeze %dma_wait3A_240 : memref<1x!tpu.dma_semaphore, #tpu.memory_space<semaphore_mem>> -> memref<!tpu.dma_semaphore, #tpu.memory_space<semaphore_mem>>
      %dma_wait3A_242 = arith.constant 0 : i32
      %dma_wait3A_243 = arith.constant 0 : i32
      %dma_wait3A_244 = tpu.memref_slice %arg8[%dma_wait3A, %dma_wait3A_242, %dma_wait3A_243] : memref<4x128x128xf32, #tpu.memory_space<vmem>> -> memref<1x128x128xf32, #tpu.memory_space<vmem>>
      %dma_wait3A_245 = tpu.memref_squeeze %dma_wait3A_244 : memref<1x128x128xf32, #tpu.memory_space<vmem>> -> memref<128x128xf32, #tpu.memory_space<vmem>>
      %dma_wait3A_246 = arith.constant 0 : i32
      %dma_wait3A_247 = arith.constant 0 : i32
      %dma_wait3A_248 = tpu.memref_slice %arg2[%dma_wait3A_246, %dma_wait3A_247] : memref<8192x128xf32, #tpu.memory_space<hbm>> -> memref<128x128xf32, #tpu.memory_space<hbm>>
      tpu.wait_dma2 semaphore(%dma_wait3A_241 : memref<!tpu.dma_semaphore, #tpu.memory_space<semaphore_mem>>) src(%dma_wait3A_248 : memref<128x128xf32, #tpu.memory_space<hbm>>) dst(%dma_wait3A_245 : memref<128x128xf32, #tpu.memory_space<vmem>>)
    } else {
    }
    %not3A_214 = arith.constant true
    %not3A_215 = arith.xori %and3A_84, %not3A_214 : i1
    %gt3A_216 = arith.constant 384 : i32
    %gt3A_217 = arith.cmpi sgt, %min3A, %gt3A_216 : i32
    %and3A_218 = arith.andi %not3A_215, %gt3A_217 : i1
    %convert_element_type3A_219 = arith.extui %and3A_218 : i1 to i32
    %cond3A_220 = arith.constant 0 : i32
    %cond3A_221 = arith.cmpi ne, %convert_element_type3A_219, %cond3A_220 : i32
    scf.if %cond3A_221 {
      %sub3A_232 = arith.constant 384 : i32
      %sub3A_233 = arith.subi %min3A, %sub3A_232 : i32
      %max3A_234 = arith.constant 0 : i32
      %max3A_235 = arith.maxsi %sub3A_233, %max3A_234 : i32
      %while3A = arith.constant 0 : i32
      %while3A_236 = arith.constant 128 : i32
      %while3A_237 = arith.subi %while3A_236, %max3A_235 : i32
      %while3A_238 = arith.addi %max3A_235, %while3A_237 : i32
      %while3A_239 = arith.constant 1 : i32
      %while3A_240 = arith.divsi %while3A_237, %while3A_239 : i32
      %while3A_241 = arith.muli %while3A_240, %while3A_239 : i32
      %while3A_242 = arith.addi %max3A_235, %while3A_241 : i32
      %while3A_243 = arith.constant 1 : i32
      scf.for %while3A_245 = %max3A_235 to %while3A_242 step %while3A_243  : i32 {
        %broadcast_in_dim3A_246 = arith.constant 0.000000e+00 : f32
        %broadcast_in_dim3A_247 = vector.broadcast %broadcast_in_dim3A_246 : f32 to vector<16xf32>
        %swap3A = arith.constant 3 : i32
        %swap3A_248 = arith.index_cast %swap3A : i32 to index
        %swap3A_249 = arith.index_cast %while3A_245 : i32 to index
        %swap3A_250 = arith.constant 0 : index
        %swap3A_251 = tpu.vector_load %arg8[%swap3A_248, %swap3A_249, %swap3A_250] {strides = array<i32>} : memref<4x128x128xf32, #tpu.memory_space<vmem>>, vector<16xf32>,
        tpu.vector_store %arg8[%swap3A_248, %swap3A_249, %swap3A_250], %broadcast_in_dim3A_247 {strides = array<i32>} : memref<4x128x128xf32, #tpu.memory_space<vmem>>, vector<16xf32>,
        %broadcast_in_dim3A_252 = arith.constant 0.000000e+00 : f32
        %broadcast_in_dim3A_253 = vector.broadcast %broadcast_in_dim3A_252 : f32 to vector<16xf32>
        %swap3A_254 = arith.constant 3 : i32
        %swap3A_255 = arith.index_cast %swap3A_254 : i32 to index
        %swap3A_256 = arith.index_cast %while3A_245 : i32 to index
        %swap3A_257 = arith.constant 16 : index
        %swap3A_258 = tpu.vector_load %arg8[%swap3A_255, %swap3A_256, %swap3A_257] {strides = array<i32>} : memref<4x128x128xf32, #tpu.memory_space<vmem>>, vector<16xf32>,
        tpu.vector_store %arg8[%swap3A_255, %swap3A_256, %swap3A_257], %broadcast_in_dim3A_253 {strides = array<i32>} : memref<4x128x128xf32, #tpu.memory_space<vmem>>, vector<16xf32>,
        %broadcast_in_dim3A_259 = arith.constant 0.000000e+00 : f32
        %broadcast_in_dim3A_260 = vector.broadcast %broadcast_in_dim3A_259 : f32 to vector<16xf32>
        %swap3A_261 = arith.constant 3 : i32
        %swap3A_262 = arith.index_cast %swap3A_261 : i32 to index
        %swap3A_263 = arith.index_cast %while3A_245 : i32 to index
        %swap3A_264 = arith.constant 32 : index
        %swap3A_265 = tpu.vector_load %arg8[%swap3A_262, %swap3A_263, %swap3A_264] {strides = array<i32>} : memref<4x128x128xf32, #tpu.memory_space<vmem>>, vector<16xf32>,
        tpu.vector_store %arg8[%swap3A_262, %swap3A_263, %swap3A_264], %broadcast_in_dim3A_260 {strides = array<i32>} : memref<4x128x128xf32, #tpu.memory_space<vmem>>, vector<16xf32>,
        %broadcast_in_dim3A_266 = arith.constant 0.000000e+00 : f32
        %broadcast_in_dim3A_267 = vector.broadcast %broadcast_in_dim3A_266 : f32 to vector<16xf32>
        %swap3A_268 = arith.constant 3 : i32
        %swap3A_269 = arith.index_cast %swap3A_268 : i32 to index
        %swap3A_270 = arith.index_cast %while3A_245 : i32 to index
        %swap3A_271 = arith.constant 48 : index
        %swap3A_272 = tpu.vector_load %arg8[%swap3A_269, %swap3A_270, %swap3A_271] {strides = array<i32>} : memref<4x128x128xf32, #tpu.memory_space<vmem>>, vector<16xf32>,
        tpu.vector_store %arg8[%swap3A_269, %swap3A_270, %swap3A_271], %broadcast_in_dim3A_267 {strides = array<i32>} : memref<4x128x128xf32, #tpu.memory_space<vmem>>, vector<16xf32>,
        %broadcast_in_dim3A_273 = arith.constant 0.000000e+00 : f32
        %broadcast_in_dim3A_274 = vector.broadcast %broadcast_in_dim3A_273 : f32 to vector<16xf32>
        %swap3A_275 = arith.constant 3 : i32
        %swap3A_276 = arith.index_cast %swap3A_275 : i32 to index
        %swap3A_277 = arith.index_cast %while3A_245 : i32 to index
        %swap3A_278 = arith.constant 64 : index
        %swap3A_279 = tpu.vector_load %arg8[%swap3A_276, %swap3A_277, %swap3A_278] {strides = array<i32>} : memref<4x128x128xf32, #tpu.memory_space<vmem>>, vector<16xf32>,
        tpu.vector_store %arg8[%swap3A_276, %swap3A_277, %swap3A_278], %broadcast_in_dim3A_274 {strides = array<i32>} : memref<4x128x128xf32, #tpu.memory_space<vmem>>, vector<16xf32>,
        %broadcast_in_dim3A_280 = arith.constant 0.000000e+00 : f32
        %broadcast_in_dim3A_281 = vector.broadcast %broadcast_in_dim3A_280 : f32 to vector<16xf32>
        %swap3A_282 = arith.constant 3 : i32
        %swap3A_283 = arith.index_cast %swap3A_282 : i32 to index
        %swap3A_284 = arith.index_cast %while3A_245 : i32 to index
        %swap3A_285 = arith.constant 80 : index
        %swap3A_286 = tpu.vector_load %arg8[%swap3A_283, %swap3A_284, %swap3A_285] {strides = array<i32>} : memref<4x128x128xf32, #tpu.memory_space<vmem>>, vector<16xf32>,
        tpu.vector_store %arg8[%swap3A_283, %swap3A_284, %swap3A_285], %broadcast_in_dim3A_281 {strides = array<i32>} : memref<4x128x128xf32, #tpu.memory_space<vmem>>, vector<16xf32>,
        %broadcast_in_dim3A_287 = arith.constant 0.000000e+00 : f32
        %broadcast_in_dim3A_288 = vector.broadcast %broadcast_in_dim3A_287 : f32 to vector<16xf32>
        %swap3A_289 = arith.constant 3 : i32
        %swap3A_290 = arith.index_cast %swap3A_289 : i32 to index
        %swap3A_291 = arith.index_cast %while3A_245 : i32 to index
        %swap3A_292 = arith.constant 96 : index
        %swap3A_293 = tpu.vector_load %arg8[%swap3A_290, %swap3A_291, %swap3A_292] {strides = array<i32>} : memref<4x128x128xf32, #tpu.memory_space<vmem>>, vector<16xf32>,
        tpu.vector_store %arg8[%swap3A_290, %swap3A_291, %swap3A_292], %broadcast_in_dim3A_288 {strides = array<i32>} : memref<4x128x128xf32, #tpu.memory_space<vmem>>, vector<16xf32>,
        %broadcast_in_dim3A_294 = arith.constant 0.000000e+00 : f32
        %broadcast_in_dim3A_295 = vector.broadcast %broadcast_in_dim3A_294 : f32 to vector<16xf32>
        %swap3A_296 = arith.constant 3 : i32
        %swap3A_297 = arith.index_cast %swap3A_296 : i32 to index
        %swap3A_298 = arith.index_cast %while3A_245 : i32 to index
        %swap3A_299 = arith.constant 112 : index
        %swap3A_300 = tpu.vector_load %arg8[%swap3A_297, %swap3A_298, %swap3A_299] {strides = array<i32>} : memref<4x128x128xf32, #tpu.memory_space<vmem>>, vector<16xf32>,
        tpu.vector_store %arg8[%swap3A_297, %swap3A_298, %swap3A_299], %broadcast_in_dim3A_295 {strides = array<i32>} : memref<4x128x128xf32, #tpu.memory_space<vmem>>, vector<16xf32>,
      }
      %while3A_244 = arith.constant 1 : i32
      scf.for %while3A_245 = %while3A_242 to %while3A_238 step %while3A_244  : i32 {
        %broadcast_in_dim3A_246 = arith.constant 0.000000e+00 : f32
        %broadcast_in_dim3A_247 = vector.broadcast %broadcast_in_dim3A_246 : f32 to vector<16xf32>
        %swap3A = arith.constant 3 : i32
        %swap3A_248 = arith.index_cast %swap3A : i32 to index
        %swap3A_249 = arith.index_cast %while3A_245 : i32 to index
        %swap3A_250 = arith.constant 0 : index
        %swap3A_251 = tpu.vector_load %arg8[%swap3A_248, %swap3A_249, %swap3A_250] {strides = array<i32>} : memref<4x128x128xf32, #tpu.memory_space<vmem>>, vector<16xf32>,
        tpu.vector_store %arg8[%swap3A_248, %swap3A_249, %swap3A_250], %broadcast_in_dim3A_247 {strides = array<i32>} : memref<4x128x128xf32, #tpu.memory_space<vmem>>, vector<16xf32>,
        %broadcast_in_dim3A_252 = arith.constant 0.000000e+00 : f32
        %broadcast_in_dim3A_253 = vector.broadcast %broadcast_in_dim3A_252 : f32 to vector<16xf32>
        %swap3A_254 = arith.constant 3 : i32
        %swap3A_255 = arith.index_cast %swap3A_254 : i32 to index
        %swap3A_256 = arith.index_cast %while3A_245 : i32 to index
        %swap3A_257 = arith.constant 16 : index
        %swap3A_258 = tpu.vector_load %arg8[%swap3A_255, %swap3A_256, %swap3A_257] {strides = array<i32>} : memref<4x128x128xf32, #tpu.memory_space<vmem>>, vector<16xf32>,
        tpu.vector_store %arg8[%swap3A_255, %swap3A_256, %swap3A_257], %broadcast_in_dim3A_253 {strides = array<i32>} : memref<4x128x128xf32, #tpu.memory_space<vmem>>, vector<16xf32>,
        %broadcast_in_dim3A_259 = arith.constant 0.000000e+00 : f32
        %broadcast_in_dim3A_260 = vector.broadcast %broadcast_in_dim3A_259 : f32 to vector<16xf32>
        %swap3A_261 = arith.constant 3 : i32
        %swap3A_262 = arith.index_cast %swap3A_261 : i32 to index
        %swap3A_263 = arith.index_cast %while3A_245 : i32 to index
        %swap3A_264 = arith.constant 32 : index
        %swap3A_265 = tpu.vector_load %arg8[%swap3A_262, %swap3A_263, %swap3A_264] {strides = array<i32>} : memref<4x128x128xf32, #tpu.memory_space<vmem>>, vector<16xf32>,
        tpu.vector_store %arg8[%swap3A_262, %swap3A_263, %swap3A_264], %broadcast_in_dim3A_260 {strides = array<i32>} : memref<4x128x128xf32, #tpu.memory_space<vmem>>, vector<16xf32>,
        %broadcast_in_dim3A_266 = arith.constant 0.000000e+00 : f32
        %broadcast_in_dim3A_267 = vector.broadcast %broadcast_in_dim3A_266 : f32 to vector<16xf32>
        %swap3A_268 = arith.constant 3 : i32
        %swap3A_269 = arith.index_cast %swap3A_268 : i32 to index
        %swap3A_270 = arith.index_cast %while3A_245 : i32 to index
        %swap3A_271 = arith.constant 48 : index
        %swap3A_272 = tpu.vector_load %arg8[%swap3A_269, %swap3A_270, %swap3A_271] {strides = array<i32>} : memref<4x128x128xf32, #tpu.memory_space<vmem>>, vector<16xf32>,
        tpu.vector_store %arg8[%swap3A_269, %swap3A_270, %swap3A_271], %broadcast_in_dim3A_267 {strides = array<i32>} : memref<4x128x128xf32, #tpu.memory_space<vmem>>, vector<16xf32>,
        %broadcast_in_dim3A_273 = arith.constant 0.000000e+00 : f32
        %broadcast_in_dim3A_274 = vector.broadcast %broadcast_in_dim3A_273 : f32 to vector<16xf32>
        %swap3A_275 = arith.constant 3 : i32
        %swap3A_276 = arith.index_cast %swap3A_275 : i32 to index
        %swap3A_277 = arith.index_cast %while3A_245 : i32 to index
        %swap3A_278 = arith.constant 64 : index
        %swap3A_279 = tpu.vector_load %arg8[%swap3A_276, %swap3A_277, %swap3A_278] {strides = array<i32>} : memref<4x128x128xf32, #tpu.memory_space<vmem>>, vector<16xf32>,
        tpu.vector_store %arg8[%swap3A_276, %swap3A_277, %swap3A_278], %broadcast_in_dim3A_274 {strides = array<i32>} : memref<4x128x128xf32, #tpu.memory_space<vmem>>, vector<16xf32>,
        %broadcast_in_dim3A_280 = arith.constant 0.000000e+00 : f32
        %broadcast_in_dim3A_281 = vector.broadcast %broadcast_in_dim3A_280 : f32 to vector<16xf32>
        %swap3A_282 = arith.constant 3 : i32
        %swap3A_283 = arith.index_cast %swap3A_282 : i32 to index
        %swap3A_284 = arith.index_cast %while3A_245 : i32 to index
        %swap3A_285 = arith.constant 80 : index
        %swap3A_286 = tpu.vector_load %arg8[%swap3A_283, %swap3A_284, %swap3A_285] {strides = array<i32>} : memref<4x128x128xf32, #tpu.memory_space<vmem>>, vector<16xf32>,
        tpu.vector_store %arg8[%swap3A_283, %swap3A_284, %swap3A_285], %broadcast_in_dim3A_281 {strides = array<i32>} : memref<4x128x128xf32, #tpu.memory_space<vmem>>, vector<16xf32>,
        %broadcast_in_dim3A_287 = arith.constant 0.000000e+00 : f32
        %broadcast_in_dim3A_288 = vector.broadcast %broadcast_in_dim3A_287 : f32 to vector<16xf32>
        %swap3A_289 = arith.constant 3 : i32
        %swap3A_290 = arith.index_cast %swap3A_289 : i32 to index
        %swap3A_291 = arith.index_cast %while3A_245 : i32 to index
        %swap3A_292 = arith.constant 96 : index
        %swap3A_293 = tpu.vector_load %arg8[%swap3A_290, %swap3A_291, %swap3A_292] {strides = array<i32>} : memref<4x128x128xf32, #tpu.memory_space<vmem>>, vector<16xf32>,
        tpu.vector_store %arg8[%swap3A_290, %swap3A_291, %swap3A_292], %broadcast_in_dim3A_288 {strides = array<i32>} : memref<4x128x128xf32, #tpu.memory_space<vmem>>, vector<16xf32>,
        %broadcast_in_dim3A_294 = arith.constant 0.000000e+00 : f32
        %broadcast_in_dim3A_295 = vector.broadcast %broadcast_in_dim3A_294 : f32 to vector<16xf32>
        %swap3A_296 = arith.constant 3 : i32
        %swap3A_297 = arith.index_cast %swap3A_296 : i32 to index
        %swap3A_298 = arith.index_cast %while3A_245 : i32 to index
        %swap3A_299 = arith.constant 112 : index
        %swap3A_300 = tpu.vector_load %arg8[%swap3A_297, %swap3A_298, %swap3A_299] {strides = array<i32>} : memref<4x128x128xf32, #tpu.memory_space<vmem>>, vector<16xf32>,
        tpu.vector_store %arg8[%swap3A_297, %swap3A_298, %swap3A_299], %broadcast_in_dim3A_295 {strides = array<i32>} : memref<4x128x128xf32, #tpu.memory_space<vmem>>, vector<16xf32>,
      }
    } else {
    }
    %gt3A_222 = arith.constant 384 : i32
    %gt3A_223 = arith.cmpi sgt, %min3A, %gt3A_222 : i32
    %convert_element_type3A_224 = arith.extui %gt3A_223 : i1 to i32
    %cond3A_225 = arith.constant 0 : i32
    %cond3A_226 = arith.cmpi ne, %convert_element_type3A_224, %cond3A_225 : i32
    scf.if %cond3A_226 {
      %dma_start3A = arith.constant 3 : i32
      %dma_start3A_232 = arith.constant 0 : i32
      %dma_start3A_233 = arith.constant 0 : i32
      %dma_start3A_234 = tpu.memref_slice %arg8[%dma_start3A, %dma_start3A_232, %dma_start3A_233] : memref<4x128x128xf32, #tpu.memory_space<vmem>> -> memref<1x128x128xf32, #tpu.memory_space<vmem>>
      %dma_start3A_235 = tpu.memref_squeeze %dma_start3A_234 : memref<1x128x128xf32, #tpu.memory_space<vmem>> -> memref<128x128xf32, #tpu.memory_space<vmem>>
      %dma_start3A_236 = arith.constant 0 : i32
      %dma_start3A_237 = tpu.memref_slice %arg5[%select_n3A, %add3A_208, %dma_start3A_236] : memref<8x2048x128xf32, #tpu.memory_space<hbm>> -> memref<1x128x128xf32, #tpu.memory_space<hbm>>
      %dma_start3A_238 = tpu.memref_squeeze %dma_start3A_237 : memref<1x128x128xf32, #tpu.memory_space<hbm>> -> memref<128x128xf32, #tpu.memory_space<hbm>>
      %dma_start3A_239 = arith.constant 0 : i32
      %dma_start3A_240 = tpu.memref_slice %arg5[%select_n3A, %add3A_208, %dma_start3A_239] : memref<8x2048x128xf32, #tpu.memory_space<hbm>> -> memref<1x128x128xf32, #tpu.memory_space<hbm>>
      %dma_start3A_241 = tpu.memref_squeeze %dma_start3A_240 : memref<1x128x128xf32, #tpu.memory_space<hbm>> -> memref<128x128xf32, #tpu.memory_space<hbm>>
      %dma_start3A_242 = arith.constant 0 : i32
      %dma_start3A_243 = arith.constant 0 : i32
      %dma_start3A_244 = tpu.memref_slice %arg8[%dma_start3A, %dma_start3A_242, %dma_start3A_243] : memref<4x128x128xf32, #tpu.memory_space<vmem>> -> memref<1x128x128xf32, #tpu.memory_space<vmem>>
      %dma_start3A_245 = tpu.memref_squeeze %dma_start3A_244 : memref<1x128x128xf32, #tpu.memory_space<vmem>> -> memref<128x128xf32, #tpu.memory_space<vmem>>
      tpu.enqueue_dma source(%dma_start3A_245 : memref<128x128xf32, #tpu.memory_space<vmem>>) target(%dma_start3A_241 : memref<128x128xf32, #tpu.memory_space<hbm>>) target_semaphore(%arg12 : memref<!tpu.dma_semaphore, #tpu.memory_space<semaphore_mem>>)
    } else {
    }
    %le3A_227 = arith.constant 384 : i32
    %le3A_228 = arith.cmpi sle, %min3A, %le3A_227 : i32
    %convert_element_type3A_229 = arith.extui %le3A_228 : i1 to i32
    %cond3A_230 = arith.constant 0 : i32
    %cond3A_231 = arith.cmpi ne, %convert_element_type3A_229, %cond3A_230 : i32
    scf.if %cond3A_231 {
      %dma_start3A = arith.constant 0 : i32
      %dma_start3A_232 = tpu.memref_slice %arg5[%select_n3A, %add3A_208, %dma_start3A] : memref<8x2048x128xf32, #tpu.memory_space<hbm>> -> memref<1x128x128xf32, #tpu.memory_space<hbm>>
      %dma_start3A_233 = tpu.memref_squeeze %dma_start3A_232 : memref<1x128x128xf32, #tpu.memory_space<hbm>> -> memref<128x128xf32, #tpu.memory_space<hbm>>
      %dma_start3A_234 = arith.constant 0 : i32
      %dma_start3A_235 = tpu.memref_slice %arg5[%select_n3A, %add3A_208, %dma_start3A_234] : memref<8x2048x128xf32, #tpu.memory_space<hbm>> -> memref<1x128x128xf32, #tpu.memory_space<hbm>>
      %dma_start3A_236 = tpu.memref_squeeze %dma_start3A_235 : memref<1x128x128xf32, #tpu.memory_space<hbm>> -> memref<128x128xf32, #tpu.memory_space<hbm>>
      tpu.enqueue_dma source(%arg9 : memref<128x128xf32, #tpu.memory_space<vmem>>) target(%dma_start3A_236 : memref<128x128xf32, #tpu.memory_space<hbm>>) target_semaphore(%arg12 : memref<!tpu.dma_semaphore, #tpu.memory_space<semaphore_mem>>)
    } else {
    }
    tpu.wait_dma2 semaphore(%arg12 : memref<!tpu.dma_semaphore, #tpu.memory_space<semaphore_mem>>) src(%arg4 : memref<128x128xf32, #tpu.memory_space<hbm>>) dst(%arg9 : memref<128x128xf32, #tpu.memory_space<vmem>>)
    tpu.wait_dma2 semaphore(%arg12 : memref<!tpu.dma_semaphore, #tpu.memory_space<semaphore_mem>>) src(%arg4 : memref<128x128xf32, #tpu.memory_space<hbm>>) dst(%arg9 : memref<128x128xf32, #tpu.memory_space<vmem>>)
    tpu.wait_dma2 semaphore(%arg12 : memref<!tpu.dma_semaphore, #tpu.memory_space<semaphore_mem>>) src(%arg4 : memref<128x128xf32, #tpu.memory_space<hbm>>) dst(%arg9 : memref<128x128xf32, #tpu.memory_space<vmem>>)
    tpu.wait_dma2 semaphore(%arg12 : memref<!tpu.dma_semaphore, #tpu.memory_space<semaphore_mem>>) src(%arg4 : memref<128x128xf32, #tpu.memory_space<hbm>>) dst(%arg9 : memref<128x128xf32, #tpu.memory_space<vmem>>)
    return
  }
}

</mosaic_0001>

<sc_bundles>
// kernel: kernel.3.cloned.1.call-start
scs
__scs_entry_jumppad:
0x0: {  	(pc) =	sbr.rel $0x88, $3  }
0x1: {  	(tag) =	ssettag $0x0;
	lr =	simm.s32 $0x1  }
0x2: {  	[smem:$0x3F9F] =	sst lr;
	_ =	strace $0xD0000000  }
0x3: {  	_ = 	snop  }
0x4: {  	_ = 	snop  }
0x5: {  	_ = 	snop  }
0x6: {  	_ = 	snop  }
0x7: {  	_ = 	snop  }
__scs_overlays_trampoline_lowered:
0x8: {  	[smem:$0x3FAE] =	sst s0  }
0x9: {  	[smem:$0x3FAF] =	sst s1  }
0xa: {  	[smem:$0x3FB0] =	sst s2  }
0xb: {  	[smem:$0x3FB1] =	sst s3  }
0xc: {  	[smem:$0x3FB2] =	sst s4  }
0xd: {  	[smem:$0x3FB3] =	sst s5  }
0xe: {  	[smem:$0x3FB4] =	sst s6  }
0xf: {  	[smem:$0x3FB5] =	sst s7  }
0x10: {  	[smem:$0x3FB6] =	sst s8  }
0x11: {  	[smem:$0x3FB7] =	sst s9;
	s0 =	simm.s32 @!p0 $0x0  }
0x12: {  	s1 =	sld [smem:$0x3F9D];
	s0 =	simm.s32 @p0 $0x1  }
0x13: {  	[smem:$0x3FB8] =	sst s0;
	s0 =	simm.s32 @!p1 $0x0  }
0x14: {  	s2 =	sld [smem:$0x3F9C];
	s0 =	simm.s32 @p1 $0x1  }
0x15: {  	[smem:$0x3FB9] =	sst s0;
	s0 =	simm.s32 @!p2 $0x0  }
0x16: {  	s3 =	sld [smem:$0x3FDB];
	s0 =	simm.s32 @p2 $0x1  }
0x17: {  	s4 =	simm.s32 $0x1BF5;
	[smem:$0x3FBB] =	sst s0  }
0x18: {  	s0 =	sld [smem:$0x3F9E];
	_ =	swait.ge [sflag:s4], $0x0  }
0x19: {  	s7 =	sld [smem:$0x3F9F]  }
0x1a: {  	s8 =	sadd.s32 $0xFFFFE003, lr  }
0x1b: {  	s9 =	sadd.s32 $0xFFFFFEF7, lr;
	s5 =	simm.s32 $0xFFFFFFFF;
	p2 =	slt.u32 s8, $0xFFFFF086  }
0x1c: {  	p1 =	slt.u32 s9, $0xF7A;
	s5 =	simm.s32 @!p2 $0x0  }
0x1d: {  	s5 =	simm.s32 @p1 $0x1;
	p0 =	seq.s32 s7, s2  }
0x1e: {  	s7 =	smul.u32 @!p0 $0xF7A, s2;
	p2 =	seq.s32 @!p0 s5, $0x0  }
0x1f: {  	s9 =	smul.u32 $0xF7A, s1;
	s8 =	simm.s32 @!p0 $0x1BF5;
	p2 =	por !p2, p0  }
0x20: {  	[sflag:s8] =	ssyncset.s32 @!p0 $0xFFFFF086;
	s6 =	sadd.s32 @!p0 s3, s7;
	s7 =	simm.s32 @!p0 $0x108  }
0x21: {  	s3 =	sadd.s32 s3, s9;
	s6 =	sadd.s32 @!p0 $0x88, s6;
	s7 =	simm.s32 @p2 $0x1082  }
0x22: {  	[simem:s7], [sflag:s8] =	dma.local @!p0 [hbm:s6], $0xF7A  }
0x23: {  	s9 =	sor.u32 $0xD0000000, s2;
	s6 =	simm.s32 $0x108;
	_ =	swait.ge @!p0 [sflag:s8], $0x0  }
0x24: {  	s3 =	sadd.s32 $0x88, s3;
	s6 =	simm.s32 @!p1 $0x1082;
	[sflag:s4] =	ssyncset.s32 $0xFFFFF086  }
0x25: {  	[simem:s6], [sflag:s4] =	dma.local [hbm:s3], $0xF7A  }
0x26: {  	[smem:$0x3F9F] =	sst s1;
	(tag) =	ssettag s2;
	_ =	strace s9  }
0x27: {  	s1 =	sld [smem:$0x3FAF]  }
0x28: {  	s2 =	sld [smem:$0x3FB0]  }
0x29: {  	s4 =	sld [smem:$0x3FB2]  }
0x2a: {  	p0 =	seq.s32 s5, $0x0;
	s5 =	sld [smem:$0x3FB3]  }
0x2b: {  	s6 =	sld [smem:$0x3FB4]  }
0x2c: {  	s7 =	sld [smem:$0x3FB5]  }
0x2d: {  	s3 =	simm.s32 $0x108;
	s8 =	sld [smem:$0x3FB6]  }
0x2e: {  	s3 =	simm.s32 @!p0 $0x1082;
	s9 =	sld [smem:$0x3FB7]  }
0x2f: {  	lr =	sadd.s32 s0, s3;
	s0 =	sld [smem:$0x3FAE]  }
0x30: {  	s3 =	sld [smem:$0x3FB1]  }
0x31: {  	[smem:$0x3FBA] =	sst s10  }
0x32: {  	s10 =	sld [smem:$0x3FB8];
	_ =	sdelay $0x3  }
0x33: {  	p0 =	seq.s32 s10, $0x1;
	s10 =	sld [smem:$0x3FBA];
	_ =	sdelay $0x3  }
0x34: {  	[smem:$0x3FBA] =	sst s10  }
0x35: {  	s10 =	sld [smem:$0x3FB9];
	_ =	sdelay $0x3  }
0x36: {  	p1 =	seq.s32 s10, $0x1;
	s10 =	sld [smem:$0x3FBA];
	_ =	sdelay $0x3  }
0x37: {  	[smem:$0x3FBA] =	sst s10  }
0x38: {  	s10 =	sld [smem:$0x3FBB]  }
0x39: {  	_ = 	snop;
	(pc) =	sbr.ind lr, $3  }
0x3a: {  	_ = 	snop  }
0x3b: {  	_ = 	snop  }
0x3c: {  	p2 =	seq.s32 s10, $0x1;
	s10 =	sld [smem:$0x3FBA]  }
0x3d: {  	_ =	shalt  }
0x3e: {  	_ =	shalt  }
0x3f: {  	_ =	shalt  }
0x40: {  	_ =	shalt  }
0x41: {  	_ =	shalt  }
0x42: {  	_ =	shalt  }
0x43: {  	_ =	shalt  }
0x44: {  	_ =	shalt  }
0x45: {  	_ =	shalt  }
0x46: {  	_ =	shalt  }
0x47: {  	_ =	shalt  }
0x48: {  	_ =	shalt  }
0x49: {  	_ =	shalt  }
0x4a: {  	_ =	shalt  }
0x4b: {  	_ =	shalt  }
0x4c: {  	_ =	shalt  }
0x4d: {  	_ =	shalt  }
0x4e: {  	_ =	shalt  }
0x4f: {  	_ =	shalt  }
0x50: {  	_ =	shalt  }
0x51: {  	_ =	shalt  }
0x52: {  	_ =	shalt  }
0x53: {  	_ =	shalt  }
0x54: {  	_ =	shalt  }
0x55: {  	_ =	shalt  }
0x56: {  	_ =	shalt  }
0x57: {  	_ =	shalt  }
0x58: {  	_ =	shalt  }
0x59: {  	_ =	shalt  }
0x5a: {  	_ =	shalt  }
0x5b: {  	_ =	shalt  }
0x5c: {  	_ =	shalt  }
0x5d: {  	_ =	shalt  }
0x5e: {  	_ =	shalt  }
0x5f: {  	_ =	shalt  }
0x60: {  	_ =	shalt  }
0x61: {  	_ =	shalt  }
0x62: {  	_ =	shalt  }
0x63: {  	_ =	shalt  }
0x64: {  	_ =	shalt  }
0x65: {  	_ =	shalt  }
0x66: {  	_ =	shalt  }
0x67: {  	_ =	shalt  }
0x68: {  	_ =	shalt  }
0x69: {  	_ =	shalt  }
0x6a: {  	_ =	shalt  }
0x6b: {  	_ =	shalt  }
0x6c: {  	_ =	shalt  }
0x6d: {  	_ =	shalt  }
0x6e: {  	_ =	shalt  }
0x6f: {  	_ =	shalt  }
0x70: {  	_ =	shalt  }
0x71: {  	_ =	shalt  }
0x72: {  	_ =	shalt  }
0x73: {  	_ =	shalt  }
0x74: {  	_ =	shalt  }
0x75: {  	_ =	shalt  }
0x76: {  	_ =	shalt  }
0x77: {  	_ =	shalt  }
0x78: {  	_ =	shalt  }
0x79: {  	_ =	shalt  }
0x7a: {  	_ =	shalt  }
0x7b: {  	_ =	shalt  }
0x7c: {  	_ =	shalt  }
0x7d: {  	_ =	shalt  }
0x7e: {  	_ =	shalt  }
0x7f: {  	_ =	shalt  }
0x80: {  	_ =	shalt  }
0x81: {  	_ =	shalt  }
0x82: {  	_ =	shalt  }
0x83: {  	_ =	shalt  }
0x84: {  	_ =	shalt  }
0x85: {  	_ =	shalt  }
0x86: {  	_ =	shalt  }
0x87: {  	_ =	shalt  }
.Lfunc_end0:
.L_simem_size_0:
called_computation_lowered:
.L_overlay_start_0:
0x88: {  	s2 =	sld [smem:$0x3FD9]  }
0x89: {  	s3 =	sld [smem:$0x3FFE];
	_ =	sdelay $0x1  }
0x8a: {  	s1 =	srdreg.scid  }
0x8b: {  	s0 =	sand.u32 $0x1, s1  }
0x8c: {  	s14 =	sshll.u32 s0, $0xA;
	s2 =	sadd.s32 s3, s2  }
0x8d: {  	s2 =	sadd.s32 s2, s14  }
0x8e: {  	[smem:$0x3FC6] =	sst s2  }
0x8f: {  	_ = 	snop  }
0x90: {  	s2 =	sld [smem:$0x3FD0];
	_ =	sdelay $0x2  }
0x91: {  	s4 =	simm.s32 $0xA;
	s5 =	simm.s32 $0x10;
	s15 =	sld [smem:$0x3FC9]  }
0x92: {  	[smem:s5], [sflag:s4] =	dma.local [hbm:s2], $0x1  }
0x93: {  	_ =	swait.eq [sflag:s4], $0x1  }
0x94: {  	[sflag:s4] =	ssyncset.done $0x0  }
0x95: {  	[sflag:s4] =	ssyncadd.s32 $0xFFFFFFFF  }
0x96: {  	s16 =	sld [smem:$0x10];
	(tm) =	ssettm $0x1  }
0x97: {  	s17 =	sld [smem:$0x3FFB];
	_ =	sdelay $0x3  }
0x98: {  	_ =	strace s17  }
0x99: {  	s4 =	sld [smem:$0x3FFC];
	_ =	sdelay $0x3  }
0x9a: {  	_ =	strace s4  }
0x9b: {  	s4 =	sld [smem:$0x3FFD];
	_ =	sdelay $0x3  }
0x9c: {  	_ =	strace s4  }
0x9d: {  	_ =	strace $0x8FFFFFFF  }
0x9e: {  	s18 =	sld [smem:$0x3FDB];
	_ =	sdelay $0x1  }
0x9f: {  	s19 =	simm.s32 $_scs_section_size  }
0xa0: {  	s6 =	simm.s32 $_size__tile_overlayer_lowered;
	s7 =	simm.s32 $_tile_overlayer_lowered  }
0xa1: {  	s22 =	simm.s32 $0x1BFF;
	s21 =	sshll.u32 s7, $0x1;
	s4 =	sadd.s32 s19, s18  }
0xa2: {  	s8 =	simm.s32 $0x0;
	s20 =	sshll.u32 s6, $0x1;
	s6 =	sadd.s32 s21, s4  }
0xa3: {  	[timem:s8], [sflag:s22] =	dma.local [hbm:s6], s20  }
0xa4: {  	_ =	swait.ge [sflag:s22], s20  }
0xa5: {  	s5 =	ssub.s32 $0x0, s20;
	[sflag:s22] =	ssyncset.done $0x0  }
0xa6: {  	[sflag:s22] =	ssyncadd.s32 s5;
	_ =	sdelay $0x1  }
0xa7: {  	s23 =	simm.s32 $0x1B8B  }
0xa8: {  	_ =	swait.ge [sflag:s23], $0x1  }
0xa9: {  	[sflag:s23] =	ssyncset.done $0x0  }
0xaa: {  	s25 =	simm.s32 $0x1B8E;
	s24 =	sld [smem:$0x3FFE];
	[sflag:s23] =	ssyncadd.s32 $0xFFFFFFFF  }
0xab: {  	s26 =	simm.s32 $execute0_lowered;
	[smem:$0x3FD2] =	sst s25  }
0xac: {  	s6 =	sshll.u32 s26, $0x1;
	_ =	strace $0x80000046;
	[dreg:$0x1] =	wrdreg $0xFFFFFFFF  }
0xad: {  	s28 =	simm.s32 $_size_execute0_lowered;
	s4 =	sadd.s32 s4, s6;
	[dreg:$0x0] =	wrdreg $0x0  }
0xae: {  	s6 =	sshll.u32 s28, $0x1;
	[dreg:$0x2] =	wrdreg s4  }
0xaf: {  	[dreg:$0x3] =	wrdreg s6  }
0xb0: {  	[dreg:$0x4] =	wrdreg $0xC0  }
0xb1: {  	_ =	task [dreg:s8], $0x5FFFF  }
0xb2: {  	[dreg:$0x1] =	wrdreg $0xFFFFFFFF  }
0xb3: {  	[dreg:$0x0] =	wrdreg $0x60  }
0xb4: {  	[dreg:$0x2] =	wrdreg s15  }
0xb5: {  	[dreg:$0x3] =	wrdreg s24  }
0xb6: {  	[dreg:$0x4] =	wrdreg s16  }
0xb7: {  	[dreg:$0x5] =	wrdreg $0x9  }
0xb8: {  	_ =	task.clear_ibuf [dreg:s8], $0x6FFFF;
	_ =	strace $0x90000046  }
0xb9: {  	s29 =	simm.s32 $0x9;
	_ =	strace $0x80000048  }
0xba: {  	_ =	swait.ge [sflag:s29], $0x1  }
0xbb: {  	[sflag:s29] =	ssyncadd.s32 $0xFFFFFFFF  }
0xbc: {  	_ =	strace $0x90000048  }
0xbd: {  	_ =	sfence  }
0xbe: {  	s30 =	sld [smem:$0x0];
	_ =	sdelay $0x2  }
0xbf: {  	s31 =	sshll.u32 s1, $0xD;
	s1 =	sshrl.u32 s1, $0x2  }
0xc0: {  	s3 =	sand.u32 $0x4000, s31;
	s1 =	sadd.s32 s1, s30  }
0xc1: {  	s0 =	sor.u32 s3, s0;
	s1 =	sshll.u32 s1, $0x11  }
0xc2: {  	s0 =	sor.u32 s1, s0  }
0xc3: {  	s0 =	sadd.s32 $0x8F2B, s0  }
0xc4: {  	[sflag:s0] =	ssyncadd.remote.s32 $0x1  }
0xc5: {  	_ =	sfence.sel $0xFFFF  }
0xc6: {  	[dreg:$0x0] =	wrdreg $0xFFFFFFFF;
	(pc) =	sbr.abs _section_cstart, $3  }
0xc7: {  	[dreg:$0x1] =	wrdreg $0xFFFFFFFF  }
0xc8: {  	_ =	task.clear_ibuf [dreg:s8], $0x2FFFF;
	_ =	strace $0x9FFFFFFF  }
0xc9: {  	(tm) =	ssettm $0x7FFFFFFF  }
tec
execute0_lowered:
.L_overlay_start_1:
0x0: {  	(tag) =	ssettag $0x1  }
0x1: {  	s1 =	rddreg [dreg:$0x0]  }
0x2: {  	s5 =	rddreg [dreg:$0x1]  }
0x3: {  	s11 =	rddreg [dreg:$0x2]  }
0x4: {  	s3 =	simm.s32 $0x0;
	s6 =	srdreg.scid;
	s2 =	stileid.u32  }
0x5: {  	[smem:$0x7FF] =	sst s3;
	s4 =	sadd.s32 $0x600, s5;
	s6 =	sand.u32 $0x1, s6  }
0x6: {  	s7 =	sshll.u32 s2, $0x1;
	s5 =	sadd.s32 $0x800, s5;
	s12 =	sshrl.u32 s2, $0x1  }
0x7: {  	_ =	strace $0x80000047;
	s8 =	ssub.s32 $0x2, s6;
	s7 =	sand.u32 $0x2, s7  }
0x8: {  	s0 =	sadd.s32 $0x1, s12;
	s9 =	sshrl.u32 s8, $0x1;
	s10 =	sor.u32 s6, s7  }
0x9: {  	v34 =	vmov s12;
	s12 =	sshll.u32 s12, $0xF;
	s15 =	ssub.s32 s8, s9;
	s6 =	sshll.u32 s10, $0x9  }
0xa: {  	s7 =	sshll.u32 s10, $0xD;
	s10 =	sshll.u32 s10, $0x10;
	s13 =	sor.u32 $0x10, s6  }
0xb: {  	s14 =	sor.u32 $0x20, s6;
	s16 =	sor.u32 $0x30, s6;
	s17 =	sor.u32 $0x40, s6  }
0xc: {  	s18 =	sor.u32 $0x50, s6;
	s19 =	sor.u32 $0x60, s6;
	s20 =	sor.u32 $0x70, s6  }
0xd: {  	s8 =	sor.u32 $0x4000, s10;
	s21 =	sor.u32 $0x80, s6;
	s22 =	sor.u32 $0x90, s6  }
0xe: {  	s23 =	sor.u32 $0xA0, s6;
	s24 =	sor.u32 $0xB0, s6;
	s25 =	sor.u32 $0xC0, s6  }
0xf: {  	v33 =	vlaneseq.u32;
	v32 =	vmov s0;
	s26 =	sor.u32 $0xD0, s6;
	s28 =	sor.u32 $0xE0, s6;
	s29 =	sor.u32 $0xF0, s6  }
0x10: {  	vm1 =	veq.s32 v34, v33;
	vm0 =	veq.s32 v32, v33;
	s9 =	sor.u32 $0x8000, s10;
	s30 =	sor.u32 $0x160, s6;
	s31 =	sor.u32 $0x170, s6  }
0x11: {  	v32 =	vimm.f32 $0.0e+00;
	s10 =	sor.u32 $0xC000, s10;
	s0 =	sor.u32 $0x1D0, s6;
	v24 =	vor.u32 s6, v33;
	s15 =	smax.u32 s15, $0x1;
	v0 =	vor.u32 s13, v33  }
0x12: {  	v1 =	vor.u32 s14, v33;
	v2 =	vor.u32 s16, v33;
	s13 =	sor.u32 $0x100, s6;
	s16 =	sor.u32 $0x110, s6;
	v3 =	vor.u32 s17, v33;
	s17 =	sor.u32 $0x120, s6  }
0x13: {  	v4 =	vor.u32 s18, v33;
	v5 =	vor.u32 s19, v33;
	s18 =	sor.u32 $0x130, s6;
	s19 =	sor.u32 $0x140, s6;
	v7 =	vor.u32 s22, v33;
	s22 =	sor.u32 $0x150, s6  }
0x14: {  	v8 =	vor.u32 s23, v33;
	v9 =	vor.u32 s24, v33;
	v10 =	vor.u32 s25, v33;
	s23 =	sor.u32 $0x180, s6;
	s24 =	sor.u32 $0x190, s6;
	s25 =	sor.u32 $0x1A0, s6  }
0x15: {  	v6 =	vor.u32 s20, v33;
	v11 =	vor.u32 s26, v33;
	v13 =	vor.u32 s29, v33;
	s26 =	sor.u32 $0x1B0, s6;
	s20 =	sor.u32 $0x1E0, s6;
	s29 =	sor.u32 $0x1F0, s6  }
0x16: {  	v19 =	vor.u32 s30, v33;
	v20 =	vor.u32 s21, v33;
	s30 =	sshll.u32 s21, $0x4;
	s21 =	simm.s32 $0x8280;
	v14 =	vor.u32 s16, v33;
	s16 =	sor.u32 $0x1C0, s6  }
.Ltmp0:
0x17: {  	v12 =	vor.u32 s28, v33;
	v15 =	vor.u32 s17, v33;
	s17 =	sadd.s32 s11, s12;
	v21 =	vor.u32 s13, v33;
	s13 =	sshll.u32 s13, $0x4;
	(pc) =	sbr.rel .LBB2_1-.Ltmp0, $4  }
0x18: {  	v22 =	vor.u32 s31, v33;
	v16 =	vor.u32 s18, v33;
	v17 =	vor.u32 s19, v33;
	s31 =	sshll.u32 s23, $0x4;
	s18 =	simm.s32 $0x280;
	s19 =	simm.s32 $0x10280  }
0x19: {  	v18 =	vor.u32 s22, v33;
	v23 =	vor.u32 s23, v33;
	v30 =	vor.u32 s20, v33;
	s20 =	simm.s32 $0x4280;
	s22 =	simm.s32 $0x6;
	s23 =	simm.s32 $0x0  }
0x1a: {  	v29 =	vor.u32 s0, v33;
	v25 =	vor.u32 s24, v33;
	v26 =	vor.u32 s25, v33;
	s11 =	sadd.s32 s7, s17;
	s12 =	sadd.s32 s30, s17;
	s13 =	sadd.s32 s13, s17  }
0x1b: {  	v27 =	vor.u32 s26, v33;
	v31 =	vor.u32 s29, v33;
	s14 =	sadd.s32 s31, s17;
	v28 =	vor.u32 s16, v33;
	s16 =	simm.s32 $0x7;
	s17 =	simm.s32 $0x1  }
.LBB2_27:
0x1c: {  	[tilespmem:s24+$0x10] =	vst v32  }
.LBB2_28:
0x1d: {  	s0 =	sld [smem:$0x7FC];
	_ =	sdelay $0x2  }
0x1e: {  	s24 =	simm.s32 $0xC280;
	p0 =	seq.s32 s0, $0x1  }
0x1f: {  	s24 =	simm.s32 @!p0 $0x10280  }
.LBB2_29:
0x20: {  	[hbm4b:s14+s3] =	stream.linear.scatter [tilespmem:s24], [sflag:$0x6], $0x4000, $0x38;
	[tilespmem:$0x14280] =	vst v63  }
0x21: {  	_ =	swait.ge [sflag:s22], $0x4000  }
0x22: {  	[sflag:s22] =	ssyncset.done $0x0  }
0x23: {  	[sflag:s22] =	ssyncadd.s32 $0xFFFFC000  }
0x24: {  	_ =	swait.ge [sflag:s22], $0x4000  }
0x25: {  	[sflag:s22] =	ssyncset.done $0x0  }
0x26: {  	s23 =	sadd.s32 $0x1, s23;
	[sflag:s22] =	ssyncadd.s32 $0xFFFFC000  }
0x27: {  	p0 =	sne.s32 s23, s15;
	_ =	swait.ge [sflag:s22], $0x4000  }
.Ltmp1:
0x28: {  	[sflag:s22] =	ssyncset.done $0x0;
	(pc) =	sbr.rel @!p0 .LBB2_30-.Ltmp1, $4  }
0x29: {  	[sflag:s22] =	ssyncadd.s32 $0xFFFFC000  }
0x2a: {  	_ =	swait.ge [sflag:s22], $0x4000  }
0x2b: {  	[sflag:s22] =	ssyncset.done $0x0  }
0x2c: {  	[sflag:s22] =	ssyncadd.s32 $0xFFFFC000  }
.LBB2_1:
0x2d: {  	[tilespmem:s3], [sflag:$0x7] =	stream.linear.gather [hbm4b:s4+s3], $0x80, $0x38;
	[tilespmem:$0x14280] =	vst v63  }
0x2e: {  	_ =	swait.ge [sflag:s16], $0x80  }
0x2f: {  	[sflag:s16] =	ssyncset.done $0x0  }
0x30: {  	[sflag:s16] =	ssyncadd.s32 $0xFFFFFF80  }
0x31: {  	v33 =	vld [tilespmem:$0x0];
	_ =	sdelay $0x4  }
0x32: {  	v34 =	vnsel vm1, $0x0, v33  }
0x33: {  	v33 =	vnsel vm0, $0x0, v33;
	(xrf0) =	vadd.scan.msk.s32 $0xffff, v34  }
0x34: {  	(xrf0) =	vadd.scan.msk.s32 $0xffff, v33;
	_ =	sdelay $0x4  }
0x35: {  	v33, _, _ =	vpop (xrf0)  }
0x36: {  	(v2sf) =	vpush v33, $0xF;
	v63, _, _ =	vpop (xrf0)  }
0x37: {  	(v2sf) =	vpush v63, $0xF;
	_ =	sdelay $0xd  }
0x38: {  	s28 =	spop (v2sf)  }
0x39: {  	s24 =	spop (v2sf)  }
0x3a: {  	s25 =	ssub.s32 s24, s28  }
0x3b: {  	s24 =	ssub.s32 s25, s6  }
0x3c: {  	p1 =	sgt.s32 s24, $0x0  }
0x3d: {  	s29 =	simm.s32 $0x1;
	s26 =	sand.u32 $0x7, s28;
	s0 =	simm.s32 @!p1 $0x0  }
0x3e: {  	s31 =	sshra.s32 s28, $0x1F;
	p0 =	sgt.s32 s24, $0x7F;
	s0 =	simm.s32 @p1 $0x1  }
0x3f: {  	p4 =	seq.s32 s26, $0x0;
	[smem:$0x7FD] =	sst s0;
	s0 =	simm.s32 @!p0 $0x0  }
0x40: {  	s26 =	sshrl.u32 s31, $0x1D;
	s0 =	simm.s32 @p0 $0x1;
	p0 =	por !p0, !p4  }
0x41: {  	s30 =	simm.s32 $0x1;
	s26 =	sadd.s32 s26, s28;
	p2 =	por !p0, !p0  }
0x42: {  	s30 =	simm.s32 @!p1 $0x0;
	p0 =	sgt.s32 s24, $0x1FF;
	s29 =	simm.s32 @!p2 $0x0  }
0x43: {  	p5 =	slt.s32 @p2 s28, $0x1;
	p1 =	seq.s32 s30, s29;
	s29 =	sand.u32 $0xFFFFFFF8, s26  }
0x44: {  	s31 =	simm.s32 @!p0 $0x10280;
	s30 =	simm.s32 @!p0 $0x0;
	v34 =	vbroadcast @!p1 v33, $0xF;
	p3 =	sne.s32 @p2 s28, s29  }
0x45: {  	[tilespmem:s31], [sflag:$0x5] =	stream.linear.gather @!p0 [hbm4b:s5+s30], $0x4000, $0x38;
	[tilespmem:$0x14280] =	vst v63  }
0x46: {  	vm3 =	vlt.s32 @!p1 v24, s25;
	p3 =	por @p2 !p5, !p3;
	v35 =	vadd.s32 @!p1 v24, v34  }
0x47: {  	v36 =	vadd.s32 @!p1 v0, v34;
	p3 =	por @p2 !p3, !p3;
	v37 =	vadd.s32 @!p1 v1, v34;
	vm2 =	vgt.s32 @!p1 v35, $0x0  }
0x48: {  	s30 =	simm.s32 @p2 $0x1;
	v38 =	vadd.s32 @!p1 v2, v34;
	p3 =	por !p3, !p2;
	v35 =	vnsel @!p1 vm2, $0x0, v35;
	vm2 =	vgt.s32 @!p1 v36, $0x0  }
0x49: {  	s31 =	sshrl.u32 @p2 s28, $0x3;
	v39 =	vadd.s32 @!p1 v3, v34;
	v40 =	vadd.s32 @!p1 v4, v34;
	s30 =	simm.s32 @p3 $0x0;
	v36 =	vnsel @!p1 vm2, $0x0, v36  }
0x4a: {  	v35 =	vmin.u32 @!p1 v35, $0x1FFF;
	vm2 =	vlt.s32 @!p1 v0, s25;
	s30 =	ssub.s32 @p2 s31, s30;
	v36 =	vmin.u32 @!p1 v36, $0x1FFF  }
0x4b: {  	v35 =	vnsel @!p1 vm3, $0x0, v35;
	s30 =	sshll.u32 @p2 s30, $0x7;
	v36 =	vnsel @!p1 vm2, $0x0, v36;
	vm2 =	vgt.s32 @!p1 v37, $0x0  }
0x4c: {  	vm3 =	vlt.s32 @!p1 v1, s25;
	s30 =	sadd.s32 @p2 s7, s30;
	v37 =	vnsel @!p1 vm2, $0x0, v37;
	vm2 =	vgt.s32 @!p1 v38, $0x0  }
0x4d: {  	[smem:$0x7F7] =	sst s0;
	s30 =	sand.u32 @p2 $0x1FFFFF80, s30;
	v37 =	vmin.u32 @!p1 v37, $0x1FFF;
	v38 =	vnsel @!p1 vm2, $0x0, v38;
	vm2 =	vgt.s32 @!p1 v39, $0x0  }
0x4e: {  	s0 =	simm.s32 @p2 $0x280;
	s31 =	simm.s32 @p2 $0x0;
	s30 =	sadd.s32 @p2 s1, s30;
	v37 =	vnsel @!p1 vm3, $0x0, v37;
	vm3 =	vlt.s32 @!p1 v2, s25;
	v39 =	vnsel @!p1 vm2, $0x0, v39  }
0x4f: {  	v38 =	vmin.u32 @!p1 v38, $0x1FFF;
	[tilespmem:s0], [sflag:$0x1] =	stream.linear.gather @p2 [hbm4b:s30+s31], $0x4000, $0x38;
	vm2 =	vlt.s32 @!p1 v3, s25;
	v39 =	vmin.u32 @!p1 v39, $0x1FFF;
	[tilespmem:$0x14280] =	vst v63  }
0x50: {  	[tilespmem:$0x80] =	vst @!p1 v35;
	v35 =	vnsel @!p1 vm3, $0x0, v38;
	v38 =	vnsel @!p1 vm2, $0x0, v39;
	vm2 =	vgt.s32 @!p1 v40, $0x0  }
0x51: {  	[tilespmem:$0x90] =	vst @!p1 v36;
	vm3 =	vlt.s32 @!p1 v4, s25;
	v39 =	vadd.s32 @!p1 v5, v34;
	v36 =	vnsel @!p1 vm2, $0x0, v40  }
0x52: {  	p2 =	sgt.s32 s24, $0xFF;
	[tilespmem:$0xA0] =	vst @!p1 v37;
	v34 =	vadd.s32 @!p1 v6, v34;
	vm2 =	vgt.s32 @!p1 v39, $0x0;
	v36 =	vmin.u32 @!p1 v36, $0x1FFF  }
0x53: {  	s0 =	simm.s32 @!p2 $0x0;
	[tilespmem:$0xB0] =	vst @!p1 v35;
	v35 =	vnsel @!p1 vm3, $0x0, v36;
	v36 =	vnsel @!p1 vm2, $0x0, v39;
	vm2 =	vgt.s32 @!p1 v34, $0x0  }
0x54: {  	p5 =	sgt.s32 s24, $0x80;
	s0 =	simm.s32 @p2 $0x1;
	p2 =	por !p2, !p4;
	[tilespmem:$0xC0] =	vst @!p1 v38;
	vm3 =	vlt.s32 @!p1 v5, s25;
	v36 =	vmin.u32 @!p1 v36, $0x1FFF;
	v34 =	vnsel @!p1 vm2, $0x0, v34  }
0x55: {  	[smem:$0x7F8] =	sst s0;
	p2 =	por !p2, !p2;
	s0 =	simm.s32 @!p5 $0x0;
	[tilespmem:$0xD0] =	vst @!p1 v35;
	vm2 =	vlt.s32 @!p1 v6, s25;
	v35 =	vnsel @!p1 vm3, $0x0, v36;
	v34 =	vmin.u32 @!p1 v34, $0x1FFF  }
0x56: {  	s30 =	simm.s32 @!p1 $0x280;
	p3 =	por !p2, !p2;
	s0 =	simm.s32 @p5 $0x1;
	[tilespmem:$0xE0] =	vst @!p1 v35;
	v34 =	vnsel @!p1 vm2, $0x0, v34  }
0x57: {  	[smem:$0x7F9] =	sst s0;
	p3 =	por @!p5 p2, p2;
	s0 =	simm.s32 @!p1 $0x80;
	[tilespmem:$0xF0] =	vst @!p1 v34  }
0x58: {  	v35 =	vbroadcast @p3 v33, $0xF;
	[tilespmem:s30], [sflag:$0x1] =	stream.indirect.gather @!p1 [hbm4b:s1+s0], $0x80, s0, s0, $0xb8;
	[tilespmem:$0x14280] =	vst v63  }
0x59: {  	p5 =	slt.s32 @p2 s28, $0x1;
	p1 =	sne.s32 @p2 s28, s29  }
0x5a: {  	v34 =	vadd.s32 @p3 v20, v35;
	v36 =	vadd.s32 @p3 v7, v35;
	p1 =	por @p2 !p5, !p1  }
0x5b: {  	v37 =	vadd.s32 @p3 v8, v35;
	v38 =	vadd.s32 @p3 v9, v35;
	vm2 =	vgt.s32 @p3 v34, $0x0;
	p1 =	por @p2 !p1, !p1  }
0x5c: {  	s0 =	simm.s32 @p2 $0x1;
	v39 =	vadd.s32 @p3 v10, v35;
	vm3 =	vgt.s32 @p3 v36, $0x0;
	v34 =	vnsel @p3 vm2, $0x0, v34;
	p1 =	por !p1, !p2  }
0x5d: {  	s30 =	sshrl.u32 @p2 s28, $0x3;
	vm2 =	vlt.s32 @p3 v20, s25;
	v36 =	vnsel @p3 vm3, $0x0, v36;
	v34 =	vmin.u32 @p3 v34, $0x1FFF;
	s0 =	simm.s32 @p1 $0x0  }
0x5e: {  	v36 =	vmin.u32 @p3 v36, $0x1FFF;
	v34 =	vnsel @p3 vm2, $0x0, v34;
	vm2 =	vlt.s32 @p3 v7, s25;
	s0 =	ssub.s32 @p2 s30, s0  }
0x5f: {  	v40 =	vadd.s32 @p3 v11, v35;
	v36 =	vnsel @p3 vm2, $0x0, v36;
	vm2 =	vgt.s32 @p3 v37, $0x0;
	s0 =	sshll.u32 @p2 s0, $0xA  }
0x60: {  	vm4 =	vgt.s32 @p3 v39, $0x0;
	v37 =	vnsel @p3 vm2, $0x0, v37;
	vm2 =	vgt.s32 @p3 v38, $0x0;
	s0 =	sadd.s32 @p2 s0, s8  }
0x61: {  	vm3 =	vlt.s32 @p3 v8, s25;
	v39 =	vnsel @p3 vm4, $0x0, v39;
	v38 =	vnsel @p3 vm2, $0x0, v38;
	s0 =	sshrl.u32 @p2 s0, $0x3  }
0x62: {  	s31 =	simm.s32 @p2 $0x4280;
	v39 =	vmin.u32 @p3 v39, $0x1FFF;
	s30 =	simm.s32 @p2 $0x0;
	vm2 =	vlt.s32 @p3 v9, s25;
	v38 =	vmin.u32 @p3 v38, $0x1FFF;
	s0 =	sadd.s32 @p2 s1, s0  }
0x63: {  	v37 =	vmin.u32 @p3 v37, $0x1FFF;
	v38 =	vnsel @p3 vm2, $0x0, v38;
	vm2 =	vlt.s32 @p3 v10, s25;
	[tilespmem:s31], [sflag:$0x2] =	stream.linear.gather @p2 [hbm4b:s0+s30], $0x4000, $0x38;
	[tilespmem:$0x14280] =	vst v63  }
0x64: {  	p1 =	sgt.s32 s24, $0x17F;
	v37 =	vnsel @p3 vm3, $0x0, v37;
	vm3 =	vlt.s32 @p3 v11, s25;
	[tilespmem:$0x100] =	vst @p3 v34;
	v34 =	vnsel @p3 vm2, $0x0, v39  }
0x65: {  	s0 =	simm.s32 @!p1 $0x0;
	vm2 =	vgt.s32 @p3 v40, $0x0;
	v39 =	vadd.s32 @p3 v12, v35;
	[tilespmem:$0x110] =	vst @p3 v36;
	v35 =	vadd.s32 @p3 v13, v35  }
0x66: {  	p5 =	sgt.s32 s24, $0x100;
	s0 =	simm.s32 @p1 $0x1;
	p1 =	por !p1, !p4;
	[tilespmem:$0x120] =	vst @p3 v37;
	v36 =	vnsel @p3 vm2, $0x0, v40;
	vm2 =	vgt.s32 @p3 v39, $0x0;
	vm4 =	vgt.s32 @p3 v35, $0x0  }
0x67: {  	[tilespmem:$0x130] =	vst @p3 v38;
	[smem:$0x7FA] =	sst s0;
	p2 =	por !p1, !p1;
	s0 =	simm.s32 @!p5 $0x0;
	v36 =	vmin.u32 @p3 v36, $0x1FFF;
	v37 =	vnsel @p3 vm2, $0x0, v39;
	vm2 =	vlt.s32 @p3 v12, s25  }
0x68: {  	[tilespmem:$0x140] =	vst @p3 v34;
	p1 =	por !p2, !p2;
	v35 =	vnsel @p3 vm4, $0x0, v35;
	s0 =	simm.s32 @p5 $0x1;
	v37 =	vmin.u32 @p3 v37, $0x1FFF;
	v34 =	vnsel @p3 vm3, $0x0, v36  }
0x69: {  	p6 =	slt.s32 @p2 s28, $0x1;
	p1 =	por @!p5 p2, p2;
	p5 =	sne.s32 @p2 s28, s29;
	v36 =	vnsel @p3 vm2, $0x0, v37;
	[tilespmem:$0x150] =	vst @p3 v34;
	vm2 =	vlt.s32 @p3 v13, s25;
	v34 =	vmin.u32 @p3 v35, $0x1FFF  }
0x6a: {  	s30 =	simm.s32 @p3 $0x100;
	s31 =	simm.s32 @p3 $0x4280;
	v35 =	vbroadcast @p1 v33, $0xF;
	p5 =	por @p2 !p6, !p5;
	[tilespmem:$0x160] =	vst @p3 v36;
	v34 =	vnsel @p3 vm2, $0x0, v34  }
0x6b: {  	[smem:$0x7FB] =	sst s0;
	s0 =	simm.s32 @p3 $0x80;
	p5 =	por @p2 !p5, !p5;
	[tilespmem:$0x170] =	vst @p3 v34  }
0x6c: {  	v34 =	vadd.s32 @p1 v21, v35;
	v36 =	vadd.s32 @p1 v14, v35;
	v37 =	vadd.s32 @p1 v15, v35;
	[tilespmem:s31], [sflag:$0x2] =	stream.indirect.gather @p3 [hbm4b:s1+s0], $0x80, s30, s0, $0xb8;
	[tilespmem:$0x14280] =	vst v63  }
0x6d: {  	p5 =	por !p5, !p2;
	v38 =	vadd.s32 @p1 v16, v35;
	v39 =	vadd.s32 @p1 v17, v35;
	vm2 =	vgt.s32 @p1 v34, $0x0;
	s0 =	simm.s32 @p2 $0x1  }
0x6e: {  	v40 =	vadd.s32 @p1 v18, v35;
	vm3 =	vgt.s32 @p1 v36, $0x0;
	s30 =	sshrl.u32 @p2 s28, $0x3;
	v34 =	vnsel @p1 vm2, $0x0, v34;
	s0 =	simm.s32 @p5 $0x0  }
0x6f: {  	vm2 =	vlt.s32 @p1 v21, s25;
	v36 =	vnsel @p1 vm3, $0x0, v36;
	v34 =	vmin.u32 @p1 v34, $0x1FFF;
	s0 =	ssub.s32 @p2 s30, s0  }
0x70: {  	v36 =	vmin.u32 @p1 v36, $0x1FFF;
	v34 =	vnsel @p1 vm2, $0x0, v34;
	vm2 =	vlt.s32 @p1 v14, s25;
	s0 =	sshll.u32 @p2 s0, $0xA  }
0x71: {  	v41 =	vadd.s32 @p1 v19, v35;
	v36 =	vnsel @p1 vm2, $0x0, v36;
	vm2 =	vgt.s32 @p1 v37, $0x0;
	s0 =	sadd.s32 @p2 s0, s9  }
0x72: {  	p6 =	por !p0, !p4;
	v35 =	vadd.s32 @p1 v22, v35;
	v37 =	vnsel @p1 vm2, $0x0, v37;
	vm2 =	vgt.s32 @p1 v38, $0x0;
	s0 =	sshrl.u32 @p2 s0, $0x3  }
0x73: {  	s31 =	simm.s32 @p2 $0x8280;
	vm4 =	vgt.s32 @p1 v39, $0x0;
	vm3 =	vlt.s32 @p1 v15, s25;
	s30 =	simm.s32 @p2 $0x0;
	v38 =	vnsel @p1 vm2, $0x0, v38;
	s0 =	sadd.s32 @p2 s1, s0  }
0x74: {  	v39 =	vnsel @p1 vm4, $0x0, v39;
	vm2 =	vlt.s32 @p1 v16, s25;
	v38 =	vmin.u32 @p1 v38, $0x1FFF;
	[tilespmem:s31], [sflag:$0x3] =	stream.linear.gather @p2 [hbm4b:s0+s30], $0x4000, $0x38;
	[tilespmem:$0x14280] =	vst v63  }
0x75: {  	v39 =	vmin.u32 @p1 v39, $0x1FFF;
	p2 =	por !p6, !p6;
	v38 =	vnsel @p1 vm2, $0x0, v38;
	vm2 =	vlt.s32 @p1 v17, s25  }
0x76: {  	p4 =	sgt.s32 s24, $0x180;
	v37 =	vmin.u32 @p1 v37, $0x1FFF;
	p5 =	por !p2, !p2;
	v39 =	vnsel @p1 vm2, $0x0, v39;
	vm2 =	vgt.s32 @p1 v40, $0x0  }
0x77: {  	v37 =	vnsel @p1 vm3, $0x0, v37;
	[tilespmem:$0x180] =	vst @p1 v34;
	p5 =	por @!p4 p2, p2;
	v34 =	vnsel @p1 vm2, $0x0, v40;
	vm2 =	vgt.s32 @p1 v41, $0x0  }
0x78: {  	vm3 =	vlt.s32 @p1 v18, s25;
	[tilespmem:$0x190] =	vst @p1 v36;
	v33 =	vbroadcast @p5 v33, $0xF;
	v36 =	vnsel @p1 vm2, $0x0, v41  }
0x79: {  	s0 =	simm.s32 @!p4 $0x0;
	[tilespmem:$0x1A0] =	vst @p1 v37;
	v34 =	vmin.u32 @p1 v34, $0x1FFF;
	vm2 =	vlt.s32 @p1 v19, s25;
	v36 =	vmin.u32 @p1 v36, $0x1FFF  }
0x7a: {  	s0 =	simm.s32 @p4 $0x1;
	p6 =	sne.s32 @p2 s28, s29;
	p4 =	slt.s32 @p2 s28, $0x1;
	[tilespmem:$0x1B0] =	vst @p1 v38;
	v34 =	vnsel @p1 vm3, $0x0, v34;
	vm3 =	vlt.s32 @p1 v22, s25;
	v37 =	vadd.s32 @p5 v23, v33  }
0x7b: {  	p4 =	por @p2 !p4, !p6;
	[tilespmem:$0x1C0] =	vst @p1 v39;
	v38 =	vadd.s32 @p5 v28, v33;
	v36 =	vnsel @p1 vm2, $0x0, v36;
	vm2 =	vgt.s32 @p1 v35, $0x0  }
0x7c: {  	p4 =	por @p2 !p4, !p4;
	v39 =	vadd.s32 @p5 v29, v33;
	[tilespmem:$0x1D0] =	vst @p1 v34;
	v35 =	vnsel @p1 vm2, $0x0, v35;
	vm2 =	vgt.s32 @p5 v37, $0x0  }
0x7d: {  	[smem:$0x7FC] =	sst s0;
	s0 =	simm.s32 @p2 $0x1;
	p4 =	por !p4, !p2;
	[tilespmem:$0x1E0] =	vst @p1 v36;
	v34 =	vmin.u32 @p1 v35, $0x1FFF;
	v35 =	vadd.s32 @p5 v25, v33;
	v36 =	vnsel @p5 vm2, $0x0, v37  }
0x7e: {  	s26 =	sshra.s32 s26, $0x3;
	s0 =	simm.s32 @p4 $0x0;
	v37 =	vadd.s32 @p5 v27, v33;
	v34 =	vnsel @p1 vm3, $0x0, v34;
	vm2 =	vgt.s32 @p5 v35, $0x0  }
0x7f: {  	s0 =	ssub.s32 @p2 s26, s0;
	vm3 =	vlt.s32 @p5 v23, s25;
	[tilespmem:$0x1F0] =	vst @p1 v34;
	v34 =	vmin.u32 @p5 v36, $0x1FFF;
	v35 =	vnsel @p5 vm2, $0x0, v35  }
0x80: {  	s0 =	sshll.u32 @p2 s0, $0xA;
	vm2 =	vlt.s32 @p5 v25, s25;
	v36 =	vadd.s32 @p5 v26, v33;
	v35 =	vmin.u32 @p5 v35, $0x1FFF  }
0x81: {  	s30 =	simm.s32 @p1 $0x8280;
	s0 =	sadd.s32 @p2 s0, s10;
	v34 =	vnsel @p5 vm3, $0x0, v34;
	v35 =	vnsel @p5 vm2, $0x0, v35;
	vm2 =	vgt.s32 @p5 v36, $0x0  }
0x82: {  	s29 =	simm.s32 @p1 $0x180;
	s28 =	simm.s32 @p1 $0x80;
	s0 =	sshrl.u32 @p2 s0, $0x3;
	vm3 =	vlt.s32 @p5 v26, s25;
	v36 =	vnsel @p5 vm2, $0x0, v36;
	vm2 =	vgt.s32 @p5 v37, $0x0  }
0x83: {  	[tilespmem:s30], [sflag:$0x3] =	stream.indirect.gather @p1 [hbm4b:s1+s28], $0x80, s29, s28, $0xb8;
	v36 =	vmin.u32 @p5 v36, $0x1FFF;
	v37 =	vnsel @p5 vm2, $0x0, v37;
	vm2 =	vgt.s32 @p5 v38, $0x0;
	[tilespmem:$0x14280] =	vst v63  }
0x84: {  	s26 =	simm.s32 @p2 $0x0;
	s0 =	sadd.s32 @p2 s1, s0;
	s28 =	simm.s32 @p2 $0xC280;
	v36 =	vnsel @p5 vm3, $0x0, v36;
	vm3 =	vlt.s32 @p5 v27, s25;
	v38 =	vnsel @p5 vm2, $0x0, v38  }
0x85: {  	[tilespmem:s28], [sflag:$0x4] =	stream.linear.gather @p2 [hbm4b:s0+s26], $0x4000, $0x38;
	v37 =	vmin.u32 @p5 v37, $0x1FFF;
	vm2 =	vlt.s32 @p5 v28, s25;
	v38 =	vmin.u32 @p5 v38, $0x1FFF;
	[tilespmem:$0x14280] =	vst v63  }
0x86: {  	[tilespmem:$0x200] =	vst @p5 v34;
	v34 =	vnsel @p5 vm3, $0x0, v37;
	v37 =	vnsel @p5 vm2, $0x0, v38;
	vm2 =	vgt.s32 @p5 v39, $0x0  }
0x87: {  	[tilespmem:$0x210] =	vst @p5 v35;
	vm3 =	vlt.s32 @p5 v29, s25;
	v38 =	vadd.s32 @p5 v30, v33;
	v35 =	vnsel @p5 vm2, $0x0, v39  }
0x88: {  	[tilespmem:$0x220] =	vst @p5 v36;
	v33 =	vadd.s32 @p5 v31, v33;
	vm2 =	vgt.s32 @p5 v38, $0x0;
	v35 =	vmin.u32 @p5 v35, $0x1FFF  }
0x89: {  	[tilespmem:$0x230] =	vst @p5 v34;
	v34 =	vnsel @p5 vm3, $0x0, v35;
	v35 =	vnsel @p5 vm2, $0x0, v38;
	vm2 =	vgt.s32 @p5 v33, $0x0  }
0x8a: {  	[tilespmem:$0x240] =	vst @p5 v37;
	vm3 =	vlt.s32 @p5 v30, s25;
	v35 =	vmin.u32 @p5 v35, $0x1FFF;
	v33 =	vnsel @p5 vm2, $0x0, v33  }
0x8b: {  	[tilespmem:$0x250] =	vst @p5 v34;
	vm2 =	vlt.s32 @p5 v31, s25;
	v34 =	vnsel @p5 vm3, $0x0, v35;
	v33 =	vmin.u32 @p5 v33, $0x1FFF  }
0x8c: {  	[tilespmem:$0x260] =	vst @p5 v34;
	v33 =	vnsel @p5 vm2, $0x0, v33  }
0x8d: {  	s0 =	simm.s32 @p5 $0x80;
	s26 =	simm.s32 @p5 $0xC280;
	s25 =	simm.s32 @p5 $0x200;
	[tilespmem:$0x270] =	vst @p5 v33  }
0x8e: {  	[tilespmem:s26], [sflag:$0x4] =	stream.indirect.gather @p5 [hbm4b:s1+s0], $0x80, s25, s0, $0xb8;
	[tilespmem:$0x14280] =	vst v63  }
0x8f: {  	s0 =	simm.s32 @!p0 $0x5  }
0x90: {  	p2 =	slt.s32 @!p0 s24, $0x1;
	_ =	swait.ge @!p0 [sflag:s0], $0x4000  }
0x91: {  	p2 =	por p0, !p2;
	s31 =	sld [smem:$0x7FD]  }
.Ltmp2:
0x92: {  	_ = 	snop;
	(pc) =	sbr.rel @!p2 .LBB2_31-.Ltmp2, $4  }
0x93: {  	_ = 	snop  }
0x94: {  	s26 =	smov.u32 s24;
	p4 =	seq.s32 s31, $0x1  }
0x95: {  	[sflag:s0] =	ssyncset.done @!p0 $0x0;
	s26 =	simm.s32 @!p4 $0x0  }
0x96: {  	[sflag:s0] =	ssyncadd.s32 @!p0 $0xFFFFC000;
	s25 =	smin.u32 s26, $0x200  }
0x97: {  	_ =	swait.ge [sflag:s17], $0x4000  }
0x98: {  	s0 =	sld [smem:$0x7F7];
	_ =	sdelay $0x2  }
0x99: {  	p2 =	seq.s32 s0, $0x1  }
.Ltmp3:
0x9a: {  	_ = 	snop;
	(pc) =	sbr.rel @p2 .LBB2_6-.Ltmp3, $3  }
0x9b: {  	_ =	sdelay $0x1  }
0x9c: {  	[sflag:s17] =	ssyncset.done $0x0  }
0x9d: {  	[sflag:s17] =	ssyncadd.s32 $0xFFFFC000  }
0x9e: {  	s0 =	sshll.u32 s25, $0x9  }
0x9f: {  	p2 =	seq.s32 s0, $0xFE00  }
.Ltmp4:
0xa0: {  	_ = 	snop;
	(pc) =	sbr.rel @p2 .LBB2_5-.Ltmp4, $2  }
0xa1: {  	_ =	sdelay $0x2  }
0xa2: {  	s28 =	sshra.s32 s0, $0x2;
	s29 =	sadd.s32 $0x200, s0  }
.LBB2_4:
0xa3: {  	p2 =	seq.s32 s29, $0xFE00;
	[tilespmem:s28+$0x2F0] =	vst v32  }
0xa4: {  	[tilespmem:s28+$0x280] =	vst v32  }
0xa5: {  	[tilespmem:s28+$0x290] =	vst v32  }
.Ltmp5:
0xa6: {  	[tilespmem:s28+$0x2A0] =	vst v32;
	(pc) =	sbr.rel @!p2 .LBB2_4-.Ltmp5, $4  }
0xa7: {  	[tilespmem:s28+$0x2B0] =	vst v32  }
0xa8: {  	[tilespmem:s28+$0x2C0] =	vst v32  }
0xa9: {  	[tilespmem:s28+$0x2D0] =	vst v32  }
0xaa: {  	[tilespmem:s28+$0x2E0] =	vst v32;
	s28 =	sshra.s32 s29, $0x2;
	s29 =	sadd.s32 $0x200, s29  }
.LBB2_5:
0xab: {  	[tilespmem:s28+$0x2F0] =	vst v32  }
0xac: {  	[tilespmem:s28+$0x280] =	vst v32  }
0xad: {  	[tilespmem:s28+$0x290] =	vst v32  }
0xae: {  	[tilespmem:s28+$0x2A0] =	vst v32  }
0xaf: {  	[tilespmem:s28+$0x2B0] =	vst v32  }
0xb0: {  	[tilespmem:s28+$0x2C0] =	vst v32  }
0xb1: {  	[tilespmem:s28+$0x2D0] =	vst v32  }
0xb2: {  	[tilespmem:s28+$0x2E0] =	vst v32  }
.LBB2_6:
0xb3: {  	[hbm4b:s11+s3] =	stream.linear.scatter [tilespmem:s18], [sflag:$0x6], $0x4000, $0x38;
	[tilespmem:$0x14280] =	vst v63  }
.Ltmp6:
0xb4: {  	p2 =	slt.s32 s24, $0x81;
	(pc) =	sbr.rel .LBB2_7-.Ltmp6, $4  }
0xb5: {  	s0 =	simm.s32 @!p2 $0x2  }
0xb6: {  	_ =	swait.ge @!p2 [sflag:s0], $0x4000  }
0xb7: {  	[sflag:s0] =	ssyncset.done @!p2 $0x0  }
0xb8: {  	[sflag:s0] =	ssyncadd.s32 @!p2 $0xFFFFC000  }
.LBB2_31:
0xb9: {  	[hbm4b:s11+s3] =	stream.linear.scatter [tilespmem:s19], [sflag:$0x6], $0x4000, $0x38;
	[tilespmem:$0x14280] =	vst v63  }
.LBB2_7:
.Ltmp7:
0xba: {  	(pc) =	sbr.rel @!p3 .LBB2_12-.Ltmp7, $1  }
0xbb: {  	_ =	sdelay $0x3  }
0xbc: {  	s0 =	sld [smem:$0x7F8];
	_ =	sdelay $0x2  }
0xbd: {  	p2 =	seq.s32 s0, $0x1  }
.Ltmp8:
0xbe: {  	_ = 	snop;
	(pc) =	sbr.rel @p2 .LBB2_14-.Ltmp8, $1  }
0xbf: {  	_ =	sdelay $0x3  }
0xc0: {  	s0 =	smin.u32 s26, $0x80  }
0xc1: {  	s28 =	sshll.u32 s25, $0x9;
	s29 =	sshll.u32 s0, $0x9  }
0xc2: {  	s28 =	ssub.s32 s28, s29  }
0xc3: {  	s0 =	sxor.u32 $0xFFFFFFFF, s0;
	s28 =	sshra.s32 s28, $0x2  }
0xc4: {  	s0 =	sadd.s32 s25, s0;
	s28 =	sadd.s32 $0x4280, s28  }
0xc5: {  	s29 =	sadd.s32 $0x1, s0;
	[tilespmem:s28+$0x0] =	vst v32  }
0xc6: {  	p2 =	slt.u32 s29, $0x7F;
	[tilespmem:s28+$0x70] =	vst v32  }
.Ltmp9:
0xc7: {  	[tilespmem:s28+$0x60] =	vst v32;
	(pc) =	sbr.rel @!p2 .LBB2_11-.Ltmp9, $4  }
0xc8: {  	[tilespmem:s28+$0x50] =	vst v32  }
0xc9: {  	[tilespmem:s28+$0x40] =	vst v32  }
0xca: {  	[tilespmem:s28+$0x30] =	vst v32  }
0xcb: {  	[tilespmem:s28+$0x20] =	vst v32  }
.LBB2_10:
0xcc: {  	s29 =	sadd.s32 $0x1, s29;
	[tilespmem:s28+$0x10] =	vst v32;
	s28 =	sadd.s32 $0x80, s28  }
0xcd: {  	[tilespmem:s28+$0x0] =	vst v32;
	p2 =	slt.u32 s29, $0x7F  }
0xce: {  	[tilespmem:s28+$0x70] =	vst v32  }
.Ltmp10:
0xcf: {  	[tilespmem:s28+$0x60] =	vst v32;
	(pc) =	sbr.rel @p2 .LBB2_10-.Ltmp10, $4  }
0xd0: {  	[tilespmem:s28+$0x50] =	vst v32  }
0xd1: {  	[tilespmem:s28+$0x40] =	vst v32  }
0xd2: {  	[tilespmem:s28+$0x30] =	vst v32  }
0xd3: {  	[tilespmem:s28+$0x20] =	vst v32  }
.LBB2_11:
0xd4: {  	[tilespmem:s28+$0x10] =	vst v32  }
.LBB2_12:
0xd5: {  	s0 =	sld [smem:$0x7F9];
	_ =	sdelay $0x2  }
0xd6: {  	p2 =	seq.s32 s0, $0x1  }
.Ltmp11:
0xd7: {  	_ = 	snop;
	(pc) =	sbr.rel @!p2 .LBB2_13-.Ltmp11, $1  }
0xd8: {  	_ =	sdelay $0x3  }
.LBB2_14:
0xd9: {  	[hbm4b:s12+s3] =	stream.linear.scatter [tilespmem:s20], [sflag:$0x6], $0x4000, $0x38;
	[tilespmem:$0x14280] =	vst v63  }
.Ltmp12:
0xda: {  	p2 =	slt.s32 s24, $0x101;
	(pc) =	sbr.rel .LBB2_15-.Ltmp12, $4  }
0xdb: {  	s0 =	simm.s32 @!p2 $0x3  }
0xdc: {  	_ =	swait.ge @!p2 [sflag:s0], $0x4000  }
0xdd: {  	[sflag:s0] =	ssyncset.done @!p2 $0x0  }
0xde: {  	[sflag:s0] =	ssyncadd.s32 @!p2 $0xFFFFC000  }
.LBB2_13:
0xdf: {  	[hbm4b:s12+s3] =	stream.linear.scatter [tilespmem:s19], [sflag:$0x6], $0x4000, $0x38;
	[tilespmem:$0x14280] =	vst v63  }
.LBB2_15:
.Ltmp13:
0xe0: {  	(pc) =	sbr.rel @!p1 .LBB2_20-.Ltmp13, $1  }
0xe1: {  	_ =	sdelay $0x3  }
0xe2: {  	s0 =	sld [smem:$0x7FA];
	_ =	sdelay $0x2  }
0xe3: {  	p1 =	seq.s32 s0, $0x1  }
.Ltmp14:
0xe4: {  	_ = 	snop;
	(pc) =	sbr.rel @p1 .LBB2_22-.Ltmp14, $1  }
0xe5: {  	_ =	sdelay $0x3  }
0xe6: {  	s0 =	smin.u32 s26, $0x100  }
0xe7: {  	s28 =	sshll.u32 s25, $0x9;
	s29 =	sshll.u32 s0, $0x9  }
0xe8: {  	s28 =	ssub.s32 s28, s29  }
0xe9: {  	s0 =	sxor.u32 $0xFFFFFFFF, s0;
	s28 =	sshra.s32 s28, $0x2  }
0xea: {  	s0 =	sadd.s32 s25, s0;
	s28 =	sadd.s32 $0x8280, s28  }
0xeb: {  	s29 =	sadd.s32 $0x1, s0;
	[tilespmem:s28+$0x0] =	vst v32  }
0xec: {  	p1 =	slt.u32 s29, $0x7F;
	[tilespmem:s28+$0x70] =	vst v32  }
.Ltmp15:
0xed: {  	[tilespmem:s28+$0x60] =	vst v32;
	(pc) =	sbr.rel @!p1 .LBB2_19-.Ltmp15, $4  }
0xee: {  	[tilespmem:s28+$0x50] =	vst v32  }
0xef: {  	[tilespmem:s28+$0x40] =	vst v32  }
0xf0: {  	[tilespmem:s28+$0x30] =	vst v32  }
0xf1: {  	[tilespmem:s28+$0x20] =	vst v32  }
.LBB2_18:
0xf2: {  	s29 =	sadd.s32 $0x1, s29;
	[tilespmem:s28+$0x10] =	vst v32;
	s28 =	sadd.s32 $0x80, s28  }
0xf3: {  	[tilespmem:s28+$0x0] =	vst v32;
	p1 =	slt.u32 s29, $0x7F  }
0xf4: {  	[tilespmem:s28+$0x70] =	vst v32  }
.Ltmp16:
0xf5: {  	[tilespmem:s28+$0x60] =	vst v32;
	(pc) =	sbr.rel @p1 .LBB2_18-.Ltmp16, $4  }
0xf6: {  	[tilespmem:s28+$0x50] =	vst v32  }
0xf7: {  	[tilespmem:s28+$0x40] =	vst v32  }
0xf8: {  	[tilespmem:s28+$0x30] =	vst v32  }
0xf9: {  	[tilespmem:s28+$0x20] =	vst v32  }
.LBB2_19:
0xfa: {  	[tilespmem:s28+$0x10] =	vst v32  }
.LBB2_20:
0xfb: {  	s0 =	sld [smem:$0x7FB];
	_ =	sdelay $0x2  }
0xfc: {  	p1 =	seq.s32 s0, $0x1  }
.Ltmp17:
0xfd: {  	_ = 	snop;
	(pc) =	sbr.rel @!p1 .LBB2_21-.Ltmp17, $1  }
0xfe: {  	_ =	sdelay $0x3  }
.LBB2_22:
0xff: {  	[hbm4b:s13+s3] =	stream.linear.scatter [tilespmem:s21], [sflag:$0x6], $0x4000, $0x38;
	[tilespmem:$0x14280] =	vst v63  }
.Ltmp18:
0x100: {  	p1 =	slt.s32 s24, $0x181;
	(pc) =	sbr.rel .LBB2_23-.Ltmp18, $4  }
0x101: {  	s0 =	simm.s32 @!p1 $0x4  }
0x102: {  	_ =	swait.ge @!p1 [sflag:s0], $0x4000  }
0x103: {  	[sflag:s0] =	ssyncset.done @!p1 $0x0  }
0x104: {  	[sflag:s0] =	ssyncadd.s32 @!p1 $0xFFFFC000  }
.LBB2_21:
0x105: {  	[hbm4b:s13+s3] =	stream.linear.scatter [tilespmem:s19], [sflag:$0x6], $0x4000, $0x38;
	[tilespmem:$0x14280] =	vst v63  }
.LBB2_23:
.Ltmp19:
0x106: {  	(pc) =	sbr.rel @!p5 .LBB2_28-.Ltmp19, $1  }
0x107: {  	_ =	sdelay $0x3  }
.Ltmp20:
0x108: {  	(pc) =	sbr.rel @p0 .LBB2_29-.Ltmp20, $2  }
0x109: {  	_ =	sdelay $0x2  }
0x10a: {  	s24 =	simm.s32 $0xC280  }
0x10b: {  	s0 =	smin.u32 s26, $0x180  }
0x10c: {  	s24 =	sshll.u32 s25, $0x9;
	s26 =	sshll.u32 s0, $0x9  }
0x10d: {  	s24 =	ssub.s32 s24, s26  }
0x10e: {  	s0 =	sxor.u32 $0xFFFFFFFF, s0;
	s24 =	sshra.s32 s24, $0x2  }
0x10f: {  	s0 =	sadd.s32 s25, s0;
	s24 =	sadd.s32 $0xC280, s24  }
0x110: {  	s25 =	sadd.s32 $0x1, s0;
	[tilespmem:s24+$0x0] =	vst v32  }
0x111: {  	p0 =	slt.u32 s25, $0x7F;
	[tilespmem:s24+$0x70] =	vst v32  }
.Ltmp21:
0x112: {  	[tilespmem:s24+$0x60] =	vst v32;
	(pc) =	sbr.rel @!p0 .LBB2_27-.Ltmp21, $4  }
0x113: {  	[tilespmem:s24+$0x50] =	vst v32  }
0x114: {  	[tilespmem:s24+$0x40] =	vst v32  }
0x115: {  	[tilespmem:s24+$0x30] =	vst v32  }
0x116: {  	[tilespmem:s24+$0x20] =	vst v32  }
.LBB2_26:
0x117: {  	s25 =	sadd.s32 $0x1, s25;
	[tilespmem:s24+$0x10] =	vst v32;
	s24 =	sadd.s32 $0x80, s24  }
0x118: {  	[tilespmem:s24+$0x0] =	vst v32;
	p0 =	slt.u32 s25, $0x7F  }
0x119: {  	[tilespmem:s24+$0x70] =	vst v32  }
.Ltmp22:
0x11a: {  	[tilespmem:s24+$0x60] =	vst v32;
	(pc) =	sbr.rel @p0 .LBB2_26-.Ltmp22, $4  }
0x11b: {  	[tilespmem:s24+$0x50] =	vst v32  }
0x11c: {  	[tilespmem:s24+$0x40] =	vst v32  }
0x11d: {  	[tilespmem:s24+$0x30] =	vst v32  }
0x11e: {  	[tilespmem:s24+$0x20] =	vst v32  }
.Ltmp23:
0x11f: {  	_ = 	snop;
	(pc) =	sbr.rel .LBB2_27-.Ltmp23, $1  }
0x120: {  	_ =	sdelay $0x3  }
.LBB2_30:
0x121: {  	_ =	sfence.sel $0x180000  }
0x122: {  	[bflag:$0x0] =	sbarrier.arrive $0xFFFF  }
0x123: {  	_ =	strace $0x90000047  }
0x124: {  	[bflag:$0x2] =	sbarrier.arrive $0xFFFF  }
0x125: {  	p0 =	sne.s32 s2, $0x0;
	s0 =	rddreg [dreg:$0x3]  }
0x126: {  	s0 =	sadd.s32 @!p0 $0x100000, s0  }
0x127: {  	[sflag:s0] =	ssyncadd.tile.s32 @!p0 $0x1;
	_ =	shalt  }
.Lfunc_end2:
_tile_overlayer_lowered:
.L_overlay_start_2:
0x128: {  	(tag) =	ssettag $0x2  }
0x129: {  	s0 =	rddreg [dreg:$0x0];
	s2 =	stileid.u32  }
0x12a: {  	s1 =	rddreg [dreg:$0x1];
	p0 =	sne.s32 s2, $0x0  }
0x12b: {  	s3 =	rddreg [dreg:$0x2];
	[bflag:$0x3] =	sbarrier.arrive $0xFFFF;
	s2 =	simm.s32 @!p0 $0x1C07  }
0x12c: {  	[timem:s3], [sflag:s2] =	dma.local @!p0 [hbm:s0], s1  }
0x12d: {  	s0 =	simm.s32 @!p0 $0x7  }
0x12e: {  	_ =	swait.ge @!p0 [sflag:s0], s1  }
0x12f: {  	s1 =	ssub.s32 @!p0 $0x0, s1;
	[sflag:s0] =	ssyncset.done @!p0 $0x0  }
0x130: {  	[sflag:s0] =	ssyncadd.s32 @!p0 s1  }
0x131: {  	[bflag:$0x3] =	sbarrier.arrive $0xFFFF  }
0x132: {  	_ =	shalt  }

</sc_bundles>
